<compile_context>
chip_gen: v7x
topology: tpu7x:2x2x1
jax: 0.10.2.dev20260603
libtpu: 0.0.44.dev20260713+nightly
codegen_flags: <defaults>
</compile_context>

<pallas_src>
import functools

import jax
import jax.numpy as jnp
import numpy as np
from jax import lax
from jax.experimental import pallas as pl
from jax.experimental.pallas import tpu as pltpu
from jax.experimental.pallas import tpu_sc as plsc

_N = 4096
_NCELL = 512
_M = 32
_NNB = 27
_ROW = 896
_REAL = 864
_BA = 256


def _static_tables():
    mesh_args = [np.arange(0.0, 8.0, 1.0, dtype=np.float32) for _ in range(3)]
    cells = np.stack(np.meshgrid(*mesh_args), axis=-1).reshape(-1, 3)
    d_cc = ((cells[:, None, :] - cells[None, :, :]) ** 2).sum(-1)
    nc = np.argsort(d_cc, axis=1, kind="stable")[:, :_NNB].astype(np.int32)
    p = np.arange(_REAL)
    src = np.zeros((_NCELL, _ROW), np.int32)
    src[:, :_REAL] = nc[:, p // _M] * _M + (p % _M)[None, :]
    return src.reshape(-1)


_SRC_PAD = _static_tables()


def _k0_body(x0_ref, x1_ref, x2_ref, out_ref):
    c = lax.broadcasted_iota(jnp.int32, (1, _NCELL), 1)
    cx = ((c // 8) % 8).astype(jnp.float32)
    cy = (c // 64).astype(jnp.float32)
    cz = (c % 8).astype(jnp.float32)
    d = ((x0_ref[:, :] - cx) ** 2 + (x1_ref[:, :] - cy) ** 2) \
        + (x2_ref[:, :] - cz) ** 2
    m = jnp.min(d, axis=1, keepdims=True)
    sel = jnp.min(jnp.where(d == m, c, 99999), axis=1, keepdims=True)
    out_ref[:, :] = sel


def _run_k0(xc0, xc1, xc2):
    bs = pl.BlockSpec((_BA, 1), lambda i: (i, 0))
    return pl.pallas_call(
        _k0_body,
        grid=(_N // _BA,),
        in_specs=[bs, bs, bs],
        out_specs=pl.BlockSpec((_BA, 1), lambda i: (i, 0)),
        out_shape=jax.ShapeDtypeStruct((_N, 1), jnp.int32),
    )(xc0, xc1, xc2)


def _k1_body(xr0_ref, xr1_ref, xr2_ref, out_ref):
    pid = pl.program_id(0)
    cidx = pid * 64 + lax.broadcasted_iota(jnp.int32, (64, 1), 0)
    cx = ((cidx // 8) % 8).astype(jnp.float32)
    cy = (cidx // 64).astype(jnp.float32)
    cz = (cidx % 8).astype(jnp.float32)
    d = ((xr0_ref[:, :] - cx) ** 2 + (xr1_ref[:, :] - cy) ** 2) \
        + (xr2_ref[:, :] - cz) ** 2
    lane = lax.broadcasted_iota(jnp.int32, (1, _N), 1)
    for k in range(_M):
        m = jnp.min(d, axis=1, keepdims=True)
        idx = jnp.min(jnp.where(d == m, lane, 999999), axis=1, keepdims=True)
        out_ref[:, k:k + 1] = idx
        d = jnp.where(lane == idx, jnp.inf, d)


def _run_k1(xr0, xr1, xr2):
    bs = pl.BlockSpec((1, _N), lambda i: (0, 0))
    return pl.pallas_call(
        _k1_body,
        grid=(_NCELL // 64,),
        in_specs=[bs, bs, bs],
        out_specs=pl.BlockSpec((64, _M), lambda i: (i, 0)),
        out_shape=jax.ShapeDtypeStruct((_NCELL, _M), jnp.int32),
    )(xr0, xr1, xr2)


_TOT = _NCELL * _ROW
_CH = 1792


def _sc_gather_body(src_hbm, ca_hbm, x0_hbm, x1_hbm, x2_hbm,
                    gx_out, gy_out, gz_out,
                    ca_v, x0_v, x1_v, x2_v,
                    src_v, gx_v, gy_v, gz_v, marks):
    info = plsc.get_sparse_core_info()
    nw = info.num_cores * info.num_subcores
    per_w = _TOT // nw
    nsub = per_w // _CH
    wid = lax.axis_index("s") * info.num_cores + lax.axis_index("c")
    pltpu.sync_copy(ca_hbm, ca_v)
    pltpu.sync_copy(x0_hbm, x0_v)
    pltpu.sync_copy(x1_hbm, x1_v)
    pltpu.sync_copy(x2_hbm, x2_v)

    lane = lax.broadcasted_iota(jnp.int32, (16,), 0)

    def initm(j, _):
        marks[pl.ds(j * 16, 16)] = jnp.full((16,), 16 * _NCELL, jnp.int32)
        return 0

    lax.fori_loop(0, _N // 16, initm, 0)

    def subchunk(s, _):
        base = wid * per_w + s * _CH
        pltpu.sync_copy(src_hbm.at[pl.ds(base, _CH)], src_v)

        def body(i, _):
            sl = pl.ds(i * 16, 16)
            pos = base + i * 16
            c = pos // _ROW
            pic = pos % _ROW
            idx = src_v[sl]
            rr = plsc.load_gather(ca_v, [idx])
            cvec = jnp.full((16,), 1, jnp.int32) * c
            premask = jnp.logical_and(lane == 0, pic == 0)
            plsc.store_scatter(marks, [rr], cvec, mask=premask)
            prev = plsc.load_gather(marks, [rr])
            plsc.store_scatter(marks, [rr], cvec)
            invalid = jnp.logical_or(prev == c, pic >= _REAL)
            gxv = plsc.load_gather(x0_v, [rr])
            gx_v[sl] = jnp.where(invalid, gxv + 1000.0, gxv)
            gy_v[sl] = plsc.load_gather(x1_v, [rr])
            gz_v[sl] = plsc.load_gather(x2_v, [rr])
            return 0

        lax.fori_loop(0, _CH // 16, body, 0)
        pltpu.sync_copy(gx_v, gx_out.at[pl.ds(base, _CH)])
        pltpu.sync_copy(gy_v, gy_out.at[pl.ds(base, _CH)])
        pltpu.sync_copy(gz_v, gz_out.at[pl.ds(base, _CH)])
        return 0

    lax.fori_loop(0, nsub, subchunk, 0)


def _run_k2(src, ca_flat, x0, x1, x2):
    f32 = jnp.float32
    k = functools.partial(
        pl.kernel,
        mesh=plsc.VectorSubcoreMesh(core_axis_name="c", subcore_axis_name="s"),
        compiler_params=pltpu.CompilerParams(needs_layout_passes=False),
        out_type=[
            jax.ShapeDtypeStruct((_TOT,), f32),
            jax.ShapeDtypeStruct((_TOT,), f32),
            jax.ShapeDtypeStruct((_TOT,), f32),
        ],
        scratch_types=[
            pltpu.VMEM((_NCELL * _M,), jnp.int32),
            pltpu.VMEM((_N,), f32),
            pltpu.VMEM((_N,), f32),
            pltpu.VMEM((_N,), f32),
            pltpu.VMEM((_CH,), jnp.int32),
            pltpu.VMEM((_CH,), f32),
            pltpu.VMEM((_CH,), f32),
            pltpu.VMEM((_CH,), f32),
            pltpu.VMEM((_N,), jnp.int32),
        ],
    )(_sc_gather_body)
    return k(src, ca_flat, x0, x1, x2)


def _k4_body(cids_ref, gx_ref, gy_ref, gz_ref, xs0_ref, xs1_ref, xs2_ref,
             x0_ref, x1_ref, x2_ref, xl_ref, cw_ref, wv_ref,
             out_ref, ds_ref):
    pid = pl.program_id(0)

    def dist_row(a, _):
        g = pid * _BA + a
        cid = cids_ref[g]
        dx = xs0_ref[0, g] - gx_ref[pl.ds(cid, 1), :]
        dy = xs1_ref[0, g] - gy_ref[pl.ds(cid, 1), :]
        dz = xs2_ref[0, g] - gz_ref[pl.ds(cid, 1), :]
        ds_ref[pl.ds(a, 1), :] = (dx * dx + dy * dy) + dz * dz
        return 0

    lax.fori_loop(0, _BA, dist_row, 0)

    xb, yb, zb = x0_ref[:, :], x1_ref[:, :], x2_ref[:, :]
    d = ds_ref[:, :]

    c0, c1, c2 = cw_ref[0, 0], cw_ref[0, 1], cw_ref[0, 2]
    c3, c4 = cw_ref[0, 3], cw_ref[0, 4]
    w0 = wv_ref[0, 0]

    def f(dd):
        rep = jnp.where(dd < 0.0, dd ** 2, 0.0)
        hyd = jnp.where(dd < 0.5, 1.0, jnp.where(dd < 1.5, 1.5 - dd, 0.0))
        hb = jnp.where(dd < -0.7, 1.0,
                       jnp.where(dd < 0.0, (1.0 / 0.7) * (0.0 - dd), 0.0))
        g1 = jnp.exp(-(dd / 0.5) ** 2)
        g2 = jnp.exp(-((dd - 3.0) / 2.0) ** 2)
        inter = c0 * rep + c1 * hyd + c2 * hb + c3 * g1 + c4 * g2
        return jnp.where(dd < 8.0, inter, 0.0) / (1.0 + w0 * 1.0)

    nv = jnp.sum(jnp.where(d < 192.0, 1.0, 0.0), axis=1, keepdims=True)
    padc = jnp.maximum(0.0, 32.0 - nv)
    xl, yl, zl = xl_ref[0, 0], xl_ref[0, 1], xl_ref[0, 2]
    dl = ((xb - xl) ** 2 + (yb - yl) ** 2) + (zb - zl) ** 2
    total = jnp.sum(padc * f(dl))

    keys = lax.bitcast_convert_type(d, jnp.int32)
    t = jnp.zeros((_BA, 1), jnp.int32)
    for b in range(30, -1, -1):
        cand = t | (1 << b)
        cnt = jnp.sum(jnp.where(keys < cand, 1.0, 0.0), axis=1, keepdims=True)
        t = jnp.where(cnt >= 32.0, t, cand)
    less = keys < t
    cntl = jnp.sum(jnp.where(less, 1.0, 0.0), axis=1, keepdims=True)
    t_f = lax.bitcast_convert_type(t, jnp.float32)
    total = total + jnp.sum(jnp.where(less, f(d), 0.0))
    total = total + jnp.sum((32.0 - cntl) * f(t_f))

    @pl.when(pid == 0)
    def _():
        out_ref[0, 0] = 0.0

    out_ref[0, 0] += total


def _run_k4(cids, gx, gy, gz, xr0, xr1, xr2, xc0, xc1, xc2, xlast, cw, wv):
    full = pl.BlockSpec((_NCELL, _ROW), lambda i, c: (0, 0))
    col = pl.BlockSpec((_BA, 1), lambda i, c: (i, 0))
    smem = pl.BlockSpec(memory_space=pltpu.SMEM)
    grid_spec = pltpu.PrefetchScalarGridSpec(
        num_scalar_prefetch=1,
        grid=(_N // _BA,),
        in_specs=[full, full, full, smem, smem, smem,
                  col, col, col, smem, smem, smem],
        out_specs=pl.BlockSpec(memory_space=pltpu.SMEM),
        scratch_shapes=[pltpu.VMEM((_BA, _ROW), jnp.float32)],
    )
    return pl.pallas_call(
        _k4_body,
        grid_spec=grid_spec,
        out_shape=jax.ShapeDtypeStruct((1, 1), jnp.float32),
    )(cids, gx, gy, gz, xr0, xr1, xr2, xc0, xc1, xc2, xlast, cw, wv)


def kernel(X, Z, combo_w, w):
    X = jnp.asarray(X, jnp.float32)
    x0, x1, x2 = X[:, 0], X[:, 1], X[:, 2]
    xc0, xc1, xc2 = x0[:, None], x1[:, None], x2[:, None]
    xr0, xr1, xr2 = x0[None, :], x1[None, :], x2[None, :]

    cids = _run_k0(xc0, xc1, xc2).reshape(_N)
    closest = _run_k1(xr0, xr1, xr2)
    src = jnp.asarray(_SRC_PAD)
    gxf, gyf, gzf = _run_k2(src, closest.reshape(-1), x0, x1, x2)
    out = _run_k4(
        cids,
        gxf.reshape(_NCELL, _ROW), gyf.reshape(_NCELL, _ROW),
        gzf.reshape(_NCELL, _ROW),
        xr0, xr1, xr2, xc0, xc1, xc2,
        X[_N - 1:_N, :],
        combo_w.reshape(1, 5).astype(jnp.float32),
        w.reshape(1, 1).astype(jnp.float32),
    )
    return out[0, 0]

# --- scband reference (transcript-rebuilt; emitter-appended) ---
"""Pipeline reference for scband-vina-free-energy-29746943492206 (READ-ONLY COPY).

The authoritative reference and input builder live on the scoring server;
editing this copy changes nothing except your own understanding.
"""

import jax, jax.numpy as jnp
import numpy as np

N_ATOMS = 4096
M_NBRS = 32
NDIM = 3
NBR_CUTOFF = 1.0
START = 0.0
STOP = 8.0
NROT = 1


def _get_cells():
    mesh_args = [np.arange(START, STOP, NBR_CUTOFF, dtype=np.float32) for _ in range(NDIM)]
    return np.stack(np.meshgrid(*mesh_args), axis=-1).reshape(-1, NDIM).astype(np.float32)


def compute_nbr_list(X):
    # Faithful (vectorized where possible) port of NeighborList.compute_nbr_list.
    # Integer-valued output; treated as non-differentiable.
    X = jnp.asarray(X, dtype=jnp.float32)
    cells = jnp.asarray(_get_cells())
    # (N_atoms, n_cells) squared dists atom->cell
    d_ac = ((X[:, None, :] - cells[None, :, :]) ** 2).sum(-1)
    # get_cells_for_atoms: closest cell per atom
    cells_for_atoms = jnp.argmin(d_ac, axis=1)
    # get_closest_atoms: M_nbrs closest atoms per cell (top_k of -dist)
    closest_atoms = jnp.argsort(d_ac.T, axis=1, stable=True)[:, :M_NBRS]
    # get_neighbor_cells: 27 closest cells per cell (ndim >= 3)
    d_cc = ((cells[:, None, :] - cells[None, :, :]) ** 2).sum(-1)
    neighbor_cells = jnp.argsort(d_cc, axis=1, stable=True)[:, :27]
    # atoms in neighboring cells: (N_atoms, 27 * M_nbrs)
    atoms_in_nbrs = closest_atoms[neighbor_cells[cells_for_atoms]].reshape(N_ATOMS, -1)
    K = atoms_in_nbrs.shape[1]
    pad_coord = jnp.full((NDIM,), 2.0 * STOP, dtype=jnp.float32)
    positions = jnp.arange(K)

    def per_atom(xi, row):
        # Order-preserving first-occurrence uniqueness (tf.unique semantics),
        # expressed with fixed shapes: stable sort groups equal values with
        # original-index order preserved; adjacent duplicates are flagged and
        # the flags scattered back to original positions.
        perm = jnp.argsort(row, stable=True)
        sv = row[perm]
        dup_sorted = jnp.concatenate(
            [jnp.zeros((1,), dtype=bool), sv[1:] == sv[:-1]])
        first_occ = jnp.zeros((K,), dtype=bool).at[perm].set(~dup_sorted)
        # drop the first unique element (always at original position 0)
        keep = first_occ & (positions > 0)
        dd_real = jnp.sum((xi[None, :] - X[row]) ** 2, axis=1)
        # non-kept entries sort strictly after every real and pad entry:
        # real dists < 3*8^2 = 192 < pad dists, and inf > everything
        dd_real = jnp.where(keep, dd_real, jnp.inf)
        dd_pad = jnp.full((M_NBRS,), jnp.sum((xi - pad_coord) ** 2))
        dd_full = jnp.concatenate([dd_real, dd_pad])
        idx_full = jnp.concatenate(
            [row, -jnp.ones((M_NBRS,), dtype=row.dtype)])
        closest = jnp.argsort(dd_full, stable=True)[:M_NBRS]
        return idx_full[closest].astype(jnp.int32)

    return jax.vmap(per_atom)(X, atoms_in_nbrs)


def _vina_forward(X, Z, combo_w, w, nbr_list):
    # InteratomicL2Distances: squared L2 dists to gathered neighbor coords.
    # Negative (-1) padding indices wrap like tf/np fancy indexing.
    nbr_coords = X[nbr_list]
    dists = jnp.sum((X[:, None, :] - nbr_coords) ** 2, axis=2)
    repulsion = jnp.where(dists < 0.0, dists ** 2, 0.0)
    hydrophobic = jnp.where(dists < 0.5, 1.0, jnp.where(dists < 1.5, 1.5 - dists, 0.0))
    hbond = jnp.where(dists < -0.7, 1.0, jnp.where(dists < 0.0, (1.0 / 0.7) * (0.0 - dists), 0.0))
    gauss_1 = jnp.exp(-(dists / 0.5) ** 2)
    gauss_2 = jnp.exp(-((dists - 3.0) / 2.0) ** 2)
    # WeightedLinearCombo over the 5 interaction terms
    interactions = (combo_w[0] * repulsion + combo_w[1] * hydrophobic + combo_w[2] * hbond
                    + combo_w[3] * gauss_1 + combo_w[4] * gauss_2)
    # cutoff
    thresholded = jnp.where(dists < 8.0, interactions, 0.0)
    # nonlinearity: c / (1 + w * Nrot)
    free_energies = thresholded / (1.0 + w[0] * NROT)
    return jnp.sum(free_energies)


def setup_inputs(seed: int = 0) -> dict:
    key = jax.random.key(seed)
    k1, k2, k3, k4 = jax.random.split(key, 4)
    # coords uniform in the [start, stop) box so the cell grid is populated
    X = jax.random.uniform(k1, (N_ATOMS, NDIM), dtype=jnp.float32) * (STOP - START) + START
    Z = jax.random.normal(k2, (N_ATOMS,), dtype=jnp.float32)
    # learned params: 5 WeightedLinearCombo scalars + Vina nonlinearity weight w
    combo_w = jax.random.normal(k3, (5,), dtype=jnp.float32)
    w = jax.random.normal(k4, (1,), dtype=jnp.float32) * 0.3
    return {"X": X, "Z": Z, "combo_w": combo_w, "w": w}


def reference(X, Z, combo_w, w):
    nbr_list = compute_nbr_list(X)
    return _vina_forward(X, Z, combo_w, w, nbr_list)

if __name__ == "__main__":
    import jax
    _d = setup_inputs()
    print(jax.jit(kernel)(*tuple(_d.values())))

</pallas_src>

<mosaic_0001>
#map = affine_map<(d0, d1) -> (0)>
module attributes {stable_mosaic.version = 14 : i64} {
  func.func @_sc_gather_body(%arg0: i32, %arg1: i32, %arg2: memref<458752xi32, #tpu.memory_space<hbm>>, %arg3: memref<16384xi32, #tpu.memory_space<hbm>>, %arg4: memref<4096xf32, #tpu.memory_space<hbm>>, %arg5: memref<4096xf32, #tpu.memory_space<hbm>>, %arg6: memref<4096xf32, #tpu.memory_space<hbm>>, %arg7: memref<458752xf32, #tpu.memory_space<hbm>>, %arg8: memref<458752xf32, #tpu.memory_space<hbm>>, %arg9: memref<458752xf32, #tpu.memory_space<hbm>>, %arg10: memref<16384xi32, #tpu.memory_space<vmem>>, %arg11: memref<4096xf32, #tpu.memory_space<vmem>>, %arg12: memref<4096xf32, #tpu.memory_space<vmem>>, %arg13: memref<4096xf32, #tpu.memory_space<vmem>>, %arg14: memref<1792xi32, #tpu.memory_space<vmem>>, %arg15: memref<1792xf32, #tpu.memory_space<vmem>>, %arg16: memref<1792xf32, #tpu.memory_space<vmem>>, %arg17: memref<1792xf32, #tpu.memory_space<vmem>>, %arg18: memref<4096xi32, #tpu.memory_space<vmem>>) attributes {dimension_semantics = [#tpu.dimension_semantics<core_parallel>, #tpu.dimension_semantics<subcore_parallel>], iteration_bounds = array<i64: 2, 16>, scalar_prefetch = 0 : i64, scratch_operands = 9 : i64, tpu.core_type = #tpu.core_type<sc_vector_subcore>, window_params = [{transform_indices = #map}, {transform_indices = #map}, {transform_indices = #map}, {transform_indices = #map}, {transform_indices = #map}, {transform_indices = #map}, {transform_indices = #map}, {transform_indices = #map}]} {
    %mul3A = arith.constant 2 : i32
    %mul3A_0 = arith.muli %arg1, %mul3A : i32
    %add3A = arith.addi %mul3A_0, %arg0 : i32
    "tpu.region"() ({
      %run_scoped3A = tpu.sem_alloc : memref<!tpu.dma_semaphore, #tpu.memory_space<semaphore_mem>>
      tpu.enqueue_dma source(%arg3 : memref<16384xi32, #tpu.memory_space<hbm>>) target(%arg10 : memref<16384xi32, #tpu.memory_space<vmem>>) target_semaphore(%run_scoped3A : memref<!tpu.dma_semaphore, #tpu.memory_space<semaphore_mem>>)
      tpu.wait_dma2 semaphore(%run_scoped3A : memref<!tpu.dma_semaphore, #tpu.memory_space<semaphore_mem>>) src(%arg3 : memref<16384xi32, #tpu.memory_space<hbm>>) dst(%arg10 : memref<16384xi32, #tpu.memory_space<vmem>>)
      tpu.yield
    }) : () -> ()
    "tpu.region"() ({
      %run_scoped3A = tpu.sem_alloc : memref<!tpu.dma_semaphore, #tpu.memory_space<semaphore_mem>>
      tpu.enqueue_dma source(%arg4 : memref<4096xf32, #tpu.memory_space<hbm>>) target(%arg11 : memref<4096xf32, #tpu.memory_space<vmem>>) target_semaphore(%run_scoped3A : memref<!tpu.dma_semaphore, #tpu.memory_space<semaphore_mem>>)
      tpu.wait_dma2 semaphore(%run_scoped3A : memref<!tpu.dma_semaphore, #tpu.memory_space<semaphore_mem>>) src(%arg4 : memref<4096xf32, #tpu.memory_space<hbm>>) dst(%arg11 : memref<4096xf32, #tpu.memory_space<vmem>>)
      tpu.yield
    }) : () -> ()
    "tpu.region"() ({
      %run_scoped3A = tpu.sem_alloc : memref<!tpu.dma_semaphore, #tpu.memory_space<semaphore_mem>>
      tpu.enqueue_dma source(%arg5 : memref<4096xf32, #tpu.memory_space<hbm>>) target(%arg12 : memref<4096xf32, #tpu.memory_space<vmem>>) target_semaphore(%run_scoped3A : memref<!tpu.dma_semaphore, #tpu.memory_space<semaphore_mem>>)
      tpu.wait_dma2 semaphore(%run_scoped3A : memref<!tpu.dma_semaphore, #tpu.memory_space<semaphore_mem>>) src(%arg5 : memref<4096xf32, #tpu.memory_space<hbm>>) dst(%arg12 : memref<4096xf32, #tpu.memory_space<vmem>>)
      tpu.yield
    }) : () -> ()
    "tpu.region"() ({
      %run_scoped3A = tpu.sem_alloc : memref<!tpu.dma_semaphore, #tpu.memory_space<semaphore_mem>>
      tpu.enqueue_dma source(%arg6 : memref<4096xf32, #tpu.memory_space<hbm>>) target(%arg13 : memref<4096xf32, #tpu.memory_space<vmem>>) target_semaphore(%run_scoped3A : memref<!tpu.dma_semaphore, #tpu.memory_space<semaphore_mem>>)
      tpu.wait_dma2 semaphore(%run_scoped3A : memref<!tpu.dma_semaphore, #tpu.memory_space<semaphore_mem>>) src(%arg6 : memref<4096xf32, #tpu.memory_space<hbm>>) dst(%arg13 : memref<4096xf32, #tpu.memory_space<vmem>>)
      tpu.yield
    }) : () -> ()
    %iota3A = tpu.iota {dimensions = array<i32: 0>} : vector<16xi32>
    %scan3A = arith.constant 0 : i32
    %scan3A_1 = arith.constant 0 : i32
    %scan3A_2 = arith.constant 256 : i32
    %scan3A_3 = arith.addi %scan3A_1, %scan3A_2 : i32
    %scan3A_4 = arith.constant 1 : i32
    %scan3A_5 = scf.for %scan3A_14 = %scan3A_1 to %scan3A_3 step %scan3A_4 iter_args(%scan3A_15 = %scan3A) -> (i32)  : i32 {
      %broadcast_in_dim3A = arith.constant 8192 : i32
      %broadcast_in_dim3A_16 = vector.broadcast %broadcast_in_dim3A : i32 to vector<16xi32>
      %mul3A_17 = arith.constant 16 : i32
      %mul3A_18 = arith.muli %scan3A_14, %mul3A_17 : i32
      %swap3A = arith.index_cast %mul3A_18 : i32 to index
      %swap3A_19 = tpu.vector_load %arg18[%swap3A] {strides = array<i32>} : memref<4096xi32, #tpu.memory_space<vmem>>, vector<16xi32>,
      tpu.vector_store %arg18[%swap3A], %broadcast_in_dim3A_16 {strides = array<i32>} : memref<4096xi32, #tpu.memory_space<vmem>>, vector<16xi32>,
      %scan3A_20 = arith.constant 0 : i32
      scf.yield %scan3A_20 : i32
    }
    %scan3A_6 = arith.constant 256 : i32
    %scan3A_7 = arith.constant 0 : i32
    %scan3A_8 = arith.constant 0 : i32
    %scan3A_9 = arith.constant 8 : i32
    %scan3A_10 = arith.addi %scan3A_8, %scan3A_9 : i32
    %scan3A_11 = arith.constant 1 : i32
    %scan3A_12 = scf.for %scan3A_14 = %scan3A_8 to %scan3A_10 step %scan3A_11 iter_args(%scan3A_15 = %scan3A_7) -> (i32)  : i32 {
      %mul3A_16 = arith.constant 14336 : i32
      %mul3A_17 = arith.muli %add3A, %mul3A_16 : i32
      %mul3A_18 = arith.constant 1792 : i32
      %mul3A_19 = arith.muli %scan3A_14, %mul3A_18 : i32
      %add3A_20 = arith.addi %mul3A_17, %mul3A_19 : i32
      "tpu.region"() ({
        %run_scoped3A = tpu.sem_alloc : memref<!tpu.dma_semaphore, #tpu.memory_space<semaphore_mem>>
        %dma_start3A = tpu.memref_slice %arg2[%add3A_20] : memref<458752xi32, #tpu.memory_space<hbm>> -> memref<1792xi32, #tpu.memory_space<hbm>>
        %dma_start3A_29 = tpu.memref_slice %arg2[%add3A_20] : memref<458752xi32, #tpu.memory_space<hbm>> -> memref<1792xi32, #tpu.memory_space<hbm>>
        tpu.enqueue_dma source(%dma_start3A_29 : memref<1792xi32, #tpu.memory_space<hbm>>) target(%arg14 : memref<1792xi32, #tpu.memory_space<vmem>>) target_semaphore(%run_scoped3A : memref<!tpu.dma_semaphore, #tpu.memory_space<semaphore_mem>>)
        %dma_wait3A = tpu.memref_slice %arg2[%add3A_20] : memref<458752xi32, #tpu.memory_space<hbm>> -> memref<1792xi32, #tpu.memory_space<hbm>>
        %dma_wait3A_30 = tpu.memref_slice %arg2[%add3A_20] : memref<458752xi32, #tpu.memory_space<hbm>> -> memref<1792xi32, #tpu.memory_space<hbm>>
        tpu.wait_dma2 semaphore(%run_scoped3A : memref<!tpu.dma_semaphore, #tpu.memory_space<semaphore_mem>>) src(%dma_wait3A_30 : memref<1792xi32, #tpu.memory_space<hbm>>) dst(%arg14 : memref<1792xi32, #tpu.memory_space<vmem>>)
        tpu.yield
      }) : () -> ()
      %scan3A_21 = arith.constant 0 : i32
      %scan3A_22 = arith.constant 0 : i32
      %scan3A_23 = arith.constant 112 : i32
      %scan3A_24 = arith.addi %scan3A_22, %scan3A_23 : i32
      %scan3A_25 = arith.constant 1 : i32
      %scan3A_26 = scf.for %scan3A_29 = %scan3A_22 to %scan3A_24 step %scan3A_25 iter_args(%scan3A_30 = %scan3A_21) -> (i32)  : i32 {
        %mul3A_31 = arith.constant 16 : i32
        %mul3A_32 = arith.muli %scan3A_29, %mul3A_31 : i32
        %mul3A_33 = arith.constant 16 : i32
        %mul3A_34 = arith.muli %scan3A_29, %mul3A_33 : i32
        %add3A_35 = arith.addi %add3A_20, %mul3A_34 : i32
        %jit3A = arith.constant 896 : i32
        %div3A = arith.divsi %add3A_35, %jit3A : i32
        %sign3A = arith.constant 0 : i32
        %sign3A_36 = arith.cmpi sgt, %add3A_35, %sign3A : i32
        %sign3A_37 = arith.extui %sign3A_36 : i1 to i32
        %sign3A_38 = arith.constant 0 : i32
        %sign3A_39 = arith.cmpi slt, %add3A_35, %sign3A_38 : i32
        %sign3A_40 = arith.extui %sign3A_39 : i1 to i32
        %sign3A_41 = arith.subi %sign3A_37, %sign3A_40 : i32
        %sign3A_42 = arith.constant 0 : i32
        %sign3A_43 = arith.cmpi sgt, %jit3A, %sign3A_42 : i32
        %sign3A_44 = arith.extui %sign3A_43 : i1 to i32
        %sign3A_45 = arith.constant 0 : i32
        %sign3A_46 = arith.cmpi slt, %jit3A, %sign3A_45 : i32
        %sign3A_47 = arith.extui %sign3A_46 : i1 to i32
        %sign3A_48 = arith.subi %sign3A_44, %sign3A_47 : i32
        %ne3A = arith.cmpi ne, %sign3A_41, %sign3A_48 : i32
        %rem3A = arith.remsi %add3A_35, %jit3A : i32
        %ne3A_49 = arith.constant 0 : i32
        %ne3A_50 = arith.cmpi ne, %rem3A, %ne3A_49 : i32
        %and3A = arith.andi %ne3A, %ne3A_50 : i1
        %sub3A = arith.constant 1 : i32
        %sub3A_51 = arith.subi %div3A, %sub3A : i32
        %select_n3A = arith.select %and3A, %sub3A_51, %div3A : i32
        %jit3A_52 = arith.constant 896 : i32
        %eq3A = arith.constant 0 : i32
        %eq3A_53 = arith.cmpi eq, %jit3A_52, %eq3A : i32
        %jit3A_54 = arith.constant 1 : i32
        %select_n3A_55 = arith.select %eq3A_53, %jit3A_54, %jit3A_52 : i32
        %rem3A_56 = arith.remsi %add3A_35, %select_n3A_55 : i32
        %ne3A_57 = arith.constant 0 : i32
        %ne3A_58 = arith.cmpi ne, %rem3A_56, %ne3A_57 : i32
        %lt3A = arith.constant 0 : i32
        %lt3A_59 = arith.cmpi slt, %rem3A_56, %lt3A : i32
        %lt3A_60 = arith.constant 0 : i32
        %lt3A_61 = arith.cmpi slt, %select_n3A_55, %lt3A_60 : i32
        %ne3A_62 = arith.xori %lt3A_59, %lt3A_61 : i1
        %and3A_63 = arith.andi %ne3A_62, %ne3A_58 : i1
        %add3A_64 = arith.addi %rem3A_56, %select_n3A_55 : i32
        %select_n3A_65 = arith.select %and3A_63, %add3A_64, %rem3A_56 : i32
        %get3A = arith.index_cast %mul3A_32 : i32 to index
        %get3A_66 = tpu.vector_load %arg14[%get3A] {strides = array<i32>} : memref<1792xi32, #tpu.memory_space<vmem>>, vector<16xi32>,
        %gather3A = tpu.vector_load_idx %arg10[%get3A_66] : memref<16384xi32, #tpu.memory_space<vmem>>[vector<16xi32>], vector<16xi32>,
        %broadcast_in_dim3A = arith.constant 1 : i32
        %broadcast_in_dim3A_67 = vector.broadcast %broadcast_in_dim3A : i32 to vector<16xi32>
        %mul3A_68 = vector.broadcast %select_n3A : i32 to vector<16xi32>
        %mul3A_69 = arith.muli %broadcast_in_dim3A_67, %mul3A_68 : vector<16xi32>
        %eq3A_70 = arith.constant 0 : i32
        %eq3A_71 = vector.broadcast %eq3A_70 : i32 to vector<16xi32>
        %eq3A_72 = arith.cmpi eq, %iota3A, %eq3A_71 : vector<16xi32>
        %eq3A_73 = arith.constant 0 : i32
        %eq3A_74 = arith.cmpi eq, %select_n3A_65, %eq3A_73 : i32
        %and3A_75 = vector.broadcast %eq3A_74 : i1 to vector<16xi1>
        %and3A_76 = arith.andi %eq3A_72, %and3A_75 : vector<16xi1>
        tpu.vector_store_idx %arg18[%gather3A], %mul3A_69 masked %and3A_76 : memref<4096xi32, #tpu.memory_space<vmem>>[vector<16xi32>], vector<16xi32>, vector<16xi1>
        %gather3A_77 = tpu.vector_load_idx %arg18[%gather3A] : memref<4096xi32, #tpu.memory_space<vmem>>[vector<16xi32>], vector<16xi32>,
        tpu.vector_store_idx %arg18[%gather3A], %mul3A_69 : memref<4096xi32, #tpu.memory_space<vmem>>[vector<16xi32>], vector<16xi32>,
        %eq3A_78 = vector.broadcast %select_n3A : i32 to vector<16xi32>
        %eq3A_79 = arith.cmpi eq, %gather3A_77, %eq3A_78 : vector<16xi32>
        %ge3A = arith.constant 864 : i32
        %ge3A_80 = arith.cmpi sge, %select_n3A_65, %ge3A : i32
        %or3A = vector.broadcast %ge3A_80 : i1 to vector<16xi1>
        %or3A_81 = arith.ori %eq3A_79, %or3A : vector<16xi1>
        %gather3A_82 = tpu.vector_load_idx %arg11[%gather3A] : memref<4096xf32, #tpu.memory_space<vmem>>[vector<16xi32>], vector<16xf32>,
        %add3A_83 = arith.constant 1.000000e+03 : f32
        %add3A_84 = vector.broadcast %add3A_83 : f32 to vector<16xf32>
        %add3A_85 = arith.addf %gather3A_82, %add3A_84 : vector<16xf32>
        %select_n3A_86 = arith.select %or3A_81, %add3A_85, %gather3A_82 : vector<16xi1>, vector<16xf32>
        %swap3A = arith.index_cast %mul3A_32 : i32 to index
        %swap3A_87 = tpu.vector_load %arg15[%swap3A] {strides = array<i32>} : memref<1792xf32, #tpu.memory_space<vmem>>, vector<16xf32>,
        tpu.vector_store %arg15[%swap3A], %select_n3A_86 {strides = array<i32>} : memref<1792xf32, #tpu.memory_space<vmem>>, vector<16xf32>,
        %gather3A_88 = tpu.vector_load_idx %arg12[%gather3A] : memref<4096xf32, #tpu.memory_space<vmem>>[vector<16xi32>], vector<16xf32>,
        %swap3A_89 = arith.index_cast %mul3A_32 : i32 to index
        %swap3A_90 = tpu.vector_load %arg16[%swap3A_89] {strides = array<i32>} : memref<1792xf32, #tpu.memory_space<vmem>>, vector<16xf32>,
        tpu.vector_store %arg16[%swap3A_89], %gather3A_88 {strides = array<i32>} : memref<1792xf32, #tpu.memory_space<vmem>>, vector<16xf32>,
        %gather3A_91 = tpu.vector_load_idx %arg13[%gather3A] : memref<4096xf32, #tpu.memory_space<vmem>>[vector<16xi32>], vector<16xf32>,
        %swap3A_92 = arith.index_cast %mul3A_32 : i32 to index
        %swap3A_93 = tpu.vector_load %arg17[%swap3A_92] {strides = array<i32>} : memref<1792xf32, #tpu.memory_space<vmem>>, vector<16xf32>,
        tpu.vector_store %arg17[%swap3A_92], %gather3A_91 {strides = array<i32>} : memref<1792xf32, #tpu.memory_space<vmem>>, vector<16xf32>,
        %scan3A_94 = arith.constant 0 : i32
        scf.yield %scan3A_94 : i32
      }
      %scan3A_27 = arith.constant 112 : i32
      "tpu.region"() ({
        %run_scoped3A = tpu.sem_alloc : memref<!tpu.dma_semaphore, #tpu.memory_space<semaphore_mem>>
        %dma_start3A = tpu.memref_slice %arg7[%add3A_20] : memref<458752xf32, #tpu.memory_space<hbm>> -> memref<1792xf32, #tpu.memory_space<hbm>>
        %dma_start3A_29 = tpu.memref_slice %arg7[%add3A_20] : memref<458752xf32, #tpu.memory_space<hbm>> -> memref<1792xf32, #tpu.memory_space<hbm>>
        tpu.enqueue_dma source(%arg15 : memref<1792xf32, #tpu.memory_space<vmem>>) target(%dma_start3A_29 : memref<1792xf32, #tpu.memory_space<hbm>>) target_semaphore(%run_scoped3A : memref<!tpu.dma_semaphore, #tpu.memory_space<semaphore_mem>>)
        %dma_wait3A = tpu.memref_slice %arg7[%add3A_20] : memref<458752xf32, #tpu.memory_space<hbm>> -> memref<1792xf32, #tpu.memory_space<hbm>>
        %dma_wait3A_30 = tpu.memref_slice %arg7[%add3A_20] : memref<458752xf32, #tpu.memory_space<hbm>> -> memref<1792xf32, #tpu.memory_space<hbm>>
        tpu.wait_dma2 semaphore(%run_scoped3A : memref<!tpu.dma_semaphore, #tpu.memory_space<semaphore_mem>>) src(%arg15 : memref<1792xf32, #tpu.memory_space<vmem>>) dst(%dma_wait3A_30 : memref<1792xf32, #tpu.memory_space<hbm>>)
        tpu.yield
      }) : () -> ()
      "tpu.region"() ({
        %run_scoped3A = tpu.sem_alloc : memref<!tpu.dma_semaphore, #tpu.memory_space<semaphore_mem>>
        %dma_start3A = tpu.memref_slice %arg8[%add3A_20] : memref<458752xf32, #tpu.memory_space<hbm>> -> memref<1792xf32, #tpu.memory_space<hbm>>
        %dma_start3A_29 = tpu.memref_slice %arg8[%add3A_20] : memref<458752xf32, #tpu.memory_space<hbm>> -> memref<1792xf32, #tpu.memory_space<hbm>>
        tpu.enqueue_dma source(%arg16 : memref<1792xf32, #tpu.memory_space<vmem>>) target(%dma_start3A_29 : memref<1792xf32, #tpu.memory_space<hbm>>) target_semaphore(%run_scoped3A : memref<!tpu.dma_semaphore, #tpu.memory_space<semaphore_mem>>)
        %dma_wait3A = tpu.memref_slice %arg8[%add3A_20] : memref<458752xf32, #tpu.memory_space<hbm>> -> memref<1792xf32, #tpu.memory_space<hbm>>
        %dma_wait3A_30 = tpu.memref_slice %arg8[%add3A_20] : memref<458752xf32, #tpu.memory_space<hbm>> -> memref<1792xf32, #tpu.memory_space<hbm>>
        tpu.wait_dma2 semaphore(%run_scoped3A : memref<!tpu.dma_semaphore, #tpu.memory_space<semaphore_mem>>) src(%arg16 : memref<1792xf32, #tpu.memory_space<vmem>>) dst(%dma_wait3A_30 : memref<1792xf32, #tpu.memory_space<hbm>>)
        tpu.yield
      }) : () -> ()
      "tpu.region"() ({
        %run_scoped3A = tpu.sem_alloc : memref<!tpu.dma_semaphore, #tpu.memory_space<semaphore_mem>>
        %dma_start3A = tpu.memref_slice %arg9[%add3A_20] : memref<458752xf32, #tpu.memory_space<hbm>> -> memref<1792xf32, #tpu.memory_space<hbm>>
        %dma_start3A_29 = tpu.memref_slice %arg9[%add3A_20] : memref<458752xf32, #tpu.memory_space<hbm>> -> memref<1792xf32, #tpu.memory_space<hbm>>
        tpu.enqueue_dma source(%arg17 : memref<1792xf32, #tpu.memory_space<vmem>>) target(%dma_start3A_29 : memref<1792xf32, #tpu.memory_space<hbm>>) target_semaphore(%run_scoped3A : memref<!tpu.dma_semaphore, #tpu.memory_space<semaphore_mem>>)
        %dma_wait3A = tpu.memref_slice %arg9[%add3A_20] : memref<458752xf32, #tpu.memory_space<hbm>> -> memref<1792xf32, #tpu.memory_space<hbm>>
        %dma_wait3A_30 = tpu.memref_slice %arg9[%add3A_20] : memref<458752xf32, #tpu.memory_space<hbm>> -> memref<1792xf32, #tpu.memory_space<hbm>>
        tpu.wait_dma2 semaphore(%run_scoped3A : memref<!tpu.dma_semaphore, #tpu.memory_space<semaphore_mem>>) src(%arg17 : memref<1792xf32, #tpu.memory_space<vmem>>) dst(%dma_wait3A_30 : memref<1792xf32, #tpu.memory_space<hbm>>)
        tpu.yield
      }) : () -> ()
      %scan3A_28 = arith.constant 0 : i32
      scf.yield %scan3A_28 : i32
    }
    %scan3A_13 = arith.constant 8 : i32
    return
  }
}

module attributes {stable_mosaic.version = 14 : i64} {
  func.func @_k1_body(%arg0: i32, %arg1: memref<1x4096xf32, #tpu.memory_space<vmem>>, %arg2: memref<1x4096xf32, #tpu.memory_space<vmem>>, %arg3: memref<1x4096xf32, #tpu.memory_space<vmem>>, %arg4: memref<64x32xi32, #tpu.memory_space<vmem>>) attributes {dimension_semantics = [#tpu.dimension_semantics<arbitrary>], iteration_bounds = array<i64: 8>, scalar_prefetch = 0 : i64, scratch_operands = 0 : i64, tpu.core_type = #tpu.core_type<tc>, window_params = [{pipeline_mode = #tpu.pipeline_mode<synchronous>, transform_indices = @transform_0, window_bounds = array<i64: 1, 4096>}, {pipeline_mode = #tpu.pipeline_mode<synchronous>, transform_indices = @transform_1, window_bounds = array<i64: 1, 4096>}, {pipeline_mode = #tpu.pipeline_mode<synchronous>, transform_indices = @transform_2, window_bounds = array<i64: 1, 4096>}, {transform_indices = @transform_3, window_bounds = array<i64: 64, 32>}]} {
    %mul3A = arith.constant 64 : i32
    %mul3A_0 = arith.muli %arg0, %mul3A : i32
    %iota3A = tpu.iota {dimensions = array<i32: 0>} : vector<64x1xi32>
    %add3A = vector.broadcast %mul3A_0 : i32 to vector<64x1xi32>
    %add3A_1 = arith.addi %add3A, %iota3A : vector<64x1xi32>
    %jit3A = arith.constant 8 : i32
    %div3A = vector.broadcast %jit3A : i32 to vector<64x1xi32>
    %div3A_2 = arith.divsi %add3A_1, %div3A : vector<64x1xi32>
    %sign3A = arith.constant 0 : i32
    %sign3A_3 = vector.broadcast %sign3A : i32 to vector<64x1xi32>
    %sign3A_4 = arith.cmpi sgt, %add3A_1, %sign3A_3 : vector<64x1xi32>
    %sign3A_5 = arith.extui %sign3A_4 : vector<64x1xi1> to vector<64x1xi32>
    %sign3A_6 = arith.constant 0 : i32
    %sign3A_7 = vector.broadcast %sign3A_6 : i32 to vector<64x1xi32>
    %sign3A_8 = arith.cmpi slt, %add3A_1, %sign3A_7 : vector<64x1xi32>
    %sign3A_9 = arith.extui %sign3A_8 : vector<64x1xi1> to vector<64x1xi32>
    %sign3A_10 = arith.subi %sign3A_5, %sign3A_9 : vector<64x1xi32>
    %sign3A_11 = arith.constant 0 : i32
    %sign3A_12 = arith.cmpi sgt, %jit3A, %sign3A_11 : i32
    %sign3A_13 = arith.extui %sign3A_12 : i1 to i32
    %sign3A_14 = arith.constant 0 : i32
    %sign3A_15 = arith.cmpi slt, %jit3A, %sign3A_14 : i32
    %sign3A_16 = arith.extui %sign3A_15 : i1 to i32
    %sign3A_17 = arith.subi %sign3A_13, %sign3A_16 : i32
    %ne3A = vector.broadcast %sign3A_17 : i32 to vector<64x1xi32>
    %ne3A_18 = arith.cmpi ne, %sign3A_10, %ne3A : vector<64x1xi32>
    %rem3A = vector.broadcast %jit3A : i32 to vector<64x1xi32>
    %rem3A_19 = arith.remsi %add3A_1, %rem3A : vector<64x1xi32>
    %ne3A_20 = arith.constant 0 : i32
    %ne3A_21 = vector.broadcast %ne3A_20 : i32 to vector<64x1xi32>
    %ne3A_22 = arith.cmpi ne, %rem3A_19, %ne3A_21 : vector<64x1xi32>
    %and3A = arith.andi %ne3A_18, %ne3A_22 : vector<64x1xi1>
    %sub3A = arith.constant 1 : i32
    %sub3A_23 = vector.broadcast %sub3A : i32 to vector<64x1xi32>
    %sub3A_24 = arith.subi %div3A_2, %sub3A_23 : vector<64x1xi32>
    %select_n3A = arith.select %and3A, %sub3A_24, %div3A_2 : vector<64x1xi1>, vector<64x1xi32>
    %jit3A_25 = arith.constant 8 : i32
    %eq3A = arith.constant 0 : i32
    %eq3A_26 = arith.cmpi eq, %jit3A_25, %eq3A : i32
    %jit3A_27 = arith.constant 1 : i32
    %select_n3A_28 = arith.select %eq3A_26, %jit3A_27, %jit3A_25 : i32
    %rem3A_29 = vector.broadcast %select_n3A_28 : i32 to vector<64x1xi32>
    %rem3A_30 = arith.remsi %select_n3A, %rem3A_29 : vector<64x1xi32>
    %ne3A_31 = arith.constant 0 : i32
    %ne3A_32 = vector.broadcast %ne3A_31 : i32 to vector<64x1xi32>
    %ne3A_33 = arith.cmpi ne, %rem3A_30, %ne3A_32 : vector<64x1xi32>
    %lt3A = arith.constant 0 : i32
    %lt3A_34 = vector.broadcast %lt3A : i32 to vector<64x1xi32>
    %lt3A_35 = arith.cmpi slt, %rem3A_30, %lt3A_34 : vector<64x1xi32>
    %lt3A_36 = arith.constant 0 : i32
    %lt3A_37 = arith.cmpi slt, %select_n3A_28, %lt3A_36 : i32
    %ne3A_38 = vector.broadcast %lt3A_37 : i1 to vector<64x1xi1>
    %ne3A_39 = vector.broadcast %ne3A_38 : vector<64x1xi1> to vector<64x1xi1>
    %ne3A_40 = arith.xori %lt3A_35, %ne3A_39 : vector<64x1xi1>
    %and3A_41 = arith.andi %ne3A_40, %ne3A_33 : vector<64x1xi1>
    %add3A_42 = vector.broadcast %select_n3A_28 : i32 to vector<64x1xi32>
    %add3A_43 = arith.addi %rem3A_30, %add3A_42 : vector<64x1xi32>
    %select_n3A_44 = arith.select %and3A_41, %add3A_43, %rem3A_30 : vector<64x1xi1>, vector<64x1xi32>
    %convert_element_type3A = arith.sitofp %select_n3A_44 : vector<64x1xi32> to vector<64x1xf32>
    %jit3A_45 = arith.constant 64 : i32
    %div3A_46 = vector.broadcast %jit3A_45 : i32 to vector<64x1xi32>
    %div3A_47 = arith.divsi %add3A_1, %div3A_46 : vector<64x1xi32>
    %sign3A_48 = arith.constant 0 : i32
    %sign3A_49 = vector.broadcast %sign3A_48 : i32 to vector<64x1xi32>
    %sign3A_50 = arith.cmpi sgt, %add3A_1, %sign3A_49 : vector<64x1xi32>
    %sign3A_51 = arith.extui %sign3A_50 : vector<64x1xi1> to vector<64x1xi32>
    %sign3A_52 = arith.constant 0 : i32
    %sign3A_53 = vector.broadcast %sign3A_52 : i32 to vector<64x1xi32>
    %sign3A_54 = arith.cmpi slt, %add3A_1, %sign3A_53 : vector<64x1xi32>
    %sign3A_55 = arith.extui %sign3A_54 : vector<64x1xi1> to vector<64x1xi32>
    %sign3A_56 = arith.subi %sign3A_51, %sign3A_55 : vector<64x1xi32>
    %sign3A_57 = arith.constant 0 : i32
    %sign3A_58 = arith.cmpi sgt, %jit3A_45, %sign3A_57 : i32
    %sign3A_59 = arith.extui %sign3A_58 : i1 to i32
    %sign3A_60 = arith.constant 0 : i32
    %sign3A_61 = arith.cmpi slt, %jit3A_45, %sign3A_60 : i32
    %sign3A_62 = arith.extui %sign3A_61 : i1 to i32
    %sign3A_63 = arith.subi %sign3A_59, %sign3A_62 : i32
    %ne3A_64 = vector.broadcast %sign3A_63 : i32 to vector<64x1xi32>
    %ne3A_65 = arith.cmpi ne, %sign3A_56, %ne3A_64 : vector<64x1xi32>
    %rem3A_66 = vector.broadcast %jit3A_45 : i32 to vector<64x1xi32>
    %rem3A_67 = arith.remsi %add3A_1, %rem3A_66 : vector<64x1xi32>
    %ne3A_68 = arith.constant 0 : i32
    %ne3A_69 = vector.broadcast %ne3A_68 : i32 to vector<64x1xi32>
    %ne3A_70 = arith.cmpi ne, %rem3A_67, %ne3A_69 : vector<64x1xi32>
    %and3A_71 = arith.andi %ne3A_65, %ne3A_70 : vector<64x1xi1>
    %sub3A_72 = arith.constant 1 : i32
    %sub3A_73 = vector.broadcast %sub3A_72 : i32 to vector<64x1xi32>
    %sub3A_74 = arith.subi %div3A_47, %sub3A_73 : vector<64x1xi32>
    %select_n3A_75 = arith.select %and3A_71, %sub3A_74, %div3A_47 : vector<64x1xi1>, vector<64x1xi32>
    %convert_element_type3A_76 = arith.sitofp %select_n3A_75 : vector<64x1xi32> to vector<64x1xf32>
    %jit3A_77 = arith.constant 8 : i32
    %eq3A_78 = arith.constant 0 : i32
    %eq3A_79 = arith.cmpi eq, %jit3A_77, %eq3A_78 : i32
    %jit3A_80 = arith.constant 1 : i32
    %select_n3A_81 = arith.select %eq3A_79, %jit3A_80, %jit3A_77 : i32
    %rem3A_82 = vector.broadcast %select_n3A_81 : i32 to vector<64x1xi32>
    %rem3A_83 = arith.remsi %add3A_1, %rem3A_82 : vector<64x1xi32>
    %ne3A_84 = arith.constant 0 : i32
    %ne3A_85 = vector.broadcast %ne3A_84 : i32 to vector<64x1xi32>
    %ne3A_86 = arith.cmpi ne, %rem3A_83, %ne3A_85 : vector<64x1xi32>
    %lt3A_87 = arith.constant 0 : i32
    %lt3A_88 = vector.broadcast %lt3A_87 : i32 to vector<64x1xi32>
    %lt3A_89 = arith.cmpi slt, %rem3A_83, %lt3A_88 : vector<64x1xi32>
    %lt3A_90 = arith.constant 0 : i32
    %lt3A_91 = arith.cmpi slt, %select_n3A_81, %lt3A_90 : i32
    %ne3A_92 = vector.broadcast %lt3A_91 : i1 to vector<64x1xi1>
    %ne3A_93 = vector.broadcast %ne3A_92 : vector<64x1xi1> to vector<64x1xi1>
    %ne3A_94 = arith.xori %lt3A_89, %ne3A_93 : vector<64x1xi1>
    %and3A_95 = arith.andi %ne3A_94, %ne3A_86 : vector<64x1xi1>
    %add3A_96 = vector.broadcast %select_n3A_81 : i32 to vector<64x1xi32>
    %add3A_97 = arith.addi %rem3A_83, %add3A_96 : vector<64x1xi32>
    %select_n3A_98 = arith.select %and3A_95, %add3A_97, %rem3A_83 : vector<64x1xi1>, vector<64x1xi32>
    %convert_element_type3A_99 = arith.sitofp %select_n3A_98 : vector<64x1xi32> to vector<64x1xf32>
    %get3A = arith.constant 0 : index
    %get3A_100 = arith.constant 0 : index
    %get3A_101 = vector.load %arg1[%get3A, %get3A_100] : memref<1x4096xf32, #tpu.memory_space<vmem>>, vector<1x4096xf32>
    %sub3A_102 = vector.broadcast %get3A_101 : vector<1x4096xf32> to vector<64x4096xf32>
    %sub3A_103 = vector.broadcast %convert_element_type3A : vector<64x1xf32> to vector<64x4096xf32>
    %sub3A_104 = arith.subf %sub3A_102, %sub3A_103 : vector<64x4096xf32>
    %integer_pow3A = arith.mulf %sub3A_104, %sub3A_104 : vector<64x4096xf32>
    %get3A_105 = arith.constant 0 : index
    %get3A_106 = arith.constant 0 : index
    %get3A_107 = vector.load %arg2[%get3A_105, %get3A_106] : memref<1x4096xf32, #tpu.memory_space<vmem>>, vector<1x4096xf32>
    %sub3A_108 = vector.broadcast %get3A_107 : vector<1x4096xf32> to vector<64x4096xf32>
    %sub3A_109 = vector.broadcast %convert_element_type3A_76 : vector<64x1xf32> to vector<64x4096xf32>
    %sub3A_110 = arith.subf %sub3A_108, %sub3A_109 : vector<64x4096xf32>
    %integer_pow3A_111 = arith.mulf %sub3A_110, %sub3A_110 : vector<64x4096xf32>
    %add3A_112 = arith.addf %integer_pow3A, %integer_pow3A_111 : vector<64x4096xf32>
    %get3A_113 = arith.constant 0 : index
    %get3A_114 = arith.constant 0 : index
    %get3A_115 = vector.load %arg3[%get3A_113, %get3A_114] : memref<1x4096xf32, #tpu.memory_space<vmem>>, vector<1x4096xf32>
    %sub3A_116 = vector.broadcast %get3A_115 : vector<1x4096xf32> to vector<64x4096xf32>
    %sub3A_117 = vector.broadcast %convert_element_type3A_99 : vector<64x1xf32> to vector<64x4096xf32>
    %sub3A_118 = arith.subf %sub3A_116, %sub3A_117 : vector<64x4096xf32>
    %integer_pow3A_119 = arith.mulf %sub3A_118, %sub3A_118 : vector<64x4096xf32>
    %add3A_120 = arith.addf %add3A_112, %integer_pow3A_119 : vector<64x4096xf32>
    %iota3A_121 = tpu.iota {dimensions = array<i32: 1>} : vector<1x4096xi32>
    %reduce_min3A = arith.constant dense<0x7F800000> : vector<64xf32>
    %reduce_min3A_122 = vector.multi_reduction <minimumf>, %add3A_120, %reduce_min3A [1] : vector<64x4096xf32> to vector<64xf32>
    %broadcast_in_dim3A = vector.shape_cast %reduce_min3A_122 : vector<64xf32> to vector<64x1xf32>
    %eq3A_123 = vector.broadcast %broadcast_in_dim3A : vector<64x1xf32> to vector<64x4096xf32>
    %eq3A_124 = arith.cmpf oeq, %add3A_120, %eq3A_123 : vector<64x4096xf32>
    %jit3A_125 = arith.constant 999999 : i32
    %broadcast_in_dim3A_126 = vector.shape_cast %iota3A_121 : vector<1x4096xi32> to vector<1x4096xi32>
    %broadcast_in_dim3A_127 = vector.broadcast %broadcast_in_dim3A_126 : vector<1x4096xi32> to vector<64x4096xi32>
    %broadcast_in_dim3A_128 = vector.broadcast %jit3A_125 : i32 to vector<64x4096xi32>
    %select_n3A_129 = arith.select %eq3A_124, %broadcast_in_dim3A_127, %broadcast_in_dim3A_128 : vector<64x4096xi1>, vector<64x4096xi32>
    %reduce_min3A_130 = arith.constant dense<2147483647> : vector<64xi32>
    %reduce_min3A_131 = vector.multi_reduction <minsi>, %select_n3A_129, %reduce_min3A_130 [1] : vector<64x4096xi32> to vector<64xi32>
    %broadcast_in_dim3A_132 = vector.shape_cast %reduce_min3A_131 : vector<64xi32> to vector<64x1xi32>
    %swap3A = arith.constant 0 : index
    %swap3A_133 = arith.constant 0 : index
    %swap3A_134 = vector.load %arg4[%swap3A, %swap3A_133] : memref<64x32xi32, #tpu.memory_space<vmem>>, vector<64x1xi32>
    tpu.vector_store %arg4[%swap3A, %swap3A_133], %broadcast_in_dim3A_132 {strides = array<i32>} : memref<64x32xi32, #tpu.memory_space<vmem>>, vector<64x1xi32>,
    %eq3A_135 = vector.broadcast %iota3A_121 : vector<1x4096xi32> to vector<64x4096xi32>
    %eq3A_136 = vector.broadcast %broadcast_in_dim3A_132 : vector<64x1xi32> to vector<64x4096xi32>
    %eq3A_137 = arith.cmpi eq, %eq3A_135, %eq3A_136 : vector<64x4096xi32>
    %jit3A_138 = arith.constant 0x7F800000 : f32
    %broadcast_in_dim3A_139 = vector.broadcast %jit3A_138 : f32 to vector<64x4096xf32>
    %select_n3A_140 = arith.select %eq3A_137, %broadcast_in_dim3A_139, %add3A_120 : vector<64x4096xi1>, vector<64x4096xf32>
    %reduce_min3A_141 = arith.constant dense<0x7F800000> : vector<64xf32>
    %reduce_min3A_142 = vector.multi_reduction <minimumf>, %select_n3A_140, %reduce_min3A_141 [1] : vector<64x4096xf32> to vector<64xf32>
    %broadcast_in_dim3A_143 = vector.shape_cast %reduce_min3A_142 : vector<64xf32> to vector<64x1xf32>
    %eq3A_144 = vector.broadcast %broadcast_in_dim3A_143 : vector<64x1xf32> to vector<64x4096xf32>
    %eq3A_145 = arith.cmpf oeq, %select_n3A_140, %eq3A_144 : vector<64x4096xf32>
    %jit3A_146 = arith.constant 999999 : i32
    %broadcast_in_dim3A_147 = vector.shape_cast %iota3A_121 : vector<1x4096xi32> to vector<1x4096xi32>
    %broadcast_in_dim3A_148 = vector.broadcast %broadcast_in_dim3A_147 : vector<1x4096xi32> to vector<64x4096xi32>
    %broadcast_in_dim3A_149 = vector.broadcast %jit3A_146 : i32 to vector<64x4096xi32>
    %select_n3A_150 = arith.select %eq3A_145, %broadcast_in_dim3A_148, %broadcast_in_dim3A_149 : vector<64x4096xi1>, vector<64x4096xi32>
    %reduce_min3A_151 = arith.constant dense<2147483647> : vector<64xi32>
    %reduce_min3A_152 = vector.multi_reduction <minsi>, %select_n3A_150, %reduce_min3A_151 [1] : vector<64x4096xi32> to vector<64xi32>
    %broadcast_in_dim3A_153 = vector.shape_cast %reduce_min3A_152 : vector<64xi32> to vector<64x1xi32>
    %swap3A_154 = arith.constant 0 : index
    %swap3A_155 = arith.constant 1 : index
    %swap3A_156 = vector.load %arg4[%swap3A_154, %swap3A_155] : memref<64x32xi32, #tpu.memory_space<vmem>>, vector<64x1xi32>
    tpu.vector_store %arg4[%swap3A_154, %swap3A_155], %broadcast_in_dim3A_153 {strides = array<i32>} : memref<64x32xi32, #tpu.memory_space<vmem>>, vector<64x1xi32>,
    %eq3A_157 = vector.broadcast %iota3A_121 : vector<1x4096xi32> to vector<64x4096xi32>
    %eq3A_158 = vector.broadcast %broadcast_in_dim3A_153 : vector<64x1xi32> to vector<64x4096xi32>
    %eq3A_159 = arith.cmpi eq, %eq3A_157, %eq3A_158 : vector<64x4096xi32>
    %jit3A_160 = arith.constant 0x7F800000 : f32
    %broadcast_in_dim3A_161 = vector.broadcast %jit3A_160 : f32 to vector<64x4096xf32>
    %select_n3A_162 = arith.select %eq3A_159, %broadcast_in_dim3A_161, %select_n3A_140 : vector<64x4096xi1>, vector<64x4096xf32>
    %reduce_min3A_163 = arith.constant dense<0x7F800000> : vector<64xf32>
    %reduce_min3A_164 = vector.multi_reduction <minimumf>, %select_n3A_162, %reduce_min3A_163 [1] : vector<64x4096xf32> to vector<64xf32>
    %broadcast_in_dim3A_165 = vector.shape_cast %reduce_min3A_164 : vector<64xf32> to vector<64x1xf32>
    %eq3A_166 = vector.broadcast %broadcast_in_dim3A_165 : vector<64x1xf32> to vector<64x4096xf32>
    %eq3A_167 = arith.cmpf oeq, %select_n3A_162, %eq3A_166 : vector<64x4096xf32>
    %jit3A_168 = arith.constant 999999 : i32
    %broadcast_in_dim3A_169 = vector.shape_cast %iota3A_121 : vector<1x4096xi32> to vector<1x4096xi32>
    %broadcast_in_dim3A_170 = vector.broadcast %broadcast_in_dim3A_169 : vector<1x4096xi32> to vector<64x4096xi32>
    %broadcast_in_dim3A_171 = vector.broadcast %jit3A_168 : i32 to vector<64x4096xi32>
    %select_n3A_172 = arith.select %eq3A_167, %broadcast_in_dim3A_170, %broadcast_in_dim3A_171 : vector<64x4096xi1>, vector<64x4096xi32>
    %reduce_min3A_173 = arith.constant dense<2147483647> : vector<64xi32>
    %reduce_min3A_174 = vector.multi_reduction <minsi>, %select_n3A_172, %reduce_min3A_173 [1] : vector<64x4096xi32> to vector<64xi32>
    %broadcast_in_dim3A_175 = vector.shape_cast %reduce_min3A_174 : vector<64xi32> to vector<64x1xi32>
    %swap3A_176 = arith.constant 0 : index
    %swap3A_177 = arith.constant 2 : index
    %swap3A_178 = vector.load %arg4[%swap3A_176, %swap3A_177] : memref<64x32xi32, #tpu.memory_space<vmem>>, vector<64x1xi32>
    tpu.vector_store %arg4[%swap3A_176, %swap3A_177], %broadcast_in_dim3A_175 {strides = array<i32>} : memref<64x32xi32, #tpu.memory_space<vmem>>, vector<64x1xi32>,
    %eq3A_179 = vector.broadcast %iota3A_121 : vector<1x4096xi32> to vector<64x4096xi32>
    %eq3A_180 = vector.broadcast %broadcast_in_dim3A_175 : vector<64x1xi32> to vector<64x4096xi32>
    %eq3A_181 = arith.cmpi eq, %eq3A_179, %eq3A_180 : vector<64x4096xi32>
    %jit3A_182 = arith.constant 0x7F800000 : f32
    %broadcast_in_dim3A_183 = vector.broadcast %jit3A_182 : f32 to vector<64x4096xf32>
    %select_n3A_184 = arith.select %eq3A_181, %broadcast_in_dim3A_183, %select_n3A_162 : vector<64x4096xi1>, vector<64x4096xf32>
    %reduce_min3A_185 = arith.constant dense<0x7F800000> : vector<64xf32>
    %reduce_min3A_186 = vector.multi_reduction <minimumf>, %select_n3A_184, %reduce_min3A_185 [1] : vector<64x4096xf32> to vector<64xf32>
    %broadcast_in_dim3A_187 = vector.shape_cast %reduce_min3A_186 : vector<64xf32> to vector<64x1xf32>
    %eq3A_188 = vector.broadcast %broadcast_in_dim3A_187 : vector<64x1xf32> to vector<64x4096xf32>
    %eq3A_189 = arith.cmpf oeq, %select_n3A_184, %eq3A_188 : vector<64x4096xf32>
    %jit3A_190 = arith.constant 999999 : i32
    %broadcast_in_dim3A_191 = vector.shape_cast %iota3A_121 : vector<1x4096xi32> to vector<1x4096xi32>
    %broadcast_in_dim3A_192 = vector.broadcast %broadcast_in_dim3A_191 : vector<1x4096xi32> to vector<64x4096xi32>
    %broadcast_in_dim3A_193 = vector.broadcast %jit3A_190 : i32 to vector<64x4096xi32>
    %select_n3A_194 = arith.select %eq3A_189, %broadcast_in_dim3A_192, %broadcast_in_dim3A_193 : vector<64x4096xi1>, vector<64x4096xi32>
    %reduce_min3A_195 = arith.constant dense<2147483647> : vector<64xi32>
    %reduce_min3A_196 = vector.multi_reduction <minsi>, %select_n3A_194, %reduce_min3A_195 [1] : vector<64x4096xi32> to vector<64xi32>
    %broadcast_in_dim3A_197 = vector.shape_cast %reduce_min3A_196 : vector<64xi32> to vector<64x1xi32>
    %swap3A_198 = arith.constant 0 : index
    %swap3A_199 = arith.constant 3 : index
    %swap3A_200 = vector.load %arg4[%swap3A_198, %swap3A_199] : memref<64x32xi32, #tpu.memory_space<vmem>>, vector<64x1xi32>
    tpu.vector_store %arg4[%swap3A_198, %swap3A_199], %broadcast_in_dim3A_197 {strides = array<i32>} : memref<64x32xi32, #tpu.memory_space<vmem>>, vector<64x1xi32>,
    %eq3A_201 = vector.broadcast %iota3A_121 : vector<1x4096xi32> to vector<64x4096xi32>
    %eq3A_202 = vector.broadcast %broadcast_in_dim3A_197 : vector<64x1xi32> to vector<64x4096xi32>
    %eq3A_203 = arith.cmpi eq, %eq3A_201, %eq3A_202 : vector<64x4096xi32>
    %jit3A_204 = arith.constant 0x7F800000 : f32
    %broadcast_in_dim3A_205 = vector.broadcast %jit3A_204 : f32 to vector<64x4096xf32>
    %select_n3A_206 = arith.select %eq3A_203, %broadcast_in_dim3A_205, %select_n3A_184 : vector<64x4096xi1>, vector<64x4096xf32>
    %reduce_min3A_207 = arith.constant dense<0x7F800000> : vector<64xf32>
    %reduce_min3A_208 = vector.multi_reduction <minimumf>, %select_n3A_206, %reduce_min3A_207 [1] : vector<64x4096xf32> to vector<64xf32>
    %broadcast_in_dim3A_209 = vector.shape_cast %reduce_min3A_208 : vector<64xf32> to vector<64x1xf32>
    %eq3A_210 = vector.broadcast %broadcast_in_dim3A_209 : vector<64x1xf32> to vector<64x4096xf32>
    %eq3A_211 = arith.cmpf oeq, %select_n3A_206, %eq3A_210 : vector<64x4096xf32>
    %jit3A_212 = arith.constant 999999 : i32
    %broadcast_in_dim3A_213 = vector.shape_cast %iota3A_121 : vector<1x4096xi32> to vector<1x4096xi32>
    %broadcast_in_dim3A_214 = vector.broadcast %broadcast_in_dim3A_213 : vector<1x4096xi32> to vector<64x4096xi32>
    %broadcast_in_dim3A_215 = vector.broadcast %jit3A_212 : i32 to vector<64x4096xi32>
    %select_n3A_216 = arith.select %eq3A_211, %broadcast_in_dim3A_214, %broadcast_in_dim3A_215 : vector<64x4096xi1>, vector<64x4096xi32>
    %reduce_min3A_217 = arith.constant dense<2147483647> : vector<64xi32>
    %reduce_min3A_218 = vector.multi_reduction <minsi>, %select_n3A_216, %reduce_min3A_217 [1] : vector<64x4096xi32> to vector<64xi32>
    %broadcast_in_dim3A_219 = vector.shape_cast %reduce_min3A_218 : vector<64xi32> to vector<64x1xi32>
    %swap3A_220 = arith.constant 0 : index
    %swap3A_221 = arith.constant 4 : index
    %swap3A_222 = vector.load %arg4[%swap3A_220, %swap3A_221] : memref<64x32xi32, #tpu.memory_space<vmem>>, vector<64x1xi32>
    tpu.vector_store %arg4[%swap3A_220, %swap3A_221], %broadcast_in_dim3A_219 {strides = array<i32>} : memref<64x32xi32, #tpu.memory_space<vmem>>, vector<64x1xi32>,
    %eq3A_223 = vector.broadcast %iota3A_121 : vector<1x4096xi32> to vector<64x4096xi32>
    %eq3A_224 = vector.broadcast %broadcast_in_dim3A_219 : vector<64x1xi32> to vector<64x4096xi32>
    %eq3A_225 = arith.cmpi eq, %eq3A_223, %eq3A_224 : vector<64x4096xi32>
    %jit3A_226 = arith.constant 0x7F800000 : f32
    %broadcast_in_dim3A_227 = vector.broadcast %jit3A_226 : f32 to vector<64x4096xf32>
    %select_n3A_228 = arith.select %eq3A_225, %broadcast_in_dim3A_227, %select_n3A_206 : vector<64x4096xi1>, vector<64x4096xf32>
    %reduce_min3A_229 = arith.constant dense<0x7F800000> : vector<64xf32>
    %reduce_min3A_230 = vector.multi_reduction <minimumf>, %select_n3A_228, %reduce_min3A_229 [1] : vector<64x4096xf32> to vector<64xf32>
    %broadcast_in_dim3A_231 = vector.shape_cast %reduce_min3A_230 : vector<64xf32> to vector<64x1xf32>
    %eq3A_232 = vector.broadcast %broadcast_in_dim3A_231 : vector<64x1xf32> to vector<64x4096xf32>
    %eq3A_233 = arith.cmpf oeq, %select_n3A_228, %eq3A_232 : vector<64x4096xf32>
    %jit3A_234 = arith.constant 999999 : i32
    %broadcast_in_dim3A_235 = vector.shape_cast %iota3A_121 : vector<1x4096xi32> to vector<1x4096xi32>
    %broadcast_in_dim3A_236 = vector.broadcast %broadcast_in_dim3A_235 : vector<1x4096xi32> to vector<64x4096xi32>
    %broadcast_in_dim3A_237 = vector.broadcast %jit3A_234 : i32 to vector<64x4096xi32>
    %select_n3A_238 = arith.select %eq3A_233, %broadcast_in_dim3A_236, %broadcast_in_dim3A_237 : vector<64x4096xi1>, vector<64x4096xi32>
    %reduce_min3A_239 = arith.constant dense<2147483647> : vector<64xi32>
    %reduce_min3A_240 = vector.multi_reduction <minsi>, %select_n3A_238, %reduce_min3A_239 [1] : vector<64x4096xi32> to vector<64xi32>
    %broadcast_in_dim3A_241 = vector.shape_cast %reduce_min3A_240 : vector<64xi32> to vector<64x1xi32>
    %swap3A_242 = arith.constant 0 : index
    %swap3A_243 = arith.constant 5 : index
    %swap3A_244 = vector.load %arg4[%swap3A_242, %swap3A_243] : memref<64x32xi32, #tpu.memory_space<vmem>>, vector<64x1xi32>
    tpu.vector_store %arg4[%swap3A_242, %swap3A_243], %broadcast_in_dim3A_241 {strides = array<i32>} : memref<64x32xi32, #tpu.memory_space<vmem>>, vector<64x1xi32>,
    %eq3A_245 = vector.broadcast %iota3A_121 : vector<1x4096xi32> to vector<64x4096xi32>
    %eq3A_246 = vector.broadcast %broadcast_in_dim3A_241 : vector<64x1xi32> to vector<64x4096xi32>
    %eq3A_247 = arith.cmpi eq, %eq3A_245, %eq3A_246 : vector<64x4096xi32>
    %jit3A_248 = arith.constant 0x7F800000 : f32
    %broadcast_in_dim3A_249 = vector.broadcast %jit3A_248 : f32 to vector<64x4096xf32>
    %select_n3A_250 = arith.select %eq3A_247, %broadcast_in_dim3A_249, %select_n3A_228 : vector<64x4096xi1>, vector<64x4096xf32>
    %reduce_min3A_251 = arith.constant dense<0x7F800000> : vector<64xf32>
    %reduce_min3A_252 = vector.multi_reduction <minimumf>, %select_n3A_250, %reduce_min3A_251 [1] : vector<64x4096xf32> to vector<64xf32>
    %broadcast_in_dim3A_253 = vector.shape_cast %reduce_min3A_252 : vector<64xf32> to vector<64x1xf32>
    %eq3A_254 = vector.broadcast %broadcast_in_dim3A_253 : vector<64x1xf32> to vector<64x4096xf32>
    %eq3A_255 = arith.cmpf oeq, %select_n3A_250, %eq3A_254 : vector<64x4096xf32>
    %jit3A_256 = arith.constant 999999 : i32
    %broadcast_in_dim3A_257 = vector.shape_cast %iota3A_121 : vector<1x4096xi32> to vector<1x4096xi32>
    %broadcast_in_dim3A_258 = vector.broadcast %broadcast_in_dim3A_257 : vector<1x4096xi32> to vector<64x4096xi32>
    %broadcast_in_dim3A_259 = vector.broadcast %jit3A_256 : i32 to vector<64x4096xi32>
    %select_n3A_260 = arith.select %eq3A_255, %broadcast_in_dim3A_258, %broadcast_in_dim3A_259 : vector<64x4096xi1>, vector<64x4096xi32>
    %reduce_min3A_261 = arith.constant dense<2147483647> : vector<64xi32>
    %reduce_min3A_262 = vector.multi_reduction <minsi>, %select_n3A_260, %reduce_min3A_261 [1] : vector<64x4096xi32> to vector<64xi32>
    %broadcast_in_dim3A_263 = vector.shape_cast %reduce_min3A_262 : vector<64xi32> to vector<64x1xi32>
    %swap3A_264 = arith.constant 0 : index
    %swap3A_265 = arith.constant 6 : index
    %swap3A_266 = vector.load %arg4[%swap3A_264, %swap3A_265] : memref<64x32xi32, #tpu.memory_space<vmem>>, vector<64x1xi32>
    tpu.vector_store %arg4[%swap3A_264, %swap3A_265], %broadcast_in_dim3A_263 {strides = array<i32>} : memref<64x32xi32, #tpu.memory_space<vmem>>, vector<64x1xi32>,
    %eq3A_267 = vector.broadcast %iota3A_121 : vector<1x4096xi32> to vector<64x4096xi32>
    %eq3A_268 = vector.broadcast %broadcast_in_dim3A_263 : vector<64x1xi32> to vector<64x4096xi32>
    %eq3A_269 = arith.cmpi eq, %eq3A_267, %eq3A_268 : vector<64x4096xi32>
    %jit3A_270 = arith.constant 0x7F800000 : f32
    %broadcast_in_dim3A_271 = vector.broadcast %jit3A_270 : f32 to vector<64x4096xf32>
    %select_n3A_272 = arith.select %eq3A_269, %broadcast_in_dim3A_271, %select_n3A_250 : vector<64x4096xi1>, vector<64x4096xf32>
    %reduce_min3A_273 = arith.constant dense<0x7F800000> : vector<64xf32>
    %reduce_min3A_274 = vector.multi_reduction <minimumf>, %select_n3A_272, %reduce_min3A_273 [1] : vector<64x4096xf32> to vector<64xf32>
    %broadcast_in_dim3A_275 = vector.shape_cast %reduce_min3A_274 : vector<64xf32> to vector<64x1xf32>
    %eq3A_276 = vector.broadcast %broadcast_in_dim3A_275 : vector<64x1xf32> to vector<64x4096xf32>
    %eq3A_277 = arith.cmpf oeq, %select_n3A_272, %eq3A_276 : vector<64x4096xf32>
    %jit3A_278 = arith.constant 999999 : i32
    %broadcast_in_dim3A_279 = vector.shape_cast %iota3A_121 : vector<1x4096xi32> to vector<1x4096xi32>
    %broadcast_in_dim3A_280 = vector.broadcast %broadcast_in_dim3A_279 : vector<1x4096xi32> to vector<64x4096xi32>
    %broadcast_in_dim3A_281 = vector.broadcast %jit3A_278 : i32 to vector<64x4096xi32>
    %select_n3A_282 = arith.select %eq3A_277, %broadcast_in_dim3A_280, %broadcast_in_dim3A_281 : vector<64x4096xi1>, vector<64x4096xi32>
    %reduce_min3A_283 = arith.constant dense<2147483647> : vector<64xi32>
    %reduce_min3A_284 = vector.multi_reduction <minsi>, %select_n3A_282, %reduce_min3A_283 [1] : vector<64x4096xi32> to vector<64xi32>
    %broadcast_in_dim3A_285 = vector.shape_cast %reduce_min3A_284 : vector<64xi32> to vector<64x1xi32>
    %swap3A_286 = arith.constant 0 : index
    %swap3A_287 = arith.constant 7 : index
    %swap3A_288 = vector.load %arg4[%swap3A_286, %swap3A_287] : memref<64x32xi32, #tpu.memory_space<vmem>>, vector<64x1xi32>
    tpu.vector_store %arg4[%swap3A_286, %swap3A_287], %broadcast_in_dim3A_285 {strides = array<i32>} : memref<64x32xi32, #tpu.memory_space<vmem>>, vector<64x1xi32>,
    %eq3A_289 = vector.broadcast %iota3A_121 : vector<1x4096xi32> to vector<64x4096xi32>
    %eq3A_290 = vector.broadcast %broadcast_in_dim3A_285 : vector<64x1xi32> to vector<64x4096xi32>
    %eq3A_291 = arith.cmpi eq, %eq3A_289, %eq3A_290 : vector<64x4096xi32>
    %jit3A_292 = arith.constant 0x7F800000 : f32
    %broadcast_in_dim3A_293 = vector.broadcast %jit3A_292 : f32 to vector<64x4096xf32>
    %select_n3A_294 = arith.select %eq3A_291, %broadcast_in_dim3A_293, %select_n3A_272 : vector<64x4096xi1>, vector<64x4096xf32>
    %reduce_min3A_295 = arith.constant dense<0x7F800000> : vector<64xf32>
    %reduce_min3A_296 = vector.multi_reduction <minimumf>, %select_n3A_294, %reduce_min3A_295 [1] : vector<64x4096xf32> to vector<64xf32>
    %broadcast_in_dim3A_297 = vector.shape_cast %reduce_min3A_296 : vector<64xf32> to vector<64x1xf32>
    %eq3A_298 = vector.broadcast %broadcast_in_dim3A_297 : vector<64x1xf32> to vector<64x4096xf32>
    %eq3A_299 = arith.cmpf oeq, %select_n3A_294, %eq3A_298 : vector<64x4096xf32>
    %jit3A_300 = arith.constant 999999 : i32
    %broadcast_in_dim3A_301 = vector.shape_cast %iota3A_121 : vector<1x4096xi32> to vector<1x4096xi32>
    %broadcast_in_dim3A_302 = vector.broadcast %broadcast_in_dim3A_301 : vector<1x4096xi32> to vector<64x4096xi32>
    %broadcast_in_dim3A_303 = vector.broadcast %jit3A_300 : i32 to vector<64x4096xi32>
    %select_n3A_304 = arith.select %eq3A_299, %broadcast_in_dim3A_302, %broadcast_in_dim3A_303 : vector<64x4096xi1>, vector<64x4096xi32>
    %reduce_min3A_305 = arith.constant dense<2147483647> : vector<64xi32>
    %reduce_min3A_306 = vector.multi_reduction <minsi>, %select_n3A_304, %reduce_min3A_305 [1] : vector<64x4096xi32> to vector<64xi32>
    %broadcast_in_dim3A_307 = vector.shape_cast %reduce_min3A_306 : vector<64xi32> to vector<64x1xi32>
    %swap3A_308 = arith.constant 0 : index
    %swap3A_309 = arith.constant 8 : index
    %swap3A_310 = vector.load %arg4[%swap3A_308, %swap3A_309] : memref<64x32xi32, #tpu.memory_space<vmem>>, vector<64x1xi32>
    tpu.vector_store %arg4[%swap3A_308, %swap3A_309], %broadcast_in_dim3A_307 {strides = array<i32>} : memref<64x32xi32, #tpu.memory_space<vmem>>, vector<64x1xi32>,
    %eq3A_311 = vector.broadcast %iota3A_121 : vector<1x4096xi32> to vector<64x4096xi32>
    %eq3A_312 = vector.broadcast %broadcast_in_dim3A_307 : vector<64x1xi32> to vector<64x4096xi32>
    %eq3A_313 = arith.cmpi eq, %eq3A_311, %eq3A_312 : vector<64x4096xi32>
    %jit3A_314 = arith.constant 0x7F800000 : f32
    %broadcast_in_dim3A_315 = vector.broadcast %jit3A_314 : f32 to vector<64x4096xf32>
    %select_n3A_316 = arith.select %eq3A_313, %broadcast_in_dim3A_315, %select_n3A_294 : vector<64x4096xi1>, vector<64x4096xf32>
    %reduce_min3A_317 = arith.constant dense<0x7F800000> : vector<64xf32>
    %reduce_min3A_318 = vector.multi_reduction <minimumf>, %select_n3A_316, %reduce_min3A_317 [1] : vector<64x4096xf32> to vector<64xf32>
    %broadcast_in_dim3A_319 = vector.shape_cast %reduce_min3A_318 : vector<64xf32> to vector<64x1xf32>
    %eq3A_320 = vector.broadcast %broadcast_in_dim3A_319 : vector<64x1xf32> to vector<64x4096xf32>
    %eq3A_321 = arith.cmpf oeq, %select_n3A_316, %eq3A_320 : vector<64x4096xf32>
    %jit3A_322 = arith.constant 999999 : i32
    %broadcast_in_dim3A_323 = vector.shape_cast %iota3A_121 : vector<1x4096xi32> to vector<1x4096xi32>
    %broadcast_in_dim3A_324 = vector.broadcast %broadcast_in_dim3A_323 : vector<1x4096xi32> to vector<64x4096xi32>
    %broadcast_in_dim3A_325 = vector.broadcast %jit3A_322 : i32 to vector<64x4096xi32>
    %select_n3A_326 = arith.select %eq3A_321, %broadcast_in_dim3A_324, %broadcast_in_dim3A_325 : vector<64x4096xi1>, vector<64x4096xi32>
    %reduce_min3A_327 = arith.constant dense<2147483647> : vector<64xi32>
    %reduce_min3A_328 = vector.multi_reduction <minsi>, %select_n3A_326, %reduce_min3A_327 [1] : vector<64x4096xi32> to vector<64xi32>
    %broadcast_in_dim3A_329 = vector.shape_cast %reduce_min3A_328 : vector<64xi32> to vector<64x1xi32>
    %swap3A_330 = arith.constant 0 : index
    %swap3A_331 = arith.constant 9 : index
    %swap3A_332 = vector.load %arg4[%swap3A_330, %swap3A_331] : memref<64x32xi32, #tpu.memory_space<vmem>>, vector<64x1xi32>
    tpu.vector_store %arg4[%swap3A_330, %swap3A_331], %broadcast_in_dim3A_329 {strides = array<i32>} : memref<64x32xi32, #tpu.memory_space<vmem>>, vector<64x1xi32>,
    %eq3A_333 = vector.broadcast %iota3A_121 : vector<1x4096xi32> to vector<64x4096xi32>
    %eq3A_334 = vector.broadcast %broadcast_in_dim3A_329 : vector<64x1xi32> to vector<64x4096xi32>
    %eq3A_335 = arith.cmpi eq, %eq3A_333, %eq3A_334 : vector<64x4096xi32>
    %jit3A_336 = arith.constant 0x7F800000 : f32
    %broadcast_in_dim3A_337 = vector.broadcast %jit3A_336 : f32 to vector<64x4096xf32>
    %select_n3A_338 = arith.select %eq3A_335, %broadcast_in_dim3A_337, %select_n3A_316 : vector<64x4096xi1>, vector<64x4096xf32>
    %reduce_min3A_339 = arith.constant dense<0x7F800000> : vector<64xf32>
    %reduce_min3A_340 = vector.multi_reduction <minimumf>, %select_n3A_338, %reduce_min3A_339 [1] : vector<64x4096xf32> to vector<64xf32>
    %broadcast_in_dim3A_341 = vector.shape_cast %reduce_min3A_340 : vector<64xf32> to vector<64x1xf32>
    %eq3A_342 = vector.broadcast %broadcast_in_dim3A_341 : vector<64x1xf32> to vector<64x4096xf32>
    %eq3A_343 = arith.cmpf oeq, %select_n3A_338, %eq3A_342 : vector<64x4096xf32>
    %jit3A_344 = arith.constant 999999 : i32
    %broadcast_in_dim3A_345 = vector.shape_cast %iota3A_121 : vector<1x4096xi32> to vector<1x4096xi32>
    %broadcast_in_dim3A_346 = vector.broadcast %broadcast_in_dim3A_345 : vector<1x4096xi32> to vector<64x4096xi32>
    %broadcast_in_dim3A_347 = vector.broadcast %jit3A_344 : i32 to vector<64x4096xi32>
    %select_n3A_348 = arith.select %eq3A_343, %broadcast_in_dim3A_346, %broadcast_in_dim3A_347 : vector<64x4096xi1>, vector<64x4096xi32>
    %reduce_min3A_349 = arith.constant dense<2147483647> : vector<64xi32>
    %reduce_min3A_350 = vector.multi_reduction <minsi>, %select_n3A_348, %reduce_min3A_349 [1] : vector<64x4096xi32> to vector<64xi32>
    %broadcast_in_dim3A_351 = vector.shape_cast %reduce_min3A_350 : vector<64xi32> to vector<64x1xi32>
    %swap3A_352 = arith.constant 0 : index
    %swap3A_353 = arith.constant 10 : index
    %swap3A_354 = vector.load %arg4[%swap3A_352, %swap3A_353] : memref<64x32xi32, #tpu.memory_space<vmem>>, vector<64x1xi32>
    tpu.vector_store %arg4[%swap3A_352, %swap3A_353], %broadcast_in_dim3A_351 {strides = array<i32>} : memref<64x32xi32, #tpu.memory_space<vmem>>, vector<64x1xi32>,
    %eq3A_355 = vector.broadcast %iota3A_121 : vector<1x4096xi32> to vector<64x4096xi32>
    %eq3A_356 = vector.broadcast %broadcast_in_dim3A_351 : vector<64x1xi32> to vector<64x4096xi32>
    %eq3A_357 = arith.cmpi eq, %eq3A_355, %eq3A_356 : vector<64x4096xi32>
    %jit3A_358 = arith.constant 0x7F800000 : f32
    %broadcast_in_dim3A_359 = vector.broadcast %jit3A_358 : f32 to vector<64x4096xf32>
    %select_n3A_360 = arith.select %eq3A_357, %broadcast_in_dim3A_359, %select_n3A_338 : vector<64x4096xi1>, vector<64x4096xf32>
    %reduce_min3A_361 = arith.constant dense<0x7F800000> : vector<64xf32>
    %reduce_min3A_362 = vector.multi_reduction <minimumf>, %select_n3A_360, %reduce_min3A_361 [1] : vector<64x4096xf32> to vector<64xf32>
    %broadcast_in_dim3A_363 = vector.shape_cast %reduce_min3A_362 : vector<64xf32> to vector<64x1xf32>
    %eq3A_364 = vector.broadcast %broadcast_in_dim3A_363 : vector<64x1xf32> to vector<64x4096xf32>
    %eq3A_365 = arith.cmpf oeq, %select_n3A_360, %eq3A_364 : vector<64x4096xf32>
    %jit3A_366 = arith.constant 999999 : i32
    %broadcast_in_dim3A_367 = vector.shape_cast %iota3A_121 : vector<1x4096xi32> to vector<1x4096xi32>
    %broadcast_in_dim3A_368 = vector.broadcast %broadcast_in_dim3A_367 : vector<1x4096xi32> to vector<64x4096xi32>
    %broadcast_in_dim3A_369 = vector.broadcast %jit3A_366 : i32 to vector<64x4096xi32>
    %select_n3A_370 = arith.select %eq3A_365, %broadcast_in_dim3A_368, %broadcast_in_dim3A_369 : vector<64x4096xi1>, vector<64x4096xi32>
    %reduce_min3A_371 = arith.constant dense<2147483647> : vector<64xi32>
    %reduce_min3A_372 = vector.multi_reduction <minsi>, %select_n3A_370, %reduce_min3A_371 [1] : vector<64x4096xi32> to vector<64xi32>
    %broadcast_in_dim3A_373 = vector.shape_cast %reduce_min3A_372 : vector<64xi32> to vector<64x1xi32>
    %swap3A_374 = arith.constant 0 : index
    %swap3A_375 = arith.constant 11 : index
    %swap3A_376 = vector.load %arg4[%swap3A_374, %swap3A_375] : memref<64x32xi32, #tpu.memory_space<vmem>>, vector<64x1xi32>
    tpu.vector_store %arg4[%swap3A_374, %swap3A_375], %broadcast_in_dim3A_373 {strides = array<i32>} : memref<64x32xi32, #tpu.memory_space<vmem>>, vector<64x1xi32>,
    %eq3A_377 = vector.broadcast %iota3A_121 : vector<1x4096xi32> to vector<64x4096xi32>
    %eq3A_378 = vector.broadcast %broadcast_in_dim3A_373 : vector<64x1xi32> to vector<64x4096xi32>
    %eq3A_379 = arith.cmpi eq, %eq3A_377, %eq3A_378 : vector<64x4096xi32>
    %jit3A_380 = arith.constant 0x7F800000 : f32
    %broadcast_in_dim3A_381 = vector.broadcast %jit3A_380 : f32 to vector<64x4096xf32>
    %select_n3A_382 = arith.select %eq3A_379, %broadcast_in_dim3A_381, %select_n3A_360 : vector<64x4096xi1>, vector<64x4096xf32>
    %reduce_min3A_383 = arith.constant dense<0x7F800000> : vector<64xf32>
    %reduce_min3A_384 = vector.multi_reduction <minimumf>, %select_n3A_382, %reduce_min3A_383 [1] : vector<64x4096xf32> to vector<64xf32>
    %broadcast_in_dim3A_385 = vector.shape_cast %reduce_min3A_384 : vector<64xf32> to vector<64x1xf32>
    %eq3A_386 = vector.broadcast %broadcast_in_dim3A_385 : vector<64x1xf32> to vector<64x4096xf32>
    %eq3A_387 = arith.cmpf oeq, %select_n3A_382, %eq3A_386 : vector<64x4096xf32>
    %jit3A_388 = arith.constant 999999 : i32
    %broadcast_in_dim3A_389 = vector.shape_cast %iota3A_121 : vector<1x4096xi32> to vector<1x4096xi32>
    %broadcast_in_dim3A_390 = vector.broadcast %broadcast_in_dim3A_389 : vector<1x4096xi32> to vector<64x4096xi32>
    %broadcast_in_dim3A_391 = vector.broadcast %jit3A_388 : i32 to vector<64x4096xi32>
    %select_n3A_392 = arith.select %eq3A_387, %broadcast_in_dim3A_390, %broadcast_in_dim3A_391 : vector<64x4096xi1>, vector<64x4096xi32>
    %reduce_min3A_393 = arith.constant dense<2147483647> : vector<64xi32>
    %reduce_min3A_394 = vector.multi_reduction <minsi>, %select_n3A_392, %reduce_min3A_393 [1] : vector<64x4096xi32> to vector<64xi32>
    %broadcast_in_dim3A_395 = vector.shape_cast %reduce_min3A_394 : vector<64xi32> to vector<64x1xi32>
    %swap3A_396 = arith.constant 0 : index
    %swap3A_397 = arith.constant 12 : index
    %swap3A_398 = vector.load %arg4[%swap3A_396, %swap3A_397] : memref<64x32xi32, #tpu.memory_space<vmem>>, vector<64x1xi32>
    tpu.vector_store %arg4[%swap3A_396, %swap3A_397], %broadcast_in_dim3A_395 {strides = array<i32>} : memref<64x32xi32, #tpu.memory_space<vmem>>, vector<64x1xi32>,
    %eq3A_399 = vector.broadcast %iota3A_121 : vector<1x4096xi32> to vector<64x4096xi32>
    %eq3A_400 = vector.broadcast %broadcast_in_dim3A_395 : vector<64x1xi32> to vector<64x4096xi32>
    %eq3A_401 = arith.cmpi eq, %eq3A_399, %eq3A_400 : vector<64x4096xi32>
    %jit3A_402 = arith.constant 0x7F800000 : f32
    %broadcast_in_dim3A_403 = vector.broadcast %jit3A_402 : f32 to vector<64x4096xf32>
    %select_n3A_404 = arith.select %eq3A_401, %broadcast_in_dim3A_403, %select_n3A_382 : vector<64x4096xi1>, vector<64x4096xf32>
    %reduce_min3A_405 = arith.constant dense<0x7F800000> : vector<64xf32>
    %reduce_min3A_406 = vector.multi_reduction <minimumf>, %select_n3A_404, %reduce_min3A_405 [1] : vector<64x4096xf32> to vector<64xf32>
    %broadcast_in_dim3A_407 = vector.shape_cast %reduce_min3A_406 : vector<64xf32> to vector<64x1xf32>
    %eq3A_408 = vector.broadcast %broadcast_in_dim3A_407 : vector<64x1xf32> to vector<64x4096xf32>
    %eq3A_409 = arith.cmpf oeq, %select_n3A_404, %eq3A_408 : vector<64x4096xf32>
    %jit3A_410 = arith.constant 999999 : i32
    %broadcast_in_dim3A_411 = vector.shape_cast %iota3A_121 : vector<1x4096xi32> to vector<1x4096xi32>
    %broadcast_in_dim3A_412 = vector.broadcast %broadcast_in_dim3A_411 : vector<1x4096xi32> to vector<64x4096xi32>
    %broadcast_in_dim3A_413 = vector.broadcast %jit3A_410 : i32 to vector<64x4096xi32>
    %select_n3A_414 = arith.select %eq3A_409, %broadcast_in_dim3A_412, %broadcast_in_dim3A_413 : vector<64x4096xi1>, vector<64x4096xi32>
    %reduce_min3A_415 = arith.constant dense<2147483647> : vector<64xi32>
    %reduce_min3A_416 = vector.multi_reduction <minsi>, %select_n3A_414, %reduce_min3A_415 [1] : vector<64x4096xi32> to vector<64xi32>
    %broadcast_in_dim3A_417 = vector.shape_cast %reduce_min3A_416 : vector<64xi32> to vector<64x1xi32>
    %swap3A_418 = arith.constant 0 : index
    %swap3A_419 = arith.constant 13 : index
    %swap3A_420 = vector.load %arg4[%swap3A_418, %swap3A_419] : memref<64x32xi32, #tpu.memory_space<vmem>>, vector<64x1xi32>
    tpu.vector_store %arg4[%swap3A_418, %swap3A_419], %broadcast_in_dim3A_417 {strides = array<i32>} : memref<64x32xi32, #tpu.memory_space<vmem>>, vector<64x1xi32>,
    %eq3A_421 = vector.broadcast %iota3A_121 : vector<1x4096xi32> to vector<64x4096xi32>
    %eq3A_422 = vector.broadcast %broadcast_in_dim3A_417 : vector<64x1xi32> to vector<64x4096xi32>
    %eq3A_423 = arith.cmpi eq, %eq3A_421, %eq3A_422 : vector<64x4096xi32>
    %jit3A_424 = arith.constant 0x7F800000 : f32
    %broadcast_in_dim3A_425 = vector.broadcast %jit3A_424 : f32 to vector<64x4096xf32>
    %select_n3A_426 = arith.select %eq3A_423, %broadcast_in_dim3A_425, %select_n3A_404 : vector<64x4096xi1>, vector<64x4096xf32>
    %reduce_min3A_427 = arith.constant dense<0x7F800000> : vector<64xf32>
    %reduce_min3A_428 = vector.multi_reduction <minimumf>, %select_n3A_426, %reduce_min3A_427 [1] : vector<64x4096xf32> to vector<64xf32>
    %broadcast_in_dim3A_429 = vector.shape_cast %reduce_min3A_428 : vector<64xf32> to vector<64x1xf32>
    %eq3A_430 = vector.broadcast %broadcast_in_dim3A_429 : vector<64x1xf32> to vector<64x4096xf32>
    %eq3A_431 = arith.cmpf oeq, %select_n3A_426, %eq3A_430 : vector<64x4096xf32>
    %jit3A_432 = arith.constant 999999 : i32
    %broadcast_in_dim3A_433 = vector.shape_cast %iota3A_121 : vector<1x4096xi32> to vector<1x4096xi32>
    %broadcast_in_dim3A_434 = vector.broadcast %broadcast_in_dim3A_433 : vector<1x4096xi32> to vector<64x4096xi32>
    %broadcast_in_dim3A_435 = vector.broadcast %jit3A_432 : i32 to vector<64x4096xi32>
    %select_n3A_436 = arith.select %eq3A_431, %broadcast_in_dim3A_434, %broadcast_in_dim3A_435 : vector<64x4096xi1>, vector<64x4096xi32>
    %reduce_min3A_437 = arith.constant dense<2147483647> : vector<64xi32>
    %reduce_min3A_438 = vector.multi_reduction <minsi>, %select_n3A_436, %reduce_min3A_437 [1] : vector<64x4096xi32> to vector<64xi32>
    %broadcast_in_dim3A_439 = vector.shape_cast %reduce_min3A_438 : vector<64xi32> to vector<64x1xi32>
    %swap3A_440 = arith.constant 0 : index
    %swap3A_441 = arith.constant 14 : index
    %swap3A_442 = vector.load %arg4[%swap3A_440, %swap3A_441] : memref<64x32xi32, #tpu.memory_space<vmem>>, vector<64x1xi32>
    tpu.vector_store %arg4[%swap3A_440, %swap3A_441], %broadcast_in_dim3A_439 {strides = array<i32>} : memref<64x32xi32, #tpu.memory_space<vmem>>, vector<64x1xi32>,
    %eq3A_443 = vector.broadcast %iota3A_121 : vector<1x4096xi32> to vector<64x4096xi32>
    %eq3A_444 = vector.broadcast %broadcast_in_dim3A_439 : vector<64x1xi32> to vector<64x4096xi32>
    %eq3A_445 = arith.cmpi eq, %eq3A_443, %eq3A_444 : vector<64x4096xi32>
    %jit3A_446 = arith.constant 0x7F800000 : f32
    %broadcast_in_dim3A_447 = vector.broadcast %jit3A_446 : f32 to vector<64x4096xf32>
    %select_n3A_448 = arith.select %eq3A_445, %broadcast_in_dim3A_447, %select_n3A_426 : vector<64x4096xi1>, vector<64x4096xf32>
    %reduce_min3A_449 = arith.constant dense<0x7F800000> : vector<64xf32>
    %reduce_min3A_450 = vector.multi_reduction <minimumf>, %select_n3A_448, %reduce_min3A_449 [1] : vector<64x4096xf32> to vector<64xf32>
    %broadcast_in_dim3A_451 = vector.shape_cast %reduce_min3A_450 : vector<64xf32> to vector<64x1xf32>
    %eq3A_452 = vector.broadcast %broadcast_in_dim3A_451 : vector<64x1xf32> to vector<64x4096xf32>
    %eq3A_453 = arith.cmpf oeq, %select_n3A_448, %eq3A_452 : vector<64x4096xf32>
    %jit3A_454 = arith.constant 999999 : i32
    %broadcast_in_dim3A_455 = vector.shape_cast %iota3A_121 : vector<1x4096xi32> to vector<1x4096xi32>
    %broadcast_in_dim3A_456 = vector.broadcast %broadcast_in_dim3A_455 : vector<1x4096xi32> to vector<64x4096xi32>
    %broadcast_in_dim3A_457 = vector.broadcast %jit3A_454 : i32 to vector<64x4096xi32>
    %select_n3A_458 = arith.select %eq3A_453, %broadcast_in_dim3A_456, %broadcast_in_dim3A_457 : vector<64x4096xi1>, vector<64x4096xi32>
    %reduce_min3A_459 = arith.constant dense<2147483647> : vector<64xi32>
    %reduce_min3A_460 = vector.multi_reduction <minsi>, %select_n3A_458, %reduce_min3A_459 [1] : vector<64x4096xi32> to vector<64xi32>
    %broadcast_in_dim3A_461 = vector.shape_cast %reduce_min3A_460 : vector<64xi32> to vector<64x1xi32>
    %swap3A_462 = arith.constant 0 : index
    %swap3A_463 = arith.constant 15 : index
    %swap3A_464 = vector.load %arg4[%swap3A_462, %swap3A_463] : memref<64x32xi32, #tpu.memory_space<vmem>>, vector<64x1xi32>
    tpu.vector_store %arg4[%swap3A_462, %swap3A_463], %broadcast_in_dim3A_461 {strides = array<i32>} : memref<64x32xi32, #tpu.memory_space<vmem>>, vector<64x1xi32>,
    %eq3A_465 = vector.broadcast %iota3A_121 : vector<1x4096xi32> to vector<64x4096xi32>
    %eq3A_466 = vector.broadcast %broadcast_in_dim3A_461 : vector<64x1xi32> to vector<64x4096xi32>
    %eq3A_467 = arith.cmpi eq, %eq3A_465, %eq3A_466 : vector<64x4096xi32>
    %jit3A_468 = arith.constant 0x7F800000 : f32
    %broadcast_in_dim3A_469 = vector.broadcast %jit3A_468 : f32 to vector<64x4096xf32>
    %select_n3A_470 = arith.select %eq3A_467, %broadcast_in_dim3A_469, %select_n3A_448 : vector<64x4096xi1>, vector<64x4096xf32>
    %reduce_min3A_471 = arith.constant dense<0x7F800000> : vector<64xf32>
    %reduce_min3A_472 = vector.multi_reduction <minimumf>, %select_n3A_470, %reduce_min3A_471 [1] : vector<64x4096xf32> to vector<64xf32>
    %broadcast_in_dim3A_473 = vector.shape_cast %reduce_min3A_472 : vector<64xf32> to vector<64x1xf32>
    %eq3A_474 = vector.broadcast %broadcast_in_dim3A_473 : vector<64x1xf32> to vector<64x4096xf32>
    %eq3A_475 = arith.cmpf oeq, %select_n3A_470, %eq3A_474 : vector<64x4096xf32>
    %jit3A_476 = arith.constant 999999 : i32
    %broadcast_in_dim3A_477 = vector.shape_cast %iota3A_121 : vector<1x4096xi32> to vector<1x4096xi32>
    %broadcast_in_dim3A_478 = vector.broadcast %broadcast_in_dim3A_477 : vector<1x4096xi32> to vector<64x4096xi32>
    %broadcast_in_dim3A_479 = vector.broadcast %jit3A_476 : i32 to vector<64x4096xi32>
    %select_n3A_480 = arith.select %eq3A_475, %broadcast_in_dim3A_478, %broadcast_in_dim3A_479 : vector<64x4096xi1>, vector<64x4096xi32>
    %reduce_min3A_481 = arith.constant dense<2147483647> : vector<64xi32>
    %reduce_min3A_482 = vector.multi_reduction <minsi>, %select_n3A_480, %reduce_min3A_481 [1] : vector<64x4096xi32> to vector<64xi32>
    %broadcast_in_dim3A_483 = vector.shape_cast %reduce_min3A_482 : vector<64xi32> to vector<64x1xi32>
    %swap3A_484 = arith.constant 0 : index
    %swap3A_485 = arith.constant 16 : index
    %swap3A_486 = vector.load %arg4[%swap3A_484, %swap3A_485] : memref<64x32xi32, #tpu.memory_space<vmem>>, vector<64x1xi32>
    tpu.vector_store %arg4[%swap3A_484, %swap3A_485], %broadcast_in_dim3A_483 {strides = array<i32>} : memref<64x32xi32, #tpu.memory_space<vmem>>, vector<64x1xi32>,
    %eq3A_487 = vector.broadcast %iota3A_121 : vector<1x4096xi32> to vector<64x4096xi32>
    %eq3A_488 = vector.broadcast %broadcast_in_dim3A_483 : vector<64x1xi32> to vector<64x4096xi32>
    %eq3A_489 = arith.cmpi eq, %eq3A_487, %eq3A_488 : vector<64x4096xi32>
    %jit3A_490 = arith.constant 0x7F800000 : f32
    %broadcast_in_dim3A_491 = vector.broadcast %jit3A_490 : f32 to vector<64x4096xf32>
    %select_n3A_492 = arith.select %eq3A_489, %broadcast_in_dim3A_491, %select_n3A_470 : vector<64x4096xi1>, vector<64x4096xf32>
    %reduce_min3A_493 = arith.constant dense<0x7F800000> : vector<64xf32>
    %reduce_min3A_494 = vector.multi_reduction <minimumf>, %select_n3A_492, %reduce_min3A_493 [1] : vector<64x4096xf32> to vector<64xf32>
    %broadcast_in_dim3A_495 = vector.shape_cast %reduce_min3A_494 : vector<64xf32> to vector<64x1xf32>
    %eq3A_496 = vector.broadcast %broadcast_in_dim3A_495 : vector<64x1xf32> to vector<64x4096xf32>
    %eq3A_497 = arith.cmpf oeq, %select_n3A_492, %eq3A_496 : vector<64x4096xf32>
    %jit3A_498 = arith.constant 999999 : i32
    %broadcast_in_dim3A_499 = vector.shape_cast %iota3A_121 : vector<1x4096xi32> to vector<1x4096xi32>
    %broadcast_in_dim3A_500 = vector.broadcast %broadcast_in_dim3A_499 : vector<1x4096xi32> to vector<64x4096xi32>
    %broadcast_in_dim3A_501 = vector.broadcast %jit3A_498 : i32 to vector<64x4096xi32>
    %select_n3A_502 = arith.select %eq3A_497, %broadcast_in_dim3A_500, %broadcast_in_dim3A_501 : vector<64x4096xi1>, vector<64x4096xi32>
    %reduce_min3A_503 = arith.constant dense<2147483647> : vector<64xi32>
    %reduce_min3A_504 = vector.multi_reduction <minsi>, %select_n3A_502, %reduce_min3A_503 [1] : vector<64x4096xi32> to vector<64xi32>
    %broadcast_in_dim3A_505 = vector.shape_cast %reduce_min3A_504 : vector<64xi32> to vector<64x1xi32>
    %swap3A_506 = arith.constant 0 : index
    %swap3A_507 = arith.constant 17 : index
    %swap3A_508 = vector.load %arg4[%swap3A_506, %swap3A_507] : memref<64x32xi32, #tpu.memory_space<vmem>>, vector<64x1xi32>
    tpu.vector_store %arg4[%swap3A_506, %swap3A_507], %broadcast_in_dim3A_505 {strides = array<i32>} : memref<64x32xi32, #tpu.memory_space<vmem>>, vector<64x1xi32>,
    %eq3A_509 = vector.broadcast %iota3A_121 : vector<1x4096xi32> to vector<64x4096xi32>
    %eq3A_510 = vector.broadcast %broadcast_in_dim3A_505 : vector<64x1xi32> to vector<64x4096xi32>
    %eq3A_511 = arith.cmpi eq, %eq3A_509, %eq3A_510 : vector<64x4096xi32>
    %jit3A_512 = arith.constant 0x7F800000 : f32
    %broadcast_in_dim3A_513 = vector.broadcast %jit3A_512 : f32 to vector<64x4096xf32>
    %select_n3A_514 = arith.select %eq3A_511, %broadcast_in_dim3A_513, %select_n3A_492 : vector<64x4096xi1>, vector<64x4096xf32>
    %reduce_min3A_515 = arith.constant dense<0x7F800000> : vector<64xf32>
    %reduce_min3A_516 = vector.multi_reduction <minimumf>, %select_n3A_514, %reduce_min3A_515 [1] : vector<64x4096xf32> to vector<64xf32>
    %broadcast_in_dim3A_517 = vector.shape_cast %reduce_min3A_516 : vector<64xf32> to vector<64x1xf32>
    %eq3A_518 = vector.broadcast %broadcast_in_dim3A_517 : vector<64x1xf32> to vector<64x4096xf32>
    %eq3A_519 = arith.cmpf oeq, %select_n3A_514, %eq3A_518 : vector<64x4096xf32>
    %jit3A_520 = arith.constant 999999 : i32
    %broadcast_in_dim3A_521 = vector.shape_cast %iota3A_121 : vector<1x4096xi32> to vector<1x4096xi32>
    %broadcast_in_dim3A_522 = vector.broadcast %broadcast_in_dim3A_521 : vector<1x4096xi32> to vector<64x4096xi32>
    %broadcast_in_dim3A_523 = vector.broadcast %jit3A_520 : i32 to vector<64x4096xi32>
    %select_n3A_524 = arith.select %eq3A_519, %broadcast_in_dim3A_522, %broadcast_in_dim3A_523 : vector<64x4096xi1>, vector<64x4096xi32>
    %reduce_min3A_525 = arith.constant dense<2147483647> : vector<64xi32>
    %reduce_min3A_526 = vector.multi_reduction <minsi>, %select_n3A_524, %reduce_min3A_525 [1] : vector<64x4096xi32> to vector<64xi32>
    %broadcast_in_dim3A_527 = vector.shape_cast %reduce_min3A_526 : vector<64xi32> to vector<64x1xi32>
    %swap3A_528 = arith.constant 0 : index
    %swap3A_529 = arith.constant 18 : index
    %swap3A_530 = vector.load %arg4[%swap3A_528, %swap3A_529] : memref<64x32xi32, #tpu.memory_space<vmem>>, vector<64x1xi32>
    tpu.vector_store %arg4[%swap3A_528, %swap3A_529], %broadcast_in_dim3A_527 {strides = array<i32>} : memref<64x32xi32, #tpu.memory_space<vmem>>, vector<64x1xi32>,
    %eq3A_531 = vector.broadcast %iota3A_121 : vector<1x4096xi32> to vector<64x4096xi32>
    %eq3A_532 = vector.broadcast %broadcast_in_dim3A_527 : vector<64x1xi32> to vector<64x4096xi32>
    %eq3A_533 = arith.cmpi eq, %eq3A_531, %eq3A_532 : vector<64x4096xi32>
    %jit3A_534 = arith.constant 0x7F800000 : f32
    %broadcast_in_dim3A_535 = vector.broadcast %jit3A_534 : f32 to vector<64x4096xf32>
    %select_n3A_536 = arith.select %eq3A_533, %broadcast_in_dim3A_535, %select_n3A_514 : vector<64x4096xi1>, vector<64x4096xf32>
    %reduce_min3A_537 = arith.constant dense<0x7F800000> : vector<64xf32>
    %reduce_min3A_538 = vector.multi_reduction <minimumf>, %select_n3A_536, %reduce_min3A_537 [1] : vector<64x4096xf32> to vector<64xf32>
    %broadcast_in_dim3A_539 = vector.shape_cast %reduce_min3A_538 : vector<64xf32> to vector<64x1xf32>
    %eq3A_540 = vector.broadcast %broadcast_in_dim3A_539 : vector<64x1xf32> to vector<64x4096xf32>
    %eq3A_541 = arith.cmpf oeq, %select_n3A_536, %eq3A_540 : vector<64x4096xf32>
    %jit3A_542 = arith.constant 999999 : i32
    %broadcast_in_dim3A_543 = vector.shape_cast %iota3A_121 : vector<1x4096xi32> to vector<1x4096xi32>
    %broadcast_in_dim3A_544 = vector.broadcast %broadcast_in_dim3A_543 : vector<1x4096xi32> to vector<64x4096xi32>
    %broadcast_in_dim3A_545 = vector.broadcast %jit3A_542 : i32 to vector<64x4096xi32>
    %select_n3A_546 = arith.select %eq3A_541, %broadcast_in_dim3A_544, %broadcast_in_dim3A_545 : vector<64x4096xi1>, vector<64x4096xi32>
    %reduce_min3A_547 = arith.constant dense<2147483647> : vector<64xi32>
    %reduce_min3A_548 = vector.multi_reduction <minsi>, %select_n3A_546, %reduce_min3A_547 [1] : vector<64x4096xi32> to vector<64xi32>
    %broadcast_in_dim3A_549 = vector.shape_cast %reduce_min3A_548 : vector<64xi32> to vector<64x1xi32>
    %swap3A_550 = arith.constant 0 : index
    %swap3A_551 = arith.constant 19 : index
    %swap3A_552 = vector.load %arg4[%swap3A_550, %swap3A_551] : memref<64x32xi32, #tpu.memory_space<vmem>>, vector<64x1xi32>
    tpu.vector_store %arg4[%swap3A_550, %swap3A_551], %broadcast_in_dim3A_549 {strides = array<i32>} : memref<64x32xi32, #tpu.memory_space<vmem>>, vector<64x1xi32>,
    %eq3A_553 = vector.broadcast %iota3A_121 : vector<1x4096xi32> to vector<64x4096xi32>
    %eq3A_554 = vector.broadcast %broadcast_in_dim3A_549 : vector<64x1xi32> to vector<64x4096xi32>
    %eq3A_555 = arith.cmpi eq, %eq3A_553, %eq3A_554 : vector<64x4096xi32>
    %jit3A_556 = arith.constant 0x7F800000 : f32
    %broadcast_in_dim3A_557 = vector.broadcast %jit3A_556 : f32 to vector<64x4096xf32>
    %select_n3A_558 = arith.select %eq3A_555, %broadcast_in_dim3A_557, %select_n3A_536 : vector<64x4096xi1>, vector<64x4096xf32>
    %reduce_min3A_559 = arith.constant dense<0x7F800000> : vector<64xf32>
    %reduce_min3A_560 = vector.multi_reduction <minimumf>, %select_n3A_558, %reduce_min3A_559 [1] : vector<64x4096xf32> to vector<64xf32>
    %broadcast_in_dim3A_561 = vector.shape_cast %reduce_min3A_560 : vector<64xf32> to vector<64x1xf32>
    %eq3A_562 = vector.broadcast %broadcast_in_dim3A_561 : vector<64x1xf32> to vector<64x4096xf32>
    %eq3A_563 = arith.cmpf oeq, %select_n3A_558, %eq3A_562 : vector<64x4096xf32>
    %jit3A_564 = arith.constant 999999 : i32
    %broadcast_in_dim3A_565 = vector.shape_cast %iota3A_121 : vector<1x4096xi32> to vector<1x4096xi32>
    %broadcast_in_dim3A_566 = vector.broadcast %broadcast_in_dim3A_565 : vector<1x4096xi32> to vector<64x4096xi32>
    %broadcast_in_dim3A_567 = vector.broadcast %jit3A_564 : i32 to vector<64x4096xi32>
    %select_n3A_568 = arith.select %eq3A_563, %broadcast_in_dim3A_566, %broadcast_in_dim3A_567 : vector<64x4096xi1>, vector<64x4096xi32>
    %reduce_min3A_569 = arith.constant dense<2147483647> : vector<64xi32>
    %reduce_min3A_570 = vector.multi_reduction <minsi>, %select_n3A_568, %reduce_min3A_569 [1] : vector<64x4096xi32> to vector<64xi32>
    %broadcast_in_dim3A_571 = vector.shape_cast %reduce_min3A_570 : vector<64xi32> to vector<64x1xi32>
    %swap3A_572 = arith.constant 0 : index
    %swap3A_573 = arith.constant 20 : index
    %swap3A_574 = vector.load %arg4[%swap3A_572, %swap3A_573] : memref<64x32xi32, #tpu.memory_space<vmem>>, vector<64x1xi32>
    tpu.vector_store %arg4[%swap3A_572, %swap3A_573], %broadcast_in_dim3A_571 {strides = array<i32>} : memref<64x32xi32, #tpu.memory_space<vmem>>, vector<64x1xi32>,
    %eq3A_575 = vector.broadcast %iota3A_121 : vector<1x4096xi32> to vector<64x4096xi32>
    %eq3A_576 = vector.broadcast %broadcast_in_dim3A_571 : vector<64x1xi32> to vector<64x4096xi32>
    %eq3A_577 = arith.cmpi eq, %eq3A_575, %eq3A_576 : vector<64x4096xi32>
    %jit3A_578 = arith.constant 0x7F800000 : f32
    %broadcast_in_dim3A_579 = vector.broadcast %jit3A_578 : f32 to vector<64x4096xf32>
    %select_n3A_580 = arith.select %eq3A_577, %broadcast_in_dim3A_579, %select_n3A_558 : vector<64x4096xi1>, vector<64x4096xf32>
    %reduce_min3A_581 = arith.constant dense<0x7F800000> : vector<64xf32>
    %reduce_min3A_582 = vector.multi_reduction <minimumf>, %select_n3A_580, %reduce_min3A_581 [1] : vector<64x4096xf32> to vector<64xf32>
    %broadcast_in_dim3A_583 = vector.shape_cast %reduce_min3A_582 : vector<64xf32> to vector<64x1xf32>
    %eq3A_584 = vector.broadcast %broadcast_in_dim3A_583 : vector<64x1xf32> to vector<64x4096xf32>
    %eq3A_585 = arith.cmpf oeq, %select_n3A_580, %eq3A_584 : vector<64x4096xf32>
    %jit3A_586 = arith.constant 999999 : i32
    %broadcast_in_dim3A_587 = vector.shape_cast %iota3A_121 : vector<1x4096xi32> to vector<1x4096xi32>
    %broadcast_in_dim3A_588 = vector.broadcast %broadcast_in_dim3A_587 : vector<1x4096xi32> to vector<64x4096xi32>
    %broadcast_in_dim3A_589 = vector.broadcast %jit3A_586 : i32 to vector<64x4096xi32>
    %select_n3A_590 = arith.select %eq3A_585, %broadcast_in_dim3A_588, %broadcast_in_dim3A_589 : vector<64x4096xi1>, vector<64x4096xi32>
    %reduce_min3A_591 = arith.constant dense<2147483647> : vector<64xi32>
    %reduce_min3A_592 = vector.multi_reduction <minsi>, %select_n3A_590, %reduce_min3A_591 [1] : vector<64x4096xi32> to vector<64xi32>
    %broadcast_in_dim3A_593 = vector.shape_cast %reduce_min3A_592 : vector<64xi32> to vector<64x1xi32>
    %swap3A_594 = arith.constant 0 : index
    %swap3A_595 = arith.constant 21 : index
    %swap3A_596 = vector.load %arg4[%swap3A_594, %swap3A_595] : memref<64x32xi32, #tpu.memory_space<vmem>>, vector<64x1xi32>
    tpu.vector_store %arg4[%swap3A_594, %swap3A_595], %broadcast_in_dim3A_593 {strides = array<i32>} : memref<64x32xi32, #tpu.memory_space<vmem>>, vector<64x1xi32>,
    %eq3A_597 = vector.broadcast %iota3A_121 : vector<1x4096xi32> to vector<64x4096xi32>
    %eq3A_598 = vector.broadcast %broadcast_in_dim3A_593 : vector<64x1xi32> to vector<64x4096xi32>
    %eq3A_599 = arith.cmpi eq, %eq3A_597, %eq3A_598 : vector<64x4096xi32>
    %jit3A_600 = arith.constant 0x7F800000 : f32
    %broadcast_in_dim3A_601 = vector.broadcast %jit3A_600 : f32 to vector<64x4096xf32>
    %select_n3A_602 = arith.select %eq3A_599, %broadcast_in_dim3A_601, %select_n3A_580 : vector<64x4096xi1>, vector<64x4096xf32>
    %reduce_min3A_603 = arith.constant dense<0x7F800000> : vector<64xf32>
    %reduce_min3A_604 = vector.multi_reduction <minimumf>, %select_n3A_602, %reduce_min3A_603 [1] : vector<64x4096xf32> to vector<64xf32>
    %broadcast_in_dim3A_605 = vector.shape_cast %reduce_min3A_604 : vector<64xf32> to vector<64x1xf32>
    %eq3A_606 = vector.broadcast %broadcast_in_dim3A_605 : vector<64x1xf32> to vector<64x4096xf32>
    %eq3A_607 = arith.cmpf oeq, %select_n3A_602, %eq3A_606 : vector<64x4096xf32>
    %jit3A_608 = arith.constant 999999 : i32
    %broadcast_in_dim3A_609 = vector.shape_cast %iota3A_121 : vector<1x4096xi32> to vector<1x4096xi32>
    %broadcast_in_dim3A_610 = vector.broadcast %broadcast_in_dim3A_609 : vector<1x4096xi32> to vector<64x4096xi32>
    %broadcast_in_dim3A_611 = vector.broadcast %jit3A_608 : i32 to vector<64x4096xi32>
    %select_n3A_612 = arith.select %eq3A_607, %broadcast_in_dim3A_610, %broadcast_in_dim3A_611 : vector<64x4096xi1>, vector<64x4096xi32>
    %reduce_min3A_613 = arith.constant dense<2147483647> : vector<64xi32>
    %reduce_min3A_614 = vector.multi_reduction <minsi>, %select_n3A_612, %reduce_min3A_613 [1] : vector<64x4096xi32> to vector<64xi32>
    %broadcast_in_dim3A_615 = vector.shape_cast %reduce_min3A_614 : vector<64xi32> to vector<64x1xi32>
    %swap3A_616 = arith.constant 0 : index
    %swap3A_617 = arith.constant 22 : index
    %swap3A_618 = vector.load %arg4[%swap3A_616, %swap3A_617] : memref<64x32xi32, #tpu.memory_space<vmem>>, vector<64x1xi32>
    tpu.vector_store %arg4[%swap3A_616, %swap3A_617], %broadcast_in_dim3A_615 {strides = array<i32>} : memref<64x32xi32, #tpu.memory_space<vmem>>, vector<64x1xi32>,
    %eq3A_619 = vector.broadcast %iota3A_121 : vector<1x4096xi32> to vector<64x4096xi32>
    %eq3A_620 = vector.broadcast %broadcast_in_dim3A_615 : vector<64x1xi32> to vector<64x4096xi32>
    %eq3A_621 = arith.cmpi eq, %eq3A_619, %eq3A_620 : vector<64x4096xi32>
    %jit3A_622 = arith.constant 0x7F800000 : f32
    %broadcast_in_dim3A_623 = vector.broadcast %jit3A_622 : f32 to vector<64x4096xf32>
    %select_n3A_624 = arith.select %eq3A_621, %broadcast_in_dim3A_623, %select_n3A_602 : vector<64x4096xi1>, vector<64x4096xf32>
    %reduce_min3A_625 = arith.constant dense<0x7F800000> : vector<64xf32>
    %reduce_min3A_626 = vector.multi_reduction <minimumf>, %select_n3A_624, %reduce_min3A_625 [1] : vector<64x4096xf32> to vector<64xf32>
    %broadcast_in_dim3A_627 = vector.shape_cast %reduce_min3A_626 : vector<64xf32> to vector<64x1xf32>
    %eq3A_628 = vector.broadcast %broadcast_in_dim3A_627 : vector<64x1xf32> to vector<64x4096xf32>
    %eq3A_629 = arith.cmpf oeq, %select_n3A_624, %eq3A_628 : vector<64x4096xf32>
    %jit3A_630 = arith.constant 999999 : i32
    %broadcast_in_dim3A_631 = vector.shape_cast %iota3A_121 : vector<1x4096xi32> to vector<1x4096xi32>
    %broadcast_in_dim3A_632 = vector.broadcast %broadcast_in_dim3A_631 : vector<1x4096xi32> to vector<64x4096xi32>
    %broadcast_in_dim3A_633 = vector.broadcast %jit3A_630 : i32 to vector<64x4096xi32>
    %select_n3A_634 = arith.select %eq3A_629, %broadcast_in_dim3A_632, %broadcast_in_dim3A_633 : vector<64x4096xi1>, vector<64x4096xi32>
    %reduce_min3A_635 = arith.constant dense<2147483647> : vector<64xi32>
    %reduce_min3A_636 = vector.multi_reduction <minsi>, %select_n3A_634, %reduce_min3A_635 [1] : vector<64x4096xi32> to vector<64xi32>
    %broadcast_in_dim3A_637 = vector.shape_cast %reduce_min3A_636 : vector<64xi32> to vector<64x1xi32>
    %swap3A_638 = arith.constant 0 : index
    %swap3A_639 = arith.constant 23 : index
    %swap3A_640 = vector.load %arg4[%swap3A_638, %swap3A_639] : memref<64x32xi32, #tpu.memory_space<vmem>>, vector<64x1xi32>
    tpu.vector_store %arg4[%swap3A_638, %swap3A_639], %broadcast_in_dim3A_637 {strides = array<i32>} : memref<64x32xi32, #tpu.memory_space<vmem>>, vector<64x1xi32>,
    %eq3A_641 = vector.broadcast %iota3A_121 : vector<1x4096xi32> to vector<64x4096xi32>
    %eq3A_642 = vector.broadcast %broadcast_in_dim3A_637 : vector<64x1xi32> to vector<64x4096xi32>
    %eq3A_643 = arith.cmpi eq, %eq3A_641, %eq3A_642 : vector<64x4096xi32>
    %jit3A_644 = arith.constant 0x7F800000 : f32
    %broadcast_in_dim3A_645 = vector.broadcast %jit3A_644 : f32 to vector<64x4096xf32>
    %select_n3A_646 = arith.select %eq3A_643, %broadcast_in_dim3A_645, %select_n3A_624 : vector<64x4096xi1>, vector<64x4096xf32>
    %reduce_min3A_647 = arith.constant dense<0x7F800000> : vector<64xf32>
    %reduce_min3A_648 = vector.multi_reduction <minimumf>, %select_n3A_646, %reduce_min3A_647 [1] : vector<64x4096xf32> to vector<64xf32>
    %broadcast_in_dim3A_649 = vector.shape_cast %reduce_min3A_648 : vector<64xf32> to vector<64x1xf32>
    %eq3A_650 = vector.broadcast %broadcast_in_dim3A_649 : vector<64x1xf32> to vector<64x4096xf32>
    %eq3A_651 = arith.cmpf oeq, %select_n3A_646, %eq3A_650 : vector<64x4096xf32>
    %jit3A_652 = arith.constant 999999 : i32
    %broadcast_in_dim3A_653 = vector.shape_cast %iota3A_121 : vector<1x4096xi32> to vector<1x4096xi32>
    %broadcast_in_dim3A_654 = vector.broadcast %broadcast_in_dim3A_653 : vector<1x4096xi32> to vector<64x4096xi32>
    %broadcast_in_dim3A_655 = vector.broadcast %jit3A_652 : i32 to vector<64x4096xi32>
    %select_n3A_656 = arith.select %eq3A_651, %broadcast_in_dim3A_654, %broadcast_in_dim3A_655 : vector<64x4096xi1>, vector<64x4096xi32>
    %reduce_min3A_657 = arith.constant dense<2147483647> : vector<64xi32>
    %reduce_min3A_658 = vector.multi_reduction <minsi>, %select_n3A_656, %reduce_min3A_657 [1] : vector<64x4096xi32> to vector<64xi32>
    %broadcast_in_dim3A_659 = vector.shape_cast %reduce_min3A_658 : vector<64xi32> to vector<64x1xi32>
    %swap3A_660 = arith.constant 0 : index
    %swap3A_661 = arith.constant 24 : index
    %swap3A_662 = vector.load %arg4[%swap3A_660, %swap3A_661] : memref<64x32xi32, #tpu.memory_space<vmem>>, vector<64x1xi32>
    tpu.vector_store %arg4[%swap3A_660, %swap3A_661], %broadcast_in_dim3A_659 {strides = array<i32>} : memref<64x32xi32, #tpu.memory_space<vmem>>, vector<64x1xi32>,
    %eq3A_663 = vector.broadcast %iota3A_121 : vector<1x4096xi32> to vector<64x4096xi32>
    %eq3A_664 = vector.broadcast %broadcast_in_dim3A_659 : vector<64x1xi32> to vector<64x4096xi32>
    %eq3A_665 = arith.cmpi eq, %eq3A_663, %eq3A_664 : vector<64x4096xi32>
    %jit3A_666 = arith.constant 0x7F800000 : f32
    %broadcast_in_dim3A_667 = vector.broadcast %jit3A_666 : f32 to vector<64x4096xf32>
    %select_n3A_668 = arith.select %eq3A_665, %broadcast_in_dim3A_667, %select_n3A_646 : vector<64x4096xi1>, vector<64x4096xf32>
    %reduce_min3A_669 = arith.constant dense<0x7F800000> : vector<64xf32>
    %reduce_min3A_670 = vector.multi_reduction <minimumf>, %select_n3A_668, %reduce_min3A_669 [1] : vector<64x4096xf32> to vector<64xf32>
    %broadcast_in_dim3A_671 = vector.shape_cast %reduce_min3A_670 : vector<64xf32> to vector<64x1xf32>
    %eq3A_672 = vector.broadcast %broadcast_in_dim3A_671 : vector<64x1xf32> to vector<64x4096xf32>
    %eq3A_673 = arith.cmpf oeq, %select_n3A_668, %eq3A_672 : vector<64x4096xf32>
    %jit3A_674 = arith.constant 999999 : i32
    %broadcast_in_dim3A_675 = vector.shape_cast %iota3A_121 : vector<1x4096xi32> to vector<1x4096xi32>
    %broadcast_in_dim3A_676 = vector.broadcast %broadcast_in_dim3A_675 : vector<1x4096xi32> to vector<64x4096xi32>
    %broadcast_in_dim3A_677 = vector.broadcast %jit3A_674 : i32 to vector<64x4096xi32>
    %select_n3A_678 = arith.select %eq3A_673, %broadcast_in_dim3A_676, %broadcast_in_dim3A_677 : vector<64x4096xi1>, vector<64x4096xi32>
    %reduce_min3A_679 = arith.constant dense<2147483647> : vector<64xi32>
    %reduce_min3A_680 = vector.multi_reduction <minsi>, %select_n3A_678, %reduce_min3A_679 [1] : vector<64x4096xi32> to vector<64xi32>
    %broadcast_in_dim3A_681 = vector.shape_cast %reduce_min3A_680 : vector<64xi32> to vector<64x1xi32>
    %swap3A_682 = arith.constant 0 : index
    %swap3A_683 = arith.constant 25 : index
    %swap3A_684 = vector.load %arg4[%swap3A_682, %swap3A_683] : memref<64x32xi32, #tpu.memory_space<vmem>>, vector<64x1xi32>
    tpu.vector_store %arg4[%swap3A_682, %swap3A_683], %broadcast_in_dim3A_681 {strides = array<i32>} : memref<64x32xi32, #tpu.memory_space<vmem>>, vector<64x1xi32>,
    %eq3A_685 = vector.broadcast %iota3A_121 : vector<1x4096xi32> to vector<64x4096xi32>
    %eq3A_686 = vector.broadcast %broadcast_in_dim3A_681 : vector<64x1xi32> to vector<64x4096xi32>
    %eq3A_687 = arith.cmpi eq, %eq3A_685, %eq3A_686 : vector<64x4096xi32>
    %jit3A_688 = arith.constant 0x7F800000 : f32
    %broadcast_in_dim3A_689 = vector.broadcast %jit3A_688 : f32 to vector<64x4096xf32>
    %select_n3A_690 = arith.select %eq3A_687, %broadcast_in_dim3A_689, %select_n3A_668 : vector<64x4096xi1>, vector<64x4096xf32>
    %reduce_min3A_691 = arith.constant dense<0x7F800000> : vector<64xf32>
    %reduce_min3A_692 = vector.multi_reduction <minimumf>, %select_n3A_690, %reduce_min3A_691 [1] : vector<64x4096xf32> to vector<64xf32>
    %broadcast_in_dim3A_693 = vector.shape_cast %reduce_min3A_692 : vector<64xf32> to vector<64x1xf32>
    %eq3A_694 = vector.broadcast %broadcast_in_dim3A_693 : vector<64x1xf32> to vector<64x4096xf32>
    %eq3A_695 = arith.cmpf oeq, %select_n3A_690, %eq3A_694 : vector<64x4096xf32>
    %jit3A_696 = arith.constant 999999 : i32
    %broadcast_in_dim3A_697 = vector.shape_cast %iota3A_121 : vector<1x4096xi32> to vector<1x4096xi32>
    %broadcast_in_dim3A_698 = vector.broadcast %broadcast_in_dim3A_697 : vector<1x4096xi32> to vector<64x4096xi32>
    %broadcast_in_dim3A_699 = vector.broadcast %jit3A_696 : i32 to vector<64x4096xi32>
    %select_n3A_700 = arith.select %eq3A_695, %broadcast_in_dim3A_698, %broadcast_in_dim3A_699 : vector<64x4096xi1>, vector<64x4096xi32>
    %reduce_min3A_701 = arith.constant dense<2147483647> : vector<64xi32>
    %reduce_min3A_702 = vector.multi_reduction <minsi>, %select_n3A_700, %reduce_min3A_701 [1] : vector<64x4096xi32> to vector<64xi32>
    %broadcast_in_dim3A_703 = vector.shape_cast %reduce_min3A_702 : vector<64xi32> to vector<64x1xi32>
    %swap3A_704 = arith.constant 0 : index
    %swap3A_705 = arith.constant 26 : index
    %swap3A_706 = vector.load %arg4[%swap3A_704, %swap3A_705] : memref<64x32xi32, #tpu.memory_space<vmem>>, vector<64x1xi32>
    tpu.vector_store %arg4[%swap3A_704, %swap3A_705], %broadcast_in_dim3A_703 {strides = array<i32>} : memref<64x32xi32, #tpu.memory_space<vmem>>, vector<64x1xi32>,
    %eq3A_707 = vector.broadcast %iota3A_121 : vector<1x4096xi32> to vector<64x4096xi32>
    %eq3A_708 = vector.broadcast %broadcast_in_dim3A_703 : vector<64x1xi32> to vector<64x4096xi32>
    %eq3A_709 = arith.cmpi eq, %eq3A_707, %eq3A_708 : vector<64x4096xi32>
    %jit3A_710 = arith.constant 0x7F800000 : f32
    %broadcast_in_dim3A_711 = vector.broadcast %jit3A_710 : f32 to vector<64x4096xf32>
    %select_n3A_712 = arith.select %eq3A_709, %broadcast_in_dim3A_711, %select_n3A_690 : vector<64x4096xi1>, vector<64x4096xf32>
    %reduce_min3A_713 = arith.constant dense<0x7F800000> : vector<64xf32>
    %reduce_min3A_714 = vector.multi_reduction <minimumf>, %select_n3A_712, %reduce_min3A_713 [1] : vector<64x4096xf32> to vector<64xf32>
    %broadcast_in_dim3A_715 = vector.shape_cast %reduce_min3A_714 : vector<64xf32> to vector<64x1xf32>
    %eq3A_716 = vector.broadcast %broadcast_in_dim3A_715 : vector<64x1xf32> to vector<64x4096xf32>
    %eq3A_717 = arith.cmpf oeq, %select_n3A_712, %eq3A_716 : vector<64x4096xf32>
    %jit3A_718 = arith.constant 999999 : i32
    %broadcast_in_dim3A_719 = vector.shape_cast %iota3A_121 : vector<1x4096xi32> to vector<1x4096xi32>
    %broadcast_in_dim3A_720 = vector.broadcast %broadcast_in_dim3A_719 : vector<1x4096xi32> to vector<64x4096xi32>
    %broadcast_in_dim3A_721 = vector.broadcast %jit3A_718 : i32 to vector<64x4096xi32>
    %select_n3A_722 = arith.select %eq3A_717, %broadcast_in_dim3A_720, %broadcast_in_dim3A_721 : vector<64x4096xi1>, vector<64x4096xi32>
    %reduce_min3A_723 = arith.constant dense<2147483647> : vector<64xi32>
    %reduce_min3A_724 = vector.multi_reduction <minsi>, %select_n3A_722, %reduce_min3A_723 [1] : vector<64x4096xi32> to vector<64xi32>
    %broadcast_in_dim3A_725 = vector.shape_cast %reduce_min3A_724 : vector<64xi32> to vector<64x1xi32>
    %swap3A_726 = arith.constant 0 : index
    %swap3A_727 = arith.constant 27 : index
    %swap3A_728 = vector.load %arg4[%swap3A_726, %swap3A_727] : memref<64x32xi32, #tpu.memory_space<vmem>>, vector<64x1xi32>
    tpu.vector_store %arg4[%swap3A_726, %swap3A_727], %broadcast_in_dim3A_725 {strides = array<i32>} : memref<64x32xi32, #tpu.memory_space<vmem>>, vector<64x1xi32>,
    %eq3A_729 = vector.broadcast %iota3A_121 : vector<1x4096xi32> to vector<64x4096xi32>
    %eq3A_730 = vector.broadcast %broadcast_in_dim3A_725 : vector<64x1xi32> to vector<64x4096xi32>
    %eq3A_731 = arith.cmpi eq, %eq3A_729, %eq3A_730 : vector<64x4096xi32>
    %jit3A_732 = arith.constant 0x7F800000 : f32
    %broadcast_in_dim3A_733 = vector.broadcast %jit3A_732 : f32 to vector<64x4096xf32>
    %select_n3A_734 = arith.select %eq3A_731, %broadcast_in_dim3A_733, %select_n3A_712 : vector<64x4096xi1>, vector<64x4096xf32>
    %reduce_min3A_735 = arith.constant dense<0x7F800000> : vector<64xf32>
    %reduce_min3A_736 = vector.multi_reduction <minimumf>, %select_n3A_734, %reduce_min3A_735 [1] : vector<64x4096xf32> to vector<64xf32>
    %broadcast_in_dim3A_737 = vector.shape_cast %reduce_min3A_736 : vector<64xf32> to vector<64x1xf32>
    %eq3A_738 = vector.broadcast %broadcast_in_dim3A_737 : vector<64x1xf32> to vector<64x4096xf32>
    %eq3A_739 = arith.cmpf oeq, %select_n3A_734, %eq3A_738 : vector<64x4096xf32>
    %jit3A_740 = arith.constant 999999 : i32
    %broadcast_in_dim3A_741 = vector.shape_cast %iota3A_121 : vector<1x4096xi32> to vector<1x4096xi32>
    %broadcast_in_dim3A_742 = vector.broadcast %broadcast_in_dim3A_741 : vector<1x4096xi32> to vector<64x4096xi32>
    %broadcast_in_dim3A_743 = vector.broadcast %jit3A_740 : i32 to vector<64x4096xi32>
    %select_n3A_744 = arith.select %eq3A_739, %broadcast_in_dim3A_742, %broadcast_in_dim3A_743 : vector<64x4096xi1>, vector<64x4096xi32>
    %reduce_min3A_745 = arith.constant dense<2147483647> : vector<64xi32>
    %reduce_min3A_746 = vector.multi_reduction <minsi>, %select_n3A_744, %reduce_min3A_745 [1] : vector<64x4096xi32> to vector<64xi32>
    %broadcast_in_dim3A_747 = vector.shape_cast %reduce_min3A_746 : vector<64xi32> to vector<64x1xi32>
    %swap3A_748 = arith.constant 0 : index
    %swap3A_749 = arith.constant 28 : index
    %swap3A_750 = vector.load %arg4[%swap3A_748, %swap3A_749] : memref<64x32xi32, #tpu.memory_space<vmem>>, vector<64x1xi32>
    tpu.vector_store %arg4[%swap3A_748, %swap3A_749], %broadcast_in_dim3A_747 {strides = array<i32>} : memref<64x32xi32, #tpu.memory_space<vmem>>, vector<64x1xi32>,
    %eq3A_751 = vector.broadcast %iota3A_121 : vector<1x4096xi32> to vector<64x4096xi32>
    %eq3A_752 = vector.broadcast %broadcast_in_dim3A_747 : vector<64x1xi32> to vector<64x4096xi32>
    %eq3A_753 = arith.cmpi eq, %eq3A_751, %eq3A_752 : vector<64x4096xi32>
    %jit3A_754 = arith.constant 0x7F800000 : f32
    %broadcast_in_dim3A_755 = vector.broadcast %jit3A_754 : f32 to vector<64x4096xf32>
    %select_n3A_756 = arith.select %eq3A_753, %broadcast_in_dim3A_755, %select_n3A_734 : vector<64x4096xi1>, vector<64x4096xf32>
    %reduce_min3A_757 = arith.constant dense<0x7F800000> : vector<64xf32>
    %reduce_min3A_758 = vector.multi_reduction <minimumf>, %select_n3A_756, %reduce_min3A_757 [1] : vector<64x4096xf32> to vector<64xf32>
    %broadcast_in_dim3A_759 = vector.shape_cast %reduce_min3A_758 : vector<64xf32> to vector<64x1xf32>
    %eq3A_760 = vector.broadcast %broadcast_in_dim3A_759 : vector<64x1xf32> to vector<64x4096xf32>
    %eq3A_761 = arith.cmpf oeq, %select_n3A_756, %eq3A_760 : vector<64x4096xf32>
    %jit3A_762 = arith.constant 999999 : i32
    %broadcast_in_dim3A_763 = vector.shape_cast %iota3A_121 : vector<1x4096xi32> to vector<1x4096xi32>
    %broadcast_in_dim3A_764 = vector.broadcast %broadcast_in_dim3A_763 : vector<1x4096xi32> to vector<64x4096xi32>
    %broadcast_in_dim3A_765 = vector.broadcast %jit3A_762 : i32 to vector<64x4096xi32>
    %select_n3A_766 = arith.select %eq3A_761, %broadcast_in_dim3A_764, %broadcast_in_dim3A_765 : vector<64x4096xi1>, vector<64x4096xi32>
    %reduce_min3A_767 = arith.constant dense<2147483647> : vector<64xi32>
    %reduce_min3A_768 = vector.multi_reduction <minsi>, %select_n3A_766, %reduce_min3A_767 [1] : vector<64x4096xi32> to vector<64xi32>
    %broadcast_in_dim3A_769 = vector.shape_cast %reduce_min3A_768 : vector<64xi32> to vector<64x1xi32>
    %swap3A_770 = arith.constant 0 : index
    %swap3A_771 = arith.constant 29 : index
    %swap3A_772 = vector.load %arg4[%swap3A_770, %swap3A_771] : memref<64x32xi32, #tpu.memory_space<vmem>>, vector<64x1xi32>
    tpu.vector_store %arg4[%swap3A_770, %swap3A_771], %broadcast_in_dim3A_769 {strides = array<i32>} : memref<64x32xi32, #tpu.memory_space<vmem>>, vector<64x1xi32>,
    %eq3A_773 = vector.broadcast %iota3A_121 : vector<1x4096xi32> to vector<64x4096xi32>
    %eq3A_774 = vector.broadcast %broadcast_in_dim3A_769 : vector<64x1xi32> to vector<64x4096xi32>
    %eq3A_775 = arith.cmpi eq, %eq3A_773, %eq3A_774 : vector<64x4096xi32>
    %jit3A_776 = arith.constant 0x7F800000 : f32
    %broadcast_in_dim3A_777 = vector.broadcast %jit3A_776 : f32 to vector<64x4096xf32>
    %select_n3A_778 = arith.select %eq3A_775, %broadcast_in_dim3A_777, %select_n3A_756 : vector<64x4096xi1>, vector<64x4096xf32>
    %reduce_min3A_779 = arith.constant dense<0x7F800000> : vector<64xf32>
    %reduce_min3A_780 = vector.multi_reduction <minimumf>, %select_n3A_778, %reduce_min3A_779 [1] : vector<64x4096xf32> to vector<64xf32>
    %broadcast_in_dim3A_781 = vector.shape_cast %reduce_min3A_780 : vector<64xf32> to vector<64x1xf32>
    %eq3A_782 = vector.broadcast %broadcast_in_dim3A_781 : vector<64x1xf32> to vector<64x4096xf32>
    %eq3A_783 = arith.cmpf oeq, %select_n3A_778, %eq3A_782 : vector<64x4096xf32>
    %jit3A_784 = arith.constant 999999 : i32
    %broadcast_in_dim3A_785 = vector.shape_cast %iota3A_121 : vector<1x4096xi32> to vector<1x4096xi32>
    %broadcast_in_dim3A_786 = vector.broadcast %broadcast_in_dim3A_785 : vector<1x4096xi32> to vector<64x4096xi32>
    %broadcast_in_dim3A_787 = vector.broadcast %jit3A_784 : i32 to vector<64x4096xi32>
    %select_n3A_788 = arith.select %eq3A_783, %broadcast_in_dim3A_786, %broadcast_in_dim3A_787 : vector<64x4096xi1>, vector<64x4096xi32>
    %reduce_min3A_789 = arith.constant dense<2147483647> : vector<64xi32>
    %reduce_min3A_790 = vector.multi_reduction <minsi>, %select_n3A_788, %reduce_min3A_789 [1] : vector<64x4096xi32> to vector<64xi32>
    %broadcast_in_dim3A_791 = vector.shape_cast %reduce_min3A_790 : vector<64xi32> to vector<64x1xi32>
    %swap3A_792 = arith.constant 0 : index
    %swap3A_793 = arith.constant 30 : index
    %swap3A_794 = vector.load %arg4[%swap3A_792, %swap3A_793] : memref<64x32xi32, #tpu.memory_space<vmem>>, vector<64x1xi32>
    tpu.vector_store %arg4[%swap3A_792, %swap3A_793], %broadcast_in_dim3A_791 {strides = array<i32>} : memref<64x32xi32, #tpu.memory_space<vmem>>, vector<64x1xi32>,
    %eq3A_795 = vector.broadcast %iota3A_121 : vector<1x4096xi32> to vector<64x4096xi32>
    %eq3A_796 = vector.broadcast %broadcast_in_dim3A_791 : vector<64x1xi32> to vector<64x4096xi32>
    %eq3A_797 = arith.cmpi eq, %eq3A_795, %eq3A_796 : vector<64x4096xi32>
    %jit3A_798 = arith.constant 0x7F800000 : f32
    %broadcast_in_dim3A_799 = vector.broadcast %jit3A_798 : f32 to vector<64x4096xf32>
    %select_n3A_800 = arith.select %eq3A_797, %broadcast_in_dim3A_799, %select_n3A_778 : vector<64x4096xi1>, vector<64x4096xf32>
    %reduce_min3A_801 = arith.constant dense<0x7F800000> : vector<64xf32>
    %reduce_min3A_802 = vector.multi_reduction <minimumf>, %select_n3A_800, %reduce_min3A_801 [1] : vector<64x4096xf32> to vector<64xf32>
    %broadcast_in_dim3A_803 = vector.shape_cast %reduce_min3A_802 : vector<64xf32> to vector<64x1xf32>
    %eq3A_804 = vector.broadcast %broadcast_in_dim3A_803 : vector<64x1xf32> to vector<64x4096xf32>
    %eq3A_805 = arith.cmpf oeq, %select_n3A_800, %eq3A_804 : vector<64x4096xf32>
    %jit3A_806 = arith.constant 999999 : i32
    %broadcast_in_dim3A_807 = vector.shape_cast %iota3A_121 : vector<1x4096xi32> to vector<1x4096xi32>
    %broadcast_in_dim3A_808 = vector.broadcast %broadcast_in_dim3A_807 : vector<1x4096xi32> to vector<64x4096xi32>
    %broadcast_in_dim3A_809 = vector.broadcast %jit3A_806 : i32 to vector<64x4096xi32>
    %select_n3A_810 = arith.select %eq3A_805, %broadcast_in_dim3A_808, %broadcast_in_dim3A_809 : vector<64x4096xi1>, vector<64x4096xi32>
    %reduce_min3A_811 = arith.constant dense<2147483647> : vector<64xi32>
    %reduce_min3A_812 = vector.multi_reduction <minsi>, %select_n3A_810, %reduce_min3A_811 [1] : vector<64x4096xi32> to vector<64xi32>
    %broadcast_in_dim3A_813 = vector.shape_cast %reduce_min3A_812 : vector<64xi32> to vector<64x1xi32>
    %swap3A_814 = arith.constant 0 : index
    %swap3A_815 = arith.constant 31 : index
    %swap3A_816 = vector.load %arg4[%swap3A_814, %swap3A_815] : memref<64x32xi32, #tpu.memory_space<vmem>>, vector<64x1xi32>
    tpu.vector_store %arg4[%swap3A_814, %swap3A_815], %broadcast_in_dim3A_813 {strides = array<i32>} : memref<64x32xi32, #tpu.memory_space<vmem>>, vector<64x1xi32>,
    return
  }
  func.func @transform_0(%arg0: i32) -> (i32, i32) {
    %c0_i32 = arith.constant 0 : i32
    %c0_i32_0 = arith.constant 0 : i32
    %c0_i32_1 = arith.constant 0 : i32
    return %c0_i32, %c0_i32_0 : i32, i32
  }
  func.func @transform_1(%arg0: i32) -> (i32, i32) {
    %c0_i32 = arith.constant 0 : i32
    %c0_i32_0 = arith.constant 0 : i32
    %c0_i32_1 = arith.constant 0 : i32
    return %c0_i32, %c0_i32_0 : i32, i32
  }
  func.func @transform_2(%arg0: i32) -> (i32, i32) {
    %c0_i32 = arith.constant 0 : i32
    %c0_i32_0 = arith.constant 0 : i32
    %c0_i32_1 = arith.constant 0 : i32
    return %c0_i32, %c0_i32_0 : i32, i32
  }
  func.func @transform_3(%arg0: i32) -> (i32, i32) {
    %c0_i32 = arith.constant 0 : i32
    %c0_i32_0 = arith.constant 0 : i32
    return %arg0, %c0_i32 : i32, i32
  }
}

module attributes {stable_mosaic.version = 14 : i64} {
  func.func @_k0_body(%arg0: i32, %arg1: memref<256x1xf32, #tpu.memory_space<vmem>>, %arg2: memref<256x1xf32, #tpu.memory_space<vmem>>, %arg3: memref<256x1xf32, #tpu.memory_space<vmem>>, %arg4: memref<256x1xi32, #tpu.memory_space<vmem>>) attributes {dimension_semantics = [#tpu.dimension_semantics<arbitrary>], iteration_bounds = array<i64: 16>, scalar_prefetch = 0 : i64, scratch_operands = 0 : i64, tpu.core_type = #tpu.core_type<tc>, window_params = [{transform_indices = @transform_0, window_bounds = array<i64: 256, 1>}, {transform_indices = @transform_1, window_bounds = array<i64: 256, 1>}, {transform_indices = @transform_2, window_bounds = array<i64: 256, 1>}, {transform_indices = @transform_3, window_bounds = array<i64: 256, 1>}]} {
    %iota3A = tpu.iota {dimensions = array<i32: 1>} : vector<1x512xi32>
    %jit3A = arith.constant 8 : i32
    %div3A = vector.broadcast %jit3A : i32 to vector<1x512xi32>
    %div3A_0 = arith.divsi %iota3A, %div3A : vector<1x512xi32>
    %sign3A = arith.constant 0 : i32
    %sign3A_1 = vector.broadcast %sign3A : i32 to vector<1x512xi32>
    %sign3A_2 = arith.cmpi sgt, %iota3A, %sign3A_1 : vector<1x512xi32>
    %sign3A_3 = arith.extui %sign3A_2 : vector<1x512xi1> to vector<1x512xi32>
    %sign3A_4 = arith.constant 0 : i32
    %sign3A_5 = vector.broadcast %sign3A_4 : i32 to vector<1x512xi32>
    %sign3A_6 = arith.cmpi slt, %iota3A, %sign3A_5 : vector<1x512xi32>
    %sign3A_7 = arith.extui %sign3A_6 : vector<1x512xi1> to vector<1x512xi32>
    %sign3A_8 = arith.subi %sign3A_3, %sign3A_7 : vector<1x512xi32>
    %sign3A_9 = arith.constant 0 : i32
    %sign3A_10 = arith.cmpi sgt, %jit3A, %sign3A_9 : i32
    %sign3A_11 = arith.extui %sign3A_10 : i1 to i32
    %sign3A_12 = arith.constant 0 : i32
    %sign3A_13 = arith.cmpi slt, %jit3A, %sign3A_12 : i32
    %sign3A_14 = arith.extui %sign3A_13 : i1 to i32
    %sign3A_15 = arith.subi %sign3A_11, %sign3A_14 : i32
    %ne3A = vector.broadcast %sign3A_15 : i32 to vector<1x512xi32>
    %ne3A_16 = arith.cmpi ne, %sign3A_8, %ne3A : vector<1x512xi32>
    %rem3A = vector.broadcast %jit3A : i32 to vector<1x512xi32>
    %rem3A_17 = arith.remsi %iota3A, %rem3A : vector<1x512xi32>
    %ne3A_18 = arith.constant 0 : i32
    %ne3A_19 = vector.broadcast %ne3A_18 : i32 to vector<1x512xi32>
    %ne3A_20 = arith.cmpi ne, %rem3A_17, %ne3A_19 : vector<1x512xi32>
    %and3A = arith.andi %ne3A_16, %ne3A_20 : vector<1x512xi1>
    %sub3A = arith.constant 1 : i32
    %sub3A_21 = vector.broadcast %sub3A : i32 to vector<1x512xi32>
    %sub3A_22 = arith.subi %div3A_0, %sub3A_21 : vector<1x512xi32>
    %select_n3A = arith.select %and3A, %sub3A_22, %div3A_0 : vector<1x512xi1>, vector<1x512xi32>
    %jit3A_23 = arith.constant 8 : i32
    %eq3A = arith.constant 0 : i32
    %eq3A_24 = arith.cmpi eq, %jit3A_23, %eq3A : i32
    %jit3A_25 = arith.constant 1 : i32
    %select_n3A_26 = arith.select %eq3A_24, %jit3A_25, %jit3A_23 : i32
    %rem3A_27 = vector.broadcast %select_n3A_26 : i32 to vector<1x512xi32>
    %rem3A_28 = arith.remsi %select_n3A, %rem3A_27 : vector<1x512xi32>
    %ne3A_29 = arith.constant 0 : i32
    %ne3A_30 = vector.broadcast %ne3A_29 : i32 to vector<1x512xi32>
    %ne3A_31 = arith.cmpi ne, %rem3A_28, %ne3A_30 : vector<1x512xi32>
    %lt3A = arith.constant 0 : i32
    %lt3A_32 = vector.broadcast %lt3A : i32 to vector<1x512xi32>
    %lt3A_33 = arith.cmpi slt, %rem3A_28, %lt3A_32 : vector<1x512xi32>
    %lt3A_34 = arith.constant 0 : i32
    %lt3A_35 = arith.cmpi slt, %select_n3A_26, %lt3A_34 : i32
    %ne3A_36 = vector.broadcast %lt3A_35 : i1 to vector<1x512xi1>
    %ne3A_37 = vector.broadcast %ne3A_36 : vector<1x512xi1> to vector<1x512xi1>
    %ne3A_38 = arith.xori %lt3A_33, %ne3A_37 : vector<1x512xi1>
    %and3A_39 = arith.andi %ne3A_38, %ne3A_31 : vector<1x512xi1>
    %add3A = vector.broadcast %select_n3A_26 : i32 to vector<1x512xi32>
    %add3A_40 = arith.addi %rem3A_28, %add3A : vector<1x512xi32>
    %select_n3A_41 = arith.select %and3A_39, %add3A_40, %rem3A_28 : vector<1x512xi1>, vector<1x512xi32>
    %convert_element_type3A = arith.sitofp %select_n3A_41 : vector<1x512xi32> to vector<1x512xf32>
    %jit3A_42 = arith.constant 64 : i32
    %div3A_43 = vector.broadcast %jit3A_42 : i32 to vector<1x512xi32>
    %div3A_44 = arith.divsi %iota3A, %div3A_43 : vector<1x512xi32>
    %sign3A_45 = arith.constant 0 : i32
    %sign3A_46 = vector.broadcast %sign3A_45 : i32 to vector<1x512xi32>
    %sign3A_47 = arith.cmpi sgt, %iota3A, %sign3A_46 : vector<1x512xi32>
    %sign3A_48 = arith.extui %sign3A_47 : vector<1x512xi1> to vector<1x512xi32>
    %sign3A_49 = arith.constant 0 : i32
    %sign3A_50 = vector.broadcast %sign3A_49 : i32 to vector<1x512xi32>
    %sign3A_51 = arith.cmpi slt, %iota3A, %sign3A_50 : vector<1x512xi32>
    %sign3A_52 = arith.extui %sign3A_51 : vector<1x512xi1> to vector<1x512xi32>
    %sign3A_53 = arith.subi %sign3A_48, %sign3A_52 : vector<1x512xi32>
    %sign3A_54 = arith.constant 0 : i32
    %sign3A_55 = arith.cmpi sgt, %jit3A_42, %sign3A_54 : i32
    %sign3A_56 = arith.extui %sign3A_55 : i1 to i32
    %sign3A_57 = arith.constant 0 : i32
    %sign3A_58 = arith.cmpi slt, %jit3A_42, %sign3A_57 : i32
    %sign3A_59 = arith.extui %sign3A_58 : i1 to i32
    %sign3A_60 = arith.subi %sign3A_56, %sign3A_59 : i32
    %ne3A_61 = vector.broadcast %sign3A_60 : i32 to vector<1x512xi32>
    %ne3A_62 = arith.cmpi ne, %sign3A_53, %ne3A_61 : vector<1x512xi32>
    %rem3A_63 = vector.broadcast %jit3A_42 : i32 to vector<1x512xi32>
    %rem3A_64 = arith.remsi %iota3A, %rem3A_63 : vector<1x512xi32>
    %ne3A_65 = arith.constant 0 : i32
    %ne3A_66 = vector.broadcast %ne3A_65 : i32 to vector<1x512xi32>
    %ne3A_67 = arith.cmpi ne, %rem3A_64, %ne3A_66 : vector<1x512xi32>
    %and3A_68 = arith.andi %ne3A_62, %ne3A_67 : vector<1x512xi1>
    %sub3A_69 = arith.constant 1 : i32
    %sub3A_70 = vector.broadcast %sub3A_69 : i32 to vector<1x512xi32>
    %sub3A_71 = arith.subi %div3A_44, %sub3A_70 : vector<1x512xi32>
    %select_n3A_72 = arith.select %and3A_68, %sub3A_71, %div3A_44 : vector<1x512xi1>, vector<1x512xi32>
    %convert_element_type3A_73 = arith.sitofp %select_n3A_72 : vector<1x512xi32> to vector<1x512xf32>
    %jit3A_74 = arith.constant 8 : i32
    %eq3A_75 = arith.constant 0 : i32
    %eq3A_76 = arith.cmpi eq, %jit3A_74, %eq3A_75 : i32
    %jit3A_77 = arith.constant 1 : i32
    %select_n3A_78 = arith.select %eq3A_76, %jit3A_77, %jit3A_74 : i32
    %rem3A_79 = vector.broadcast %select_n3A_78 : i32 to vector<1x512xi32>
    %rem3A_80 = arith.remsi %iota3A, %rem3A_79 : vector<1x512xi32>
    %ne3A_81 = arith.constant 0 : i32
    %ne3A_82 = vector.broadcast %ne3A_81 : i32 to vector<1x512xi32>
    %ne3A_83 = arith.cmpi ne, %rem3A_80, %ne3A_82 : vector<1x512xi32>
    %lt3A_84 = arith.constant 0 : i32
    %lt3A_85 = vector.broadcast %lt3A_84 : i32 to vector<1x512xi32>
    %lt3A_86 = arith.cmpi slt, %rem3A_80, %lt3A_85 : vector<1x512xi32>
    %lt3A_87 = arith.constant 0 : i32
    %lt3A_88 = arith.cmpi slt, %select_n3A_78, %lt3A_87 : i32
    %ne3A_89 = vector.broadcast %lt3A_88 : i1 to vector<1x512xi1>
    %ne3A_90 = vector.broadcast %ne3A_89 : vector<1x512xi1> to vector<1x512xi1>
    %ne3A_91 = arith.xori %lt3A_86, %ne3A_90 : vector<1x512xi1>
    %and3A_92 = arith.andi %ne3A_91, %ne3A_83 : vector<1x512xi1>
    %add3A_93 = vector.broadcast %select_n3A_78 : i32 to vector<1x512xi32>
    %add3A_94 = arith.addi %rem3A_80, %add3A_93 : vector<1x512xi32>
    %select_n3A_95 = arith.select %and3A_92, %add3A_94, %rem3A_80 : vector<1x512xi1>, vector<1x512xi32>
    %convert_element_type3A_96 = arith.sitofp %select_n3A_95 : vector<1x512xi32> to vector<1x512xf32>
    %get3A = arith.constant 0 : index
    %get3A_97 = arith.constant 0 : index
    %get3A_98 = vector.load %arg1[%get3A, %get3A_97] : memref<256x1xf32, #tpu.memory_space<vmem>>, vector<256x1xf32>
    %sub3A_99 = vector.broadcast %get3A_98 : vector<256x1xf32> to vector<256x512xf32>
    %sub3A_100 = vector.broadcast %convert_element_type3A : vector<1x512xf32> to vector<256x512xf32>
    %sub3A_101 = arith.subf %sub3A_99, %sub3A_100 : vector<256x512xf32>
    %integer_pow3A = arith.mulf %sub3A_101, %sub3A_101 : vector<256x512xf32>
    %get3A_102 = arith.constant 0 : index
    %get3A_103 = arith.constant 0 : index
    %get3A_104 = vector.load %arg2[%get3A_102, %get3A_103] : memref<256x1xf32, #tpu.memory_space<vmem>>, vector<256x1xf32>
    %sub3A_105 = vector.broadcast %get3A_104 : vector<256x1xf32> to vector<256x512xf32>
    %sub3A_106 = vector.broadcast %convert_element_type3A_73 : vector<1x512xf32> to vector<256x512xf32>
    %sub3A_107 = arith.subf %sub3A_105, %sub3A_106 : vector<256x512xf32>
    %integer_pow3A_108 = arith.mulf %sub3A_107, %sub3A_107 : vector<256x512xf32>
    %add3A_109 = arith.addf %integer_pow3A, %integer_pow3A_108 : vector<256x512xf32>
    %get3A_110 = arith.constant 0 : index
    %get3A_111 = arith.constant 0 : index
    %get3A_112 = vector.load %arg3[%get3A_110, %get3A_111] : memref<256x1xf32, #tpu.memory_space<vmem>>, vector<256x1xf32>
    %sub3A_113 = vector.broadcast %get3A_112 : vector<256x1xf32> to vector<256x512xf32>
    %sub3A_114 = vector.broadcast %convert_element_type3A_96 : vector<1x512xf32> to vector<256x512xf32>
    %sub3A_115 = arith.subf %sub3A_113, %sub3A_114 : vector<256x512xf32>
    %integer_pow3A_116 = arith.mulf %sub3A_115, %sub3A_115 : vector<256x512xf32>
    %add3A_117 = arith.addf %add3A_109, %integer_pow3A_116 : vector<256x512xf32>
    %reduce_min3A = arith.constant dense<0x7F800000> : vector<256xf32>
    %reduce_min3A_118 = vector.multi_reduction <minimumf>, %add3A_117, %reduce_min3A [1] : vector<256x512xf32> to vector<256xf32>
    %broadcast_in_dim3A = vector.shape_cast %reduce_min3A_118 : vector<256xf32> to vector<256x1xf32>
    %eq3A_119 = vector.broadcast %broadcast_in_dim3A : vector<256x1xf32> to vector<256x512xf32>
    %eq3A_120 = arith.cmpf oeq, %add3A_117, %eq3A_119 : vector<256x512xf32>
    %jit3A_121 = arith.constant 99999 : i32
    %broadcast_in_dim3A_122 = vector.shape_cast %iota3A : vector<1x512xi32> to vector<1x512xi32>
    %broadcast_in_dim3A_123 = vector.broadcast %broadcast_in_dim3A_122 : vector<1x512xi32> to vector<256x512xi32>
    %broadcast_in_dim3A_124 = vector.broadcast %jit3A_121 : i32 to vector<256x512xi32>
    %select_n3A_125 = arith.select %eq3A_120, %broadcast_in_dim3A_123, %broadcast_in_dim3A_124 : vector<256x512xi1>, vector<256x512xi32>
    %reduce_min3A_126 = arith.constant dense<2147483647> : vector<256xi32>
    %reduce_min3A_127 = vector.multi_reduction <minsi>, %select_n3A_125, %reduce_min3A_126 [1] : vector<256x512xi32> to vector<256xi32>
    %broadcast_in_dim3A_128 = vector.shape_cast %reduce_min3A_127 : vector<256xi32> to vector<256x1xi32>
    %swap3A = arith.constant 0 : index
    %swap3A_129 = arith.constant 0 : index
    %swap3A_130 = vector.load %arg4[%swap3A, %swap3A_129] : memref<256x1xi32, #tpu.memory_space<vmem>>, vector<256x1xi32>
    tpu.vector_store %arg4[%swap3A, %swap3A_129], %broadcast_in_dim3A_128 {strides = array<i32>} : memref<256x1xi32, #tpu.memory_space<vmem>>, vector<256x1xi32>,
    return
  }
  func.func @transform_0(%arg0: i32) -> (i32, i32) {
    %c0_i32 = arith.constant 0 : i32
    %c0_i32_0 = arith.constant 0 : i32
    return %arg0, %c0_i32 : i32, i32
  }
  func.func @transform_1(%arg0: i32) -> (i32, i32) {
    %c0_i32 = arith.constant 0 : i32
    %c0_i32_0 = arith.constant 0 : i32
    return %arg0, %c0_i32 : i32, i32
  }
  func.func @transform_2(%arg0: i32) -> (i32, i32) {
    %c0_i32 = arith.constant 0 : i32
    %c0_i32_0 = arith.constant 0 : i32
    return %arg0, %c0_i32 : i32, i32
  }
  func.func @transform_3(%arg0: i32) -> (i32, i32) {
    %c0_i32 = arith.constant 0 : i32
    %c0_i32_0 = arith.constant 0 : i32
    return %arg0, %c0_i32 : i32, i32
  }
}

module attributes {stable_mosaic.version = 14 : i64} {
  func.func @_k4_body(%arg0: i32, %arg1: memref<4096xi32, #tpu.memory_space<smem>>, %arg2: memref<512x896xf32, #tpu.memory_space<vmem>>, %arg3: memref<512x896xf32, #tpu.memory_space<vmem>>, %arg4: memref<512x896xf32, #tpu.memory_space<vmem>>, %arg5: memref<1x4096xf32, #tpu.memory_space<smem>>, %arg6: memref<1x4096xf32, #tpu.memory_space<smem>>, %arg7: memref<1x4096xf32, #tpu.memory_space<smem>>, %arg8: memref<256x1xf32, #tpu.memory_space<vmem>>, %arg9: memref<256x1xf32, #tpu.memory_space<vmem>>, %arg10: memref<256x1xf32, #tpu.memory_space<vmem>>, %arg11: memref<1x3xf32, #tpu.memory_space<smem>>, %arg12: memref<1x5xf32, #tpu.memory_space<smem>>, %arg13: memref<1x1xf32, #tpu.memory_space<smem>>, %arg14: memref<1x1xf32, #tpu.memory_space<smem>>, %arg15: memref<256x896xf32, #tpu.memory_space<vmem>>) attributes {dimension_semantics = [#tpu.dimension_semantics<arbitrary>], iteration_bounds = array<i64: 16>, scalar_prefetch = 1 : i64, scratch_operands = 1 : i64, tpu.core_type = #tpu.core_type<tc>, window_params = [{pipeline_mode = #tpu.pipeline_mode<synchronous>, transform_indices = @transform_0, window_bounds = array<i64: 512, 896>}, {pipeline_mode = #tpu.pipeline_mode<synchronous>, transform_indices = @transform_1, window_bounds = array<i64: 512, 896>}, {pipeline_mode = #tpu.pipeline_mode<synchronous>, transform_indices = @transform_2, window_bounds = array<i64: 512, 896>}, {transform_indices = @transform_3, window_bounds = array<i64: 1, 4096>}, {transform_indices = @transform_4, window_bounds = array<i64: 1, 4096>}, {transform_indices = @transform_5, window_bounds = array<i64: 1, 4096>}, {transform_indices = @transform_6, window_bounds = array<i64: 256, 1>}, {transform_indices = @transform_7, window_bounds = array<i64: 256, 1>}, {transform_indices = @transform_8, window_bounds = array<i64: 256, 1>}, {transform_indices = @transform_9, window_bounds = array<i64: 1, 3>}, {transform_indices = @transform_10, window_bounds = array<i64: 1, 5>}, {transform_indices = @transform_11, window_bounds = array<i64: 1, 1>}, {transform_indices = @transform_12, window_bounds = array<i64: 1, 1>}]} {
    %scan3A = arith.constant 0 : i32
    %scan3A_0 = arith.constant 256 : i32
    %scan3A_1 = arith.addi %scan3A, %scan3A_0 : i32
    %scan3A_2 = arith.constant 1 : i32
    scf.for %scan3A_883 = %scan3A to %scan3A_1 step %scan3A_2  : i32 {
      %mul3A_884 = arith.constant 256 : i32
      %mul3A_885 = arith.muli %arg0, %mul3A_884 : i32
      %add3A_886 = arith.addi %mul3A_885, %scan3A_883 : i32
      %get3A_887 = arith.index_cast %add3A_886 : i32 to index
      %get3A_888 = memref.load %arg1[%get3A_887] : memref<4096xi32, #tpu.memory_space<smem>>
      %get3A_889 = arith.constant 0 : index
      %get3A_890 = arith.index_cast %add3A_886 : i32 to index
      %get3A_891 = memref.load %arg5[%get3A_889, %get3A_890] : memref<1x4096xf32, #tpu.memory_space<smem>>
      %get3A_892 = arith.index_cast %get3A_888 : i32 to index
      %get3A_893 = arith.constant 0 : index
      %get3A_894 = vector.load %arg2[%get3A_892, %get3A_893] : memref<512x896xf32, #tpu.memory_space<vmem>>, vector<1x896xf32>
      %sub3A_895 = vector.broadcast %get3A_891 : f32 to vector<1x896xf32>
      %sub3A_896 = arith.subf %sub3A_895, %get3A_894 : vector<1x896xf32>
      %get3A_897 = arith.constant 0 : index
      %get3A_898 = arith.index_cast %add3A_886 : i32 to index
      %get3A_899 = memref.load %arg6[%get3A_897, %get3A_898] : memref<1x4096xf32, #tpu.memory_space<smem>>
      %get3A_900 = arith.index_cast %get3A_888 : i32 to index
      %get3A_901 = arith.constant 0 : index
      %get3A_902 = vector.load %arg3[%get3A_900, %get3A_901] : memref<512x896xf32, #tpu.memory_space<vmem>>, vector<1x896xf32>
      %sub3A_903 = vector.broadcast %get3A_899 : f32 to vector<1x896xf32>
      %sub3A_904 = arith.subf %sub3A_903, %get3A_902 : vector<1x896xf32>
      %get3A_905 = arith.constant 0 : index
      %get3A_906 = arith.index_cast %add3A_886 : i32 to index
      %get3A_907 = memref.load %arg7[%get3A_905, %get3A_906] : memref<1x4096xf32, #tpu.memory_space<smem>>
      %get3A_908 = arith.index_cast %get3A_888 : i32 to index
      %get3A_909 = arith.constant 0 : index
      %get3A_910 = vector.load %arg4[%get3A_908, %get3A_909] : memref<512x896xf32, #tpu.memory_space<vmem>>, vector<1x896xf32>
      %sub3A_911 = vector.broadcast %get3A_907 : f32 to vector<1x896xf32>
      %sub3A_912 = arith.subf %sub3A_911, %get3A_910 : vector<1x896xf32>
      %mul3A_913 = arith.mulf %sub3A_896, %sub3A_896 : vector<1x896xf32>
      %mul3A_914 = arith.mulf %sub3A_904, %sub3A_904 : vector<1x896xf32>
      %add3A_915 = arith.addf %mul3A_913, %mul3A_914 : vector<1x896xf32>
      %mul3A_916 = arith.mulf %sub3A_912, %sub3A_912 : vector<1x896xf32>
      %add3A_917 = arith.addf %add3A_915, %mul3A_916 : vector<1x896xf32>
      %swap3A_918 = arith.index_cast %scan3A_883 : i32 to index
      %swap3A_919 = arith.constant 0 : index
      %swap3A_920 = vector.load %arg15[%swap3A_918, %swap3A_919] : memref<256x896xf32, #tpu.memory_space<vmem>>, vector<1x896xf32>
      tpu.vector_store %arg15[%swap3A_918, %swap3A_919], %add3A_917 {strides = array<i32>} : memref<256x896xf32, #tpu.memory_space<vmem>>, vector<1x896xf32>,
    }
    %scan3A_3 = arith.constant 256 : i32
    %get3A = arith.constant 0 : index
    %get3A_4 = arith.constant 0 : index
    %get3A_5 = vector.load %arg8[%get3A, %get3A_4] : memref<256x1xf32, #tpu.memory_space<vmem>>, vector<256x1xf32>
    %get3A_6 = arith.constant 0 : index
    %get3A_7 = arith.constant 0 : index
    %get3A_8 = vector.load %arg9[%get3A_6, %get3A_7] : memref<256x1xf32, #tpu.memory_space<vmem>>, vector<256x1xf32>
    %get3A_9 = arith.constant 0 : index
    %get3A_10 = arith.constant 0 : index
    %get3A_11 = vector.load %arg10[%get3A_9, %get3A_10] : memref<256x1xf32, #tpu.memory_space<vmem>>, vector<256x1xf32>
    %get3A_12 = arith.constant 0 : index
    %get3A_13 = arith.constant 0 : index
    %get3A_14 = vector.load %arg15[%get3A_12, %get3A_13] : memref<256x896xf32, #tpu.memory_space<vmem>>, vector<256x896xf32>
    %get3A_15 = arith.constant 0 : index
    %get3A_16 = arith.constant 0 : index
    %get3A_17 = memref.load %arg12[%get3A_15, %get3A_16] : memref<1x5xf32, #tpu.memory_space<smem>>
    %get3A_18 = arith.constant 0 : index
    %get3A_19 = arith.constant 1 : index
    %get3A_20 = memref.load %arg12[%get3A_18, %get3A_19] : memref<1x5xf32, #tpu.memory_space<smem>>
    %get3A_21 = arith.constant 0 : index
    %get3A_22 = arith.constant 2 : index
    %get3A_23 = memref.load %arg12[%get3A_21, %get3A_22] : memref<1x5xf32, #tpu.memory_space<smem>>
    %get3A_24 = arith.constant 0 : index
    %get3A_25 = arith.constant 3 : index
    %get3A_26 = memref.load %arg12[%get3A_24, %get3A_25] : memref<1x5xf32, #tpu.memory_space<smem>>
    %get3A_27 = arith.constant 0 : index
    %get3A_28 = arith.constant 4 : index
    %get3A_29 = memref.load %arg12[%get3A_27, %get3A_28] : memref<1x5xf32, #tpu.memory_space<smem>>
    %get3A_30 = arith.constant 0 : index
    %get3A_31 = arith.constant 0 : index
    %get3A_32 = memref.load %arg13[%get3A_30, %get3A_31] : memref<1x1xf32, #tpu.memory_space<smem>>
    %lt3A = arith.constant 1.920000e+02 : f32
    %lt3A_33 = vector.broadcast %lt3A : f32 to vector<256x896xf32>
    %lt3A_34 = arith.cmpf olt, %get3A_14, %lt3A_33 : vector<256x896xf32>
    %jit3A = arith.constant 1.000000e+00 : f32
    %jit3A_35 = arith.constant 0.000000e+00 : f32
    %broadcast_in_dim3A = vector.broadcast %jit3A : f32 to vector<256x896xf32>
    %broadcast_in_dim3A_36 = vector.broadcast %jit3A_35 : f32 to vector<256x896xf32>
    %select_n3A = arith.select %lt3A_34, %broadcast_in_dim3A, %broadcast_in_dim3A_36 : vector<256x896xi1>, vector<256x896xf32>
    %reduce_sum3A = arith.constant dense<0.000000e+00> : vector<256xf32>
    %reduce_sum3A_37 = vector.multi_reduction <add>, %select_n3A, %reduce_sum3A [1] : vector<256x896xf32> to vector<256xf32>
    %broadcast_in_dim3A_38 = vector.shape_cast %reduce_sum3A_37 : vector<256xf32> to vector<256x1xf32>
    %sub3A = arith.constant 3.200000e+01 : f32
    %sub3A_39 = vector.broadcast %sub3A : f32 to vector<256x1xf32>
    %sub3A_40 = arith.subf %sub3A_39, %broadcast_in_dim3A_38 : vector<256x1xf32>
    %max3A = arith.constant 0.000000e+00 : f32
    %max3A_41 = vector.broadcast %max3A : f32 to vector<256x1xf32>
    %max3A_42 = arith.maximumf %max3A_41, %sub3A_40 : vector<256x1xf32>
    %get3A_43 = arith.constant 0 : index
    %get3A_44 = arith.constant 0 : index
    %get3A_45 = memref.load %arg11[%get3A_43, %get3A_44] : memref<1x3xf32, #tpu.memory_space<smem>>
    %get3A_46 = arith.constant 0 : index
    %get3A_47 = arith.constant 1 : index
    %get3A_48 = memref.load %arg11[%get3A_46, %get3A_47] : memref<1x3xf32, #tpu.memory_space<smem>>
    %get3A_49 = arith.constant 0 : index
    %get3A_50 = arith.constant 2 : index
    %get3A_51 = memref.load %arg11[%get3A_49, %get3A_50] : memref<1x3xf32, #tpu.memory_space<smem>>
    %sub3A_52 = vector.broadcast %get3A_45 : f32 to vector<256x1xf32>
    %sub3A_53 = arith.subf %get3A_5, %sub3A_52 : vector<256x1xf32>
    %integer_pow3A = arith.mulf %sub3A_53, %sub3A_53 : vector<256x1xf32>
    %sub3A_54 = vector.broadcast %get3A_48 : f32 to vector<256x1xf32>
    %sub3A_55 = arith.subf %get3A_8, %sub3A_54 : vector<256x1xf32>
    %integer_pow3A_56 = arith.mulf %sub3A_55, %sub3A_55 : vector<256x1xf32>
    %add3A = arith.addf %integer_pow3A, %integer_pow3A_56 : vector<256x1xf32>
    %sub3A_57 = vector.broadcast %get3A_51 : f32 to vector<256x1xf32>
    %sub3A_58 = arith.subf %get3A_11, %sub3A_57 : vector<256x1xf32>
    %integer_pow3A_59 = arith.mulf %sub3A_58, %sub3A_58 : vector<256x1xf32>
    %add3A_60 = arith.addf %add3A, %integer_pow3A_59 : vector<256x1xf32>
    %lt3A_61 = arith.constant 0.000000e+00 : f32
    %lt3A_62 = vector.broadcast %lt3A_61 : f32 to vector<256x1xf32>
    %lt3A_63 = arith.cmpf olt, %add3A_60, %lt3A_62 : vector<256x1xf32>
    %integer_pow3A_64 = arith.mulf %add3A_60, %add3A_60 : vector<256x1xf32>
    %jit3A_65 = arith.constant 0.000000e+00 : f32
    %broadcast_in_dim3A_66 = vector.broadcast %jit3A_65 : f32 to vector<256x1xf32>
    %select_n3A_67 = arith.select %lt3A_63, %integer_pow3A_64, %broadcast_in_dim3A_66 : vector<256x1xi1>, vector<256x1xf32>
    %lt3A_68 = arith.constant 5.000000e-01 : f32
    %lt3A_69 = vector.broadcast %lt3A_68 : f32 to vector<256x1xf32>
    %lt3A_70 = arith.cmpf olt, %add3A_60, %lt3A_69 : vector<256x1xf32>
    %lt3A_71 = arith.constant 1.500000e+00 : f32
    %lt3A_72 = vector.broadcast %lt3A_71 : f32 to vector<256x1xf32>
    %lt3A_73 = arith.cmpf olt, %add3A_60, %lt3A_72 : vector<256x1xf32>
    %sub3A_74 = arith.constant 1.500000e+00 : f32
    %sub3A_75 = vector.broadcast %sub3A_74 : f32 to vector<256x1xf32>
    %sub3A_76 = arith.subf %sub3A_75, %add3A_60 : vector<256x1xf32>
    %jit3A_77 = arith.constant 0.000000e+00 : f32
    %broadcast_in_dim3A_78 = vector.broadcast %jit3A_77 : f32 to vector<256x1xf32>
    %select_n3A_79 = arith.select %lt3A_73, %sub3A_76, %broadcast_in_dim3A_78 : vector<256x1xi1>, vector<256x1xf32>
    %jit3A_80 = arith.constant 1.000000e+00 : f32
    %broadcast_in_dim3A_81 = vector.broadcast %jit3A_80 : f32 to vector<256x1xf32>
    %select_n3A_82 = arith.select %lt3A_70, %broadcast_in_dim3A_81, %select_n3A_79 : vector<256x1xi1>, vector<256x1xf32>
    %lt3A_83 = arith.constant -0.699999988 : f32
    %lt3A_84 = vector.broadcast %lt3A_83 : f32 to vector<256x1xf32>
    %lt3A_85 = arith.cmpf olt, %add3A_60, %lt3A_84 : vector<256x1xf32>
    %lt3A_86 = arith.constant 0.000000e+00 : f32
    %lt3A_87 = vector.broadcast %lt3A_86 : f32 to vector<256x1xf32>
    %lt3A_88 = arith.cmpf olt, %add3A_60, %lt3A_87 : vector<256x1xf32>
    %sub3A_89 = arith.constant 0.000000e+00 : f32
    %sub3A_90 = vector.broadcast %sub3A_89 : f32 to vector<256x1xf32>
    %sub3A_91 = arith.subf %sub3A_90, %add3A_60 : vector<256x1xf32>
    %mul3A = arith.constant 1.42857146 : f32
    %mul3A_92 = vector.broadcast %mul3A : f32 to vector<256x1xf32>
    %mul3A_93 = arith.mulf %mul3A_92, %sub3A_91 : vector<256x1xf32>
    %jit3A_94 = arith.constant 0.000000e+00 : f32
    %broadcast_in_dim3A_95 = vector.broadcast %jit3A_94 : f32 to vector<256x1xf32>
    %select_n3A_96 = arith.select %lt3A_88, %mul3A_93, %broadcast_in_dim3A_95 : vector<256x1xi1>, vector<256x1xf32>
    %jit3A_97 = arith.constant 1.000000e+00 : f32
    %broadcast_in_dim3A_98 = vector.broadcast %jit3A_97 : f32 to vector<256x1xf32>
    %select_n3A_99 = arith.select %lt3A_85, %broadcast_in_dim3A_98, %select_n3A_96 : vector<256x1xi1>, vector<256x1xf32>
    %div3A = arith.constant 5.000000e-01 : f32
    %div3A_100 = vector.broadcast %div3A : f32 to vector<256x1xf32>
    %div3A_101 = arith.divf %add3A_60, %div3A_100 : vector<256x1xf32>
    %integer_pow3A_102 = arith.mulf %div3A_101, %div3A_101 : vector<256x1xf32>
    %neg3A = arith.constant 0.000000e+00 : f32
    %neg3A_103 = vector.broadcast %neg3A : f32 to vector<256x1xf32>
    %neg3A_104 = arith.subf %neg3A_103, %integer_pow3A_102 : vector<256x1xf32>
    %exp3A = math.exp %neg3A_104 : vector<256x1xf32>
    %sub3A_105 = arith.constant 3.000000e+00 : f32
    %sub3A_106 = vector.broadcast %sub3A_105 : f32 to vector<256x1xf32>
    %sub3A_107 = arith.subf %add3A_60, %sub3A_106 : vector<256x1xf32>
    %div3A_108 = arith.constant 2.000000e+00 : f32
    %div3A_109 = vector.broadcast %div3A_108 : f32 to vector<256x1xf32>
    %div3A_110 = arith.divf %sub3A_107, %div3A_109 : vector<256x1xf32>
    %integer_pow3A_111 = arith.mulf %div3A_110, %div3A_110 : vector<256x1xf32>
    %neg3A_112 = arith.constant 0.000000e+00 : f32
    %neg3A_113 = vector.broadcast %neg3A_112 : f32 to vector<256x1xf32>
    %neg3A_114 = arith.subf %neg3A_113, %integer_pow3A_111 : vector<256x1xf32>
    %exp3A_115 = math.exp %neg3A_114 : vector<256x1xf32>
    %mul3A_116 = vector.broadcast %get3A_17 : f32 to vector<256x1xf32>
    %mul3A_117 = arith.mulf %mul3A_116, %select_n3A_67 : vector<256x1xf32>
    %mul3A_118 = vector.broadcast %get3A_20 : f32 to vector<256x1xf32>
    %mul3A_119 = arith.mulf %mul3A_118, %select_n3A_82 : vector<256x1xf32>
    %add3A_120 = arith.addf %mul3A_117, %mul3A_119 : vector<256x1xf32>
    %mul3A_121 = vector.broadcast %get3A_23 : f32 to vector<256x1xf32>
    %mul3A_122 = arith.mulf %mul3A_121, %select_n3A_99 : vector<256x1xf32>
    %add3A_123 = arith.addf %add3A_120, %mul3A_122 : vector<256x1xf32>
    %mul3A_124 = vector.broadcast %get3A_26 : f32 to vector<256x1xf32>
    %mul3A_125 = arith.mulf %mul3A_124, %exp3A : vector<256x1xf32>
    %add3A_126 = arith.addf %add3A_123, %mul3A_125 : vector<256x1xf32>
    %mul3A_127 = vector.broadcast %get3A_29 : f32 to vector<256x1xf32>
    %mul3A_128 = arith.mulf %mul3A_127, %exp3A_115 : vector<256x1xf32>
    %add3A_129 = arith.addf %add3A_126, %mul3A_128 : vector<256x1xf32>
    %lt3A_130 = arith.constant 8.000000e+00 : f32
    %lt3A_131 = vector.broadcast %lt3A_130 : f32 to vector<256x1xf32>
    %lt3A_132 = arith.cmpf olt, %add3A_60, %lt3A_131 : vector<256x1xf32>
    %jit3A_133 = arith.constant 0.000000e+00 : f32
    %broadcast_in_dim3A_134 = vector.broadcast %jit3A_133 : f32 to vector<256x1xf32>
    %select_n3A_135 = arith.select %lt3A_132, %add3A_129, %broadcast_in_dim3A_134 : vector<256x1xi1>, vector<256x1xf32>
    %mul3A_136 = arith.constant 1.000000e+00 : f32
    %mul3A_137 = arith.mulf %get3A_32, %mul3A_136 : f32
    %add3A_138 = arith.constant 1.000000e+00 : f32
    %add3A_139 = arith.addf %add3A_138, %mul3A_137 : f32
    %div3A_140 = vector.broadcast %add3A_139 : f32 to vector<256x1xf32>
    %div3A_141 = arith.divf %select_n3A_135, %div3A_140 : vector<256x1xf32>
    %mul3A_142 = arith.mulf %max3A_42, %div3A_141 : vector<256x1xf32>
    %reduce_sum3A_143 = vector.shape_cast %mul3A_142 : vector<256x1xf32> to vector<1x256x1xf32>
    %reduce_sum3A_144 = arith.constant dense<0.000000e+00> : vector<1xf32>
    %reduce_sum3A_145 = vector.multi_reduction <add>, %reduce_sum3A_143, %reduce_sum3A_144 [1, 2] : vector<1x256x1xf32> to vector<1xf32>
    %reduce_sum3A_146 = vector.shape_cast %reduce_sum3A_145 : vector<1xf32> to vector<1x1x1xf32>
    %reduce_sum3A_147 = vector.extract %reduce_sum3A_146[0, 0, 0] : f32 from vector<1x1x1xf32>
    %bitcast_convert_type3A = tpu.bitcast %get3A_14 : vector<256x896xf32> -> vector<256x896xi32>
    %broadcast_in_dim3A_148 = arith.constant 0 : i32
    %broadcast_in_dim3A_149 = vector.broadcast %broadcast_in_dim3A_148 : i32 to vector<256x1xi32>
    %or3A = arith.constant 1073741824 : i32
    %or3A_150 = vector.broadcast %or3A : i32 to vector<256x1xi32>
    %or3A_151 = arith.ori %broadcast_in_dim3A_149, %or3A_150 : vector<256x1xi32>
    %lt3A_152 = vector.broadcast %or3A_151 : vector<256x1xi32> to vector<256x896xi32>
    %lt3A_153 = arith.cmpi slt, %bitcast_convert_type3A, %lt3A_152 : vector<256x896xi32>
    %jit3A_154 = arith.constant 1.000000e+00 : f32
    %jit3A_155 = arith.constant 0.000000e+00 : f32
    %broadcast_in_dim3A_156 = vector.broadcast %jit3A_154 : f32 to vector<256x896xf32>
    %broadcast_in_dim3A_157 = vector.broadcast %jit3A_155 : f32 to vector<256x896xf32>
    %select_n3A_158 = arith.select %lt3A_153, %broadcast_in_dim3A_156, %broadcast_in_dim3A_157 : vector<256x896xi1>, vector<256x896xf32>
    %reduce_sum3A_159 = arith.constant dense<0.000000e+00> : vector<256xf32>
    %reduce_sum3A_160 = vector.multi_reduction <add>, %select_n3A_158, %reduce_sum3A_159 [1] : vector<256x896xf32> to vector<256xf32>
    %broadcast_in_dim3A_161 = vector.shape_cast %reduce_sum3A_160 : vector<256xf32> to vector<256x1xf32>
    %ge3A = arith.constant 3.200000e+01 : f32
    %ge3A_162 = vector.broadcast %ge3A : f32 to vector<256x1xf32>
    %ge3A_163 = arith.cmpf oge, %broadcast_in_dim3A_161, %ge3A_162 : vector<256x1xf32>
    %select_n3A_164 = arith.select %ge3A_163, %broadcast_in_dim3A_149, %or3A_151 : vector<256x1xi1>, vector<256x1xi32>
    %or3A_165 = arith.constant 536870912 : i32
    %or3A_166 = vector.broadcast %or3A_165 : i32 to vector<256x1xi32>
    %or3A_167 = arith.ori %select_n3A_164, %or3A_166 : vector<256x1xi32>
    %lt3A_168 = vector.broadcast %or3A_167 : vector<256x1xi32> to vector<256x896xi32>
    %lt3A_169 = arith.cmpi slt, %bitcast_convert_type3A, %lt3A_168 : vector<256x896xi32>
    %jit3A_170 = arith.constant 1.000000e+00 : f32
    %jit3A_171 = arith.constant 0.000000e+00 : f32
    %broadcast_in_dim3A_172 = vector.broadcast %jit3A_170 : f32 to vector<256x896xf32>
    %broadcast_in_dim3A_173 = vector.broadcast %jit3A_171 : f32 to vector<256x896xf32>
    %select_n3A_174 = arith.select %lt3A_169, %broadcast_in_dim3A_172, %broadcast_in_dim3A_173 : vector<256x896xi1>, vector<256x896xf32>
    %reduce_sum3A_175 = arith.constant dense<0.000000e+00> : vector<256xf32>
    %reduce_sum3A_176 = vector.multi_reduction <add>, %select_n3A_174, %reduce_sum3A_175 [1] : vector<256x896xf32> to vector<256xf32>
    %broadcast_in_dim3A_177 = vector.shape_cast %reduce_sum3A_176 : vector<256xf32> to vector<256x1xf32>
    %ge3A_178 = arith.constant 3.200000e+01 : f32
    %ge3A_179 = vector.broadcast %ge3A_178 : f32 to vector<256x1xf32>
    %ge3A_180 = arith.cmpf oge, %broadcast_in_dim3A_177, %ge3A_179 : vector<256x1xf32>
    %select_n3A_181 = arith.select %ge3A_180, %select_n3A_164, %or3A_167 : vector<256x1xi1>, vector<256x1xi32>
    %or3A_182 = arith.constant 268435456 : i32
    %or3A_183 = vector.broadcast %or3A_182 : i32 to vector<256x1xi32>
    %or3A_184 = arith.ori %select_n3A_181, %or3A_183 : vector<256x1xi32>
    %lt3A_185 = vector.broadcast %or3A_184 : vector<256x1xi32> to vector<256x896xi32>
    %lt3A_186 = arith.cmpi slt, %bitcast_convert_type3A, %lt3A_185 : vector<256x896xi32>
    %jit3A_187 = arith.constant 1.000000e+00 : f32
    %jit3A_188 = arith.constant 0.000000e+00 : f32
    %broadcast_in_dim3A_189 = vector.broadcast %jit3A_187 : f32 to vector<256x896xf32>
    %broadcast_in_dim3A_190 = vector.broadcast %jit3A_188 : f32 to vector<256x896xf32>
    %select_n3A_191 = arith.select %lt3A_186, %broadcast_in_dim3A_189, %broadcast_in_dim3A_190 : vector<256x896xi1>, vector<256x896xf32>
    %reduce_sum3A_192 = arith.constant dense<0.000000e+00> : vector<256xf32>
    %reduce_sum3A_193 = vector.multi_reduction <add>, %select_n3A_191, %reduce_sum3A_192 [1] : vector<256x896xf32> to vector<256xf32>
    %broadcast_in_dim3A_194 = vector.shape_cast %reduce_sum3A_193 : vector<256xf32> to vector<256x1xf32>
    %ge3A_195 = arith.constant 3.200000e+01 : f32
    %ge3A_196 = vector.broadcast %ge3A_195 : f32 to vector<256x1xf32>
    %ge3A_197 = arith.cmpf oge, %broadcast_in_dim3A_194, %ge3A_196 : vector<256x1xf32>
    %select_n3A_198 = arith.select %ge3A_197, %select_n3A_181, %or3A_184 : vector<256x1xi1>, vector<256x1xi32>
    %or3A_199 = arith.constant 134217728 : i32
    %or3A_200 = vector.broadcast %or3A_199 : i32 to vector<256x1xi32>
    %or3A_201 = arith.ori %select_n3A_198, %or3A_200 : vector<256x1xi32>
    %lt3A_202 = vector.broadcast %or3A_201 : vector<256x1xi32> to vector<256x896xi32>
    %lt3A_203 = arith.cmpi slt, %bitcast_convert_type3A, %lt3A_202 : vector<256x896xi32>
    %jit3A_204 = arith.constant 1.000000e+00 : f32
    %jit3A_205 = arith.constant 0.000000e+00 : f32
    %broadcast_in_dim3A_206 = vector.broadcast %jit3A_204 : f32 to vector<256x896xf32>
    %broadcast_in_dim3A_207 = vector.broadcast %jit3A_205 : f32 to vector<256x896xf32>
    %select_n3A_208 = arith.select %lt3A_203, %broadcast_in_dim3A_206, %broadcast_in_dim3A_207 : vector<256x896xi1>, vector<256x896xf32>
    %reduce_sum3A_209 = arith.constant dense<0.000000e+00> : vector<256xf32>
    %reduce_sum3A_210 = vector.multi_reduction <add>, %select_n3A_208, %reduce_sum3A_209 [1] : vector<256x896xf32> to vector<256xf32>
    %broadcast_in_dim3A_211 = vector.shape_cast %reduce_sum3A_210 : vector<256xf32> to vector<256x1xf32>
    %ge3A_212 = arith.constant 3.200000e+01 : f32
    %ge3A_213 = vector.broadcast %ge3A_212 : f32 to vector<256x1xf32>
    %ge3A_214 = arith.cmpf oge, %broadcast_in_dim3A_211, %ge3A_213 : vector<256x1xf32>
    %select_n3A_215 = arith.select %ge3A_214, %select_n3A_198, %or3A_201 : vector<256x1xi1>, vector<256x1xi32>
    %or3A_216 = arith.constant 67108864 : i32
    %or3A_217 = vector.broadcast %or3A_216 : i32 to vector<256x1xi32>
    %or3A_218 = arith.ori %select_n3A_215, %or3A_217 : vector<256x1xi32>
    %lt3A_219 = vector.broadcast %or3A_218 : vector<256x1xi32> to vector<256x896xi32>
    %lt3A_220 = arith.cmpi slt, %bitcast_convert_type3A, %lt3A_219 : vector<256x896xi32>
    %jit3A_221 = arith.constant 1.000000e+00 : f32
    %jit3A_222 = arith.constant 0.000000e+00 : f32
    %broadcast_in_dim3A_223 = vector.broadcast %jit3A_221 : f32 to vector<256x896xf32>
    %broadcast_in_dim3A_224 = vector.broadcast %jit3A_222 : f32 to vector<256x896xf32>
    %select_n3A_225 = arith.select %lt3A_220, %broadcast_in_dim3A_223, %broadcast_in_dim3A_224 : vector<256x896xi1>, vector<256x896xf32>
    %reduce_sum3A_226 = arith.constant dense<0.000000e+00> : vector<256xf32>
    %reduce_sum3A_227 = vector.multi_reduction <add>, %select_n3A_225, %reduce_sum3A_226 [1] : vector<256x896xf32> to vector<256xf32>
    %broadcast_in_dim3A_228 = vector.shape_cast %reduce_sum3A_227 : vector<256xf32> to vector<256x1xf32>
    %ge3A_229 = arith.constant 3.200000e+01 : f32
    %ge3A_230 = vector.broadcast %ge3A_229 : f32 to vector<256x1xf32>
    %ge3A_231 = arith.cmpf oge, %broadcast_in_dim3A_228, %ge3A_230 : vector<256x1xf32>
    %select_n3A_232 = arith.select %ge3A_231, %select_n3A_215, %or3A_218 : vector<256x1xi1>, vector<256x1xi32>
    %or3A_233 = arith.constant 33554432 : i32
    %or3A_234 = vector.broadcast %or3A_233 : i32 to vector<256x1xi32>
    %or3A_235 = arith.ori %select_n3A_232, %or3A_234 : vector<256x1xi32>
    %lt3A_236 = vector.broadcast %or3A_235 : vector<256x1xi32> to vector<256x896xi32>
    %lt3A_237 = arith.cmpi slt, %bitcast_convert_type3A, %lt3A_236 : vector<256x896xi32>
    %jit3A_238 = arith.constant 1.000000e+00 : f32
    %jit3A_239 = arith.constant 0.000000e+00 : f32
    %broadcast_in_dim3A_240 = vector.broadcast %jit3A_238 : f32 to vector<256x896xf32>
    %broadcast_in_dim3A_241 = vector.broadcast %jit3A_239 : f32 to vector<256x896xf32>
    %select_n3A_242 = arith.select %lt3A_237, %broadcast_in_dim3A_240, %broadcast_in_dim3A_241 : vector<256x896xi1>, vector<256x896xf32>
    %reduce_sum3A_243 = arith.constant dense<0.000000e+00> : vector<256xf32>
    %reduce_sum3A_244 = vector.multi_reduction <add>, %select_n3A_242, %reduce_sum3A_243 [1] : vector<256x896xf32> to vector<256xf32>
    %broadcast_in_dim3A_245 = vector.shape_cast %reduce_sum3A_244 : vector<256xf32> to vector<256x1xf32>
    %ge3A_246 = arith.constant 3.200000e+01 : f32
    %ge3A_247 = vector.broadcast %ge3A_246 : f32 to vector<256x1xf32>
    %ge3A_248 = arith.cmpf oge, %broadcast_in_dim3A_245, %ge3A_247 : vector<256x1xf32>
    %select_n3A_249 = arith.select %ge3A_248, %select_n3A_232, %or3A_235 : vector<256x1xi1>, vector<256x1xi32>
    %or3A_250 = arith.constant 16777216 : i32
    %or3A_251 = vector.broadcast %or3A_250 : i32 to vector<256x1xi32>
    %or3A_252 = arith.ori %select_n3A_249, %or3A_251 : vector<256x1xi32>
    %lt3A_253 = vector.broadcast %or3A_252 : vector<256x1xi32> to vector<256x896xi32>
    %lt3A_254 = arith.cmpi slt, %bitcast_convert_type3A, %lt3A_253 : vector<256x896xi32>
    %jit3A_255 = arith.constant 1.000000e+00 : f32
    %jit3A_256 = arith.constant 0.000000e+00 : f32
    %broadcast_in_dim3A_257 = vector.broadcast %jit3A_255 : f32 to vector<256x896xf32>
    %broadcast_in_dim3A_258 = vector.broadcast %jit3A_256 : f32 to vector<256x896xf32>
    %select_n3A_259 = arith.select %lt3A_254, %broadcast_in_dim3A_257, %broadcast_in_dim3A_258 : vector<256x896xi1>, vector<256x896xf32>
    %reduce_sum3A_260 = arith.constant dense<0.000000e+00> : vector<256xf32>
    %reduce_sum3A_261 = vector.multi_reduction <add>, %select_n3A_259, %reduce_sum3A_260 [1] : vector<256x896xf32> to vector<256xf32>
    %broadcast_in_dim3A_262 = vector.shape_cast %reduce_sum3A_261 : vector<256xf32> to vector<256x1xf32>
    %ge3A_263 = arith.constant 3.200000e+01 : f32
    %ge3A_264 = vector.broadcast %ge3A_263 : f32 to vector<256x1xf32>
    %ge3A_265 = arith.cmpf oge, %broadcast_in_dim3A_262, %ge3A_264 : vector<256x1xf32>
    %select_n3A_266 = arith.select %ge3A_265, %select_n3A_249, %or3A_252 : vector<256x1xi1>, vector<256x1xi32>
    %or3A_267 = arith.constant 8388608 : i32
    %or3A_268 = vector.broadcast %or3A_267 : i32 to vector<256x1xi32>
    %or3A_269 = arith.ori %select_n3A_266, %or3A_268 : vector<256x1xi32>
    %lt3A_270 = vector.broadcast %or3A_269 : vector<256x1xi32> to vector<256x896xi32>
    %lt3A_271 = arith.cmpi slt, %bitcast_convert_type3A, %lt3A_270 : vector<256x896xi32>
    %jit3A_272 = arith.constant 1.000000e+00 : f32
    %jit3A_273 = arith.constant 0.000000e+00 : f32
    %broadcast_in_dim3A_274 = vector.broadcast %jit3A_272 : f32 to vector<256x896xf32>
    %broadcast_in_dim3A_275 = vector.broadcast %jit3A_273 : f32 to vector<256x896xf32>
    %select_n3A_276 = arith.select %lt3A_271, %broadcast_in_dim3A_274, %broadcast_in_dim3A_275 : vector<256x896xi1>, vector<256x896xf32>
    %reduce_sum3A_277 = arith.constant dense<0.000000e+00> : vector<256xf32>
    %reduce_sum3A_278 = vector.multi_reduction <add>, %select_n3A_276, %reduce_sum3A_277 [1] : vector<256x896xf32> to vector<256xf32>
    %broadcast_in_dim3A_279 = vector.shape_cast %reduce_sum3A_278 : vector<256xf32> to vector<256x1xf32>
    %ge3A_280 = arith.constant 3.200000e+01 : f32
    %ge3A_281 = vector.broadcast %ge3A_280 : f32 to vector<256x1xf32>
    %ge3A_282 = arith.cmpf oge, %broadcast_in_dim3A_279, %ge3A_281 : vector<256x1xf32>
    %select_n3A_283 = arith.select %ge3A_282, %select_n3A_266, %or3A_269 : vector<256x1xi1>, vector<256x1xi32>
    %or3A_284 = arith.constant 4194304 : i32
    %or3A_285 = vector.broadcast %or3A_284 : i32 to vector<256x1xi32>
    %or3A_286 = arith.ori %select_n3A_283, %or3A_285 : vector<256x1xi32>
    %lt3A_287 = vector.broadcast %or3A_286 : vector<256x1xi32> to vector<256x896xi32>
    %lt3A_288 = arith.cmpi slt, %bitcast_convert_type3A, %lt3A_287 : vector<256x896xi32>
    %jit3A_289 = arith.constant 1.000000e+00 : f32
    %jit3A_290 = arith.constant 0.000000e+00 : f32
    %broadcast_in_dim3A_291 = vector.broadcast %jit3A_289 : f32 to vector<256x896xf32>
    %broadcast_in_dim3A_292 = vector.broadcast %jit3A_290 : f32 to vector<256x896xf32>
    %select_n3A_293 = arith.select %lt3A_288, %broadcast_in_dim3A_291, %broadcast_in_dim3A_292 : vector<256x896xi1>, vector<256x896xf32>
    %reduce_sum3A_294 = arith.constant dense<0.000000e+00> : vector<256xf32>
    %reduce_sum3A_295 = vector.multi_reduction <add>, %select_n3A_293, %reduce_sum3A_294 [1] : vector<256x896xf32> to vector<256xf32>
    %broadcast_in_dim3A_296 = vector.shape_cast %reduce_sum3A_295 : vector<256xf32> to vector<256x1xf32>
    %ge3A_297 = arith.constant 3.200000e+01 : f32
    %ge3A_298 = vector.broadcast %ge3A_297 : f32 to vector<256x1xf32>
    %ge3A_299 = arith.cmpf oge, %broadcast_in_dim3A_296, %ge3A_298 : vector<256x1xf32>
    %select_n3A_300 = arith.select %ge3A_299, %select_n3A_283, %or3A_286 : vector<256x1xi1>, vector<256x1xi32>
    %or3A_301 = arith.constant 2097152 : i32
    %or3A_302 = vector.broadcast %or3A_301 : i32 to vector<256x1xi32>
    %or3A_303 = arith.ori %select_n3A_300, %or3A_302 : vector<256x1xi32>
    %lt3A_304 = vector.broadcast %or3A_303 : vector<256x1xi32> to vector<256x896xi32>
    %lt3A_305 = arith.cmpi slt, %bitcast_convert_type3A, %lt3A_304 : vector<256x896xi32>
    %jit3A_306 = arith.constant 1.000000e+00 : f32
    %jit3A_307 = arith.constant 0.000000e+00 : f32
    %broadcast_in_dim3A_308 = vector.broadcast %jit3A_306 : f32 to vector<256x896xf32>
    %broadcast_in_dim3A_309 = vector.broadcast %jit3A_307 : f32 to vector<256x896xf32>
    %select_n3A_310 = arith.select %lt3A_305, %broadcast_in_dim3A_308, %broadcast_in_dim3A_309 : vector<256x896xi1>, vector<256x896xf32>
    %reduce_sum3A_311 = arith.constant dense<0.000000e+00> : vector<256xf32>
    %reduce_sum3A_312 = vector.multi_reduction <add>, %select_n3A_310, %reduce_sum3A_311 [1] : vector<256x896xf32> to vector<256xf32>
    %broadcast_in_dim3A_313 = vector.shape_cast %reduce_sum3A_312 : vector<256xf32> to vector<256x1xf32>
    %ge3A_314 = arith.constant 3.200000e+01 : f32
    %ge3A_315 = vector.broadcast %ge3A_314 : f32 to vector<256x1xf32>
    %ge3A_316 = arith.cmpf oge, %broadcast_in_dim3A_313, %ge3A_315 : vector<256x1xf32>
    %select_n3A_317 = arith.select %ge3A_316, %select_n3A_300, %or3A_303 : vector<256x1xi1>, vector<256x1xi32>
    %or3A_318 = arith.constant 1048576 : i32
    %or3A_319 = vector.broadcast %or3A_318 : i32 to vector<256x1xi32>
    %or3A_320 = arith.ori %select_n3A_317, %or3A_319 : vector<256x1xi32>
    %lt3A_321 = vector.broadcast %or3A_320 : vector<256x1xi32> to vector<256x896xi32>
    %lt3A_322 = arith.cmpi slt, %bitcast_convert_type3A, %lt3A_321 : vector<256x896xi32>
    %jit3A_323 = arith.constant 1.000000e+00 : f32
    %jit3A_324 = arith.constant 0.000000e+00 : f32
    %broadcast_in_dim3A_325 = vector.broadcast %jit3A_323 : f32 to vector<256x896xf32>
    %broadcast_in_dim3A_326 = vector.broadcast %jit3A_324 : f32 to vector<256x896xf32>
    %select_n3A_327 = arith.select %lt3A_322, %broadcast_in_dim3A_325, %broadcast_in_dim3A_326 : vector<256x896xi1>, vector<256x896xf32>
    %reduce_sum3A_328 = arith.constant dense<0.000000e+00> : vector<256xf32>
    %reduce_sum3A_329 = vector.multi_reduction <add>, %select_n3A_327, %reduce_sum3A_328 [1] : vector<256x896xf32> to vector<256xf32>
    %broadcast_in_dim3A_330 = vector.shape_cast %reduce_sum3A_329 : vector<256xf32> to vector<256x1xf32>
    %ge3A_331 = arith.constant 3.200000e+01 : f32
    %ge3A_332 = vector.broadcast %ge3A_331 : f32 to vector<256x1xf32>
    %ge3A_333 = arith.cmpf oge, %broadcast_in_dim3A_330, %ge3A_332 : vector<256x1xf32>
    %select_n3A_334 = arith.select %ge3A_333, %select_n3A_317, %or3A_320 : vector<256x1xi1>, vector<256x1xi32>
    %or3A_335 = arith.constant 524288 : i32
    %or3A_336 = vector.broadcast %or3A_335 : i32 to vector<256x1xi32>
    %or3A_337 = arith.ori %select_n3A_334, %or3A_336 : vector<256x1xi32>
    %lt3A_338 = vector.broadcast %or3A_337 : vector<256x1xi32> to vector<256x896xi32>
    %lt3A_339 = arith.cmpi slt, %bitcast_convert_type3A, %lt3A_338 : vector<256x896xi32>
    %jit3A_340 = arith.constant 1.000000e+00 : f32
    %jit3A_341 = arith.constant 0.000000e+00 : f32
    %broadcast_in_dim3A_342 = vector.broadcast %jit3A_340 : f32 to vector<256x896xf32>
    %broadcast_in_dim3A_343 = vector.broadcast %jit3A_341 : f32 to vector<256x896xf32>
    %select_n3A_344 = arith.select %lt3A_339, %broadcast_in_dim3A_342, %broadcast_in_dim3A_343 : vector<256x896xi1>, vector<256x896xf32>
    %reduce_sum3A_345 = arith.constant dense<0.000000e+00> : vector<256xf32>
    %reduce_sum3A_346 = vector.multi_reduction <add>, %select_n3A_344, %reduce_sum3A_345 [1] : vector<256x896xf32> to vector<256xf32>
    %broadcast_in_dim3A_347 = vector.shape_cast %reduce_sum3A_346 : vector<256xf32> to vector<256x1xf32>
    %ge3A_348 = arith.constant 3.200000e+01 : f32
    %ge3A_349 = vector.broadcast %ge3A_348 : f32 to vector<256x1xf32>
    %ge3A_350 = arith.cmpf oge, %broadcast_in_dim3A_347, %ge3A_349 : vector<256x1xf32>
    %select_n3A_351 = arith.select %ge3A_350, %select_n3A_334, %or3A_337 : vector<256x1xi1>, vector<256x1xi32>
    %or3A_352 = arith.constant 262144 : i32
    %or3A_353 = vector.broadcast %or3A_352 : i32 to vector<256x1xi32>
    %or3A_354 = arith.ori %select_n3A_351, %or3A_353 : vector<256x1xi32>
    %lt3A_355 = vector.broadcast %or3A_354 : vector<256x1xi32> to vector<256x896xi32>
    %lt3A_356 = arith.cmpi slt, %bitcast_convert_type3A, %lt3A_355 : vector<256x896xi32>
    %jit3A_357 = arith.constant 1.000000e+00 : f32
    %jit3A_358 = arith.constant 0.000000e+00 : f32
    %broadcast_in_dim3A_359 = vector.broadcast %jit3A_357 : f32 to vector<256x896xf32>
    %broadcast_in_dim3A_360 = vector.broadcast %jit3A_358 : f32 to vector<256x896xf32>
    %select_n3A_361 = arith.select %lt3A_356, %broadcast_in_dim3A_359, %broadcast_in_dim3A_360 : vector<256x896xi1>, vector<256x896xf32>
    %reduce_sum3A_362 = arith.constant dense<0.000000e+00> : vector<256xf32>
    %reduce_sum3A_363 = vector.multi_reduction <add>, %select_n3A_361, %reduce_sum3A_362 [1] : vector<256x896xf32> to vector<256xf32>
    %broadcast_in_dim3A_364 = vector.shape_cast %reduce_sum3A_363 : vector<256xf32> to vector<256x1xf32>
    %ge3A_365 = arith.constant 3.200000e+01 : f32
    %ge3A_366 = vector.broadcast %ge3A_365 : f32 to vector<256x1xf32>
    %ge3A_367 = arith.cmpf oge, %broadcast_in_dim3A_364, %ge3A_366 : vector<256x1xf32>
    %select_n3A_368 = arith.select %ge3A_367, %select_n3A_351, %or3A_354 : vector<256x1xi1>, vector<256x1xi32>
    %or3A_369 = arith.constant 131072 : i32
    %or3A_370 = vector.broadcast %or3A_369 : i32 to vector<256x1xi32>
    %or3A_371 = arith.ori %select_n3A_368, %or3A_370 : vector<256x1xi32>
    %lt3A_372 = vector.broadcast %or3A_371 : vector<256x1xi32> to vector<256x896xi32>
    %lt3A_373 = arith.cmpi slt, %bitcast_convert_type3A, %lt3A_372 : vector<256x896xi32>
    %jit3A_374 = arith.constant 1.000000e+00 : f32
    %jit3A_375 = arith.constant 0.000000e+00 : f32
    %broadcast_in_dim3A_376 = vector.broadcast %jit3A_374 : f32 to vector<256x896xf32>
    %broadcast_in_dim3A_377 = vector.broadcast %jit3A_375 : f32 to vector<256x896xf32>
    %select_n3A_378 = arith.select %lt3A_373, %broadcast_in_dim3A_376, %broadcast_in_dim3A_377 : vector<256x896xi1>, vector<256x896xf32>
    %reduce_sum3A_379 = arith.constant dense<0.000000e+00> : vector<256xf32>
    %reduce_sum3A_380 = vector.multi_reduction <add>, %select_n3A_378, %reduce_sum3A_379 [1] : vector<256x896xf32> to vector<256xf32>
    %broadcast_in_dim3A_381 = vector.shape_cast %reduce_sum3A_380 : vector<256xf32> to vector<256x1xf32>
    %ge3A_382 = arith.constant 3.200000e+01 : f32
    %ge3A_383 = vector.broadcast %ge3A_382 : f32 to vector<256x1xf32>
    %ge3A_384 = arith.cmpf oge, %broadcast_in_dim3A_381, %ge3A_383 : vector<256x1xf32>
    %select_n3A_385 = arith.select %ge3A_384, %select_n3A_368, %or3A_371 : vector<256x1xi1>, vector<256x1xi32>
    %or3A_386 = arith.constant 65536 : i32
    %or3A_387 = vector.broadcast %or3A_386 : i32 to vector<256x1xi32>
    %or3A_388 = arith.ori %select_n3A_385, %or3A_387 : vector<256x1xi32>
    %lt3A_389 = vector.broadcast %or3A_388 : vector<256x1xi32> to vector<256x896xi32>
    %lt3A_390 = arith.cmpi slt, %bitcast_convert_type3A, %lt3A_389 : vector<256x896xi32>
    %jit3A_391 = arith.constant 1.000000e+00 : f32
    %jit3A_392 = arith.constant 0.000000e+00 : f32
    %broadcast_in_dim3A_393 = vector.broadcast %jit3A_391 : f32 to vector<256x896xf32>
    %broadcast_in_dim3A_394 = vector.broadcast %jit3A_392 : f32 to vector<256x896xf32>
    %select_n3A_395 = arith.select %lt3A_390, %broadcast_in_dim3A_393, %broadcast_in_dim3A_394 : vector<256x896xi1>, vector<256x896xf32>
    %reduce_sum3A_396 = arith.constant dense<0.000000e+00> : vector<256xf32>
    %reduce_sum3A_397 = vector.multi_reduction <add>, %select_n3A_395, %reduce_sum3A_396 [1] : vector<256x896xf32> to vector<256xf32>
    %broadcast_in_dim3A_398 = vector.shape_cast %reduce_sum3A_397 : vector<256xf32> to vector<256x1xf32>
    %ge3A_399 = arith.constant 3.200000e+01 : f32
    %ge3A_400 = vector.broadcast %ge3A_399 : f32 to vector<256x1xf32>
    %ge3A_401 = arith.cmpf oge, %broadcast_in_dim3A_398, %ge3A_400 : vector<256x1xf32>
    %select_n3A_402 = arith.select %ge3A_401, %select_n3A_385, %or3A_388 : vector<256x1xi1>, vector<256x1xi32>
    %or3A_403 = arith.constant 32768 : i32
    %or3A_404 = vector.broadcast %or3A_403 : i32 to vector<256x1xi32>
    %or3A_405 = arith.ori %select_n3A_402, %or3A_404 : vector<256x1xi32>
    %lt3A_406 = vector.broadcast %or3A_405 : vector<256x1xi32> to vector<256x896xi32>
    %lt3A_407 = arith.cmpi slt, %bitcast_convert_type3A, %lt3A_406 : vector<256x896xi32>
    %jit3A_408 = arith.constant 1.000000e+00 : f32
    %jit3A_409 = arith.constant 0.000000e+00 : f32
    %broadcast_in_dim3A_410 = vector.broadcast %jit3A_408 : f32 to vector<256x896xf32>
    %broadcast_in_dim3A_411 = vector.broadcast %jit3A_409 : f32 to vector<256x896xf32>
    %select_n3A_412 = arith.select %lt3A_407, %broadcast_in_dim3A_410, %broadcast_in_dim3A_411 : vector<256x896xi1>, vector<256x896xf32>
    %reduce_sum3A_413 = arith.constant dense<0.000000e+00> : vector<256xf32>
    %reduce_sum3A_414 = vector.multi_reduction <add>, %select_n3A_412, %reduce_sum3A_413 [1] : vector<256x896xf32> to vector<256xf32>
    %broadcast_in_dim3A_415 = vector.shape_cast %reduce_sum3A_414 : vector<256xf32> to vector<256x1xf32>
    %ge3A_416 = arith.constant 3.200000e+01 : f32
    %ge3A_417 = vector.broadcast %ge3A_416 : f32 to vector<256x1xf32>
    %ge3A_418 = arith.cmpf oge, %broadcast_in_dim3A_415, %ge3A_417 : vector<256x1xf32>
    %select_n3A_419 = arith.select %ge3A_418, %select_n3A_402, %or3A_405 : vector<256x1xi1>, vector<256x1xi32>
    %or3A_420 = arith.constant 16384 : i32
    %or3A_421 = vector.broadcast %or3A_420 : i32 to vector<256x1xi32>
    %or3A_422 = arith.ori %select_n3A_419, %or3A_421 : vector<256x1xi32>
    %lt3A_423 = vector.broadcast %or3A_422 : vector<256x1xi32> to vector<256x896xi32>
    %lt3A_424 = arith.cmpi slt, %bitcast_convert_type3A, %lt3A_423 : vector<256x896xi32>
    %jit3A_425 = arith.constant 1.000000e+00 : f32
    %jit3A_426 = arith.constant 0.000000e+00 : f32
    %broadcast_in_dim3A_427 = vector.broadcast %jit3A_425 : f32 to vector<256x896xf32>
    %broadcast_in_dim3A_428 = vector.broadcast %jit3A_426 : f32 to vector<256x896xf32>
    %select_n3A_429 = arith.select %lt3A_424, %broadcast_in_dim3A_427, %broadcast_in_dim3A_428 : vector<256x896xi1>, vector<256x896xf32>
    %reduce_sum3A_430 = arith.constant dense<0.000000e+00> : vector<256xf32>
    %reduce_sum3A_431 = vector.multi_reduction <add>, %select_n3A_429, %reduce_sum3A_430 [1] : vector<256x896xf32> to vector<256xf32>
    %broadcast_in_dim3A_432 = vector.shape_cast %reduce_sum3A_431 : vector<256xf32> to vector<256x1xf32>
    %ge3A_433 = arith.constant 3.200000e+01 : f32
    %ge3A_434 = vector.broadcast %ge3A_433 : f32 to vector<256x1xf32>
    %ge3A_435 = arith.cmpf oge, %broadcast_in_dim3A_432, %ge3A_434 : vector<256x1xf32>
    %select_n3A_436 = arith.select %ge3A_435, %select_n3A_419, %or3A_422 : vector<256x1xi1>, vector<256x1xi32>
    %or3A_437 = arith.constant 8192 : i32
    %or3A_438 = vector.broadcast %or3A_437 : i32 to vector<256x1xi32>
    %or3A_439 = arith.ori %select_n3A_436, %or3A_438 : vector<256x1xi32>
    %lt3A_440 = vector.broadcast %or3A_439 : vector<256x1xi32> to vector<256x896xi32>
    %lt3A_441 = arith.cmpi slt, %bitcast_convert_type3A, %lt3A_440 : vector<256x896xi32>
    %jit3A_442 = arith.constant 1.000000e+00 : f32
    %jit3A_443 = arith.constant 0.000000e+00 : f32
    %broadcast_in_dim3A_444 = vector.broadcast %jit3A_442 : f32 to vector<256x896xf32>
    %broadcast_in_dim3A_445 = vector.broadcast %jit3A_443 : f32 to vector<256x896xf32>
    %select_n3A_446 = arith.select %lt3A_441, %broadcast_in_dim3A_444, %broadcast_in_dim3A_445 : vector<256x896xi1>, vector<256x896xf32>
    %reduce_sum3A_447 = arith.constant dense<0.000000e+00> : vector<256xf32>
    %reduce_sum3A_448 = vector.multi_reduction <add>, %select_n3A_446, %reduce_sum3A_447 [1] : vector<256x896xf32> to vector<256xf32>
    %broadcast_in_dim3A_449 = vector.shape_cast %reduce_sum3A_448 : vector<256xf32> to vector<256x1xf32>
    %ge3A_450 = arith.constant 3.200000e+01 : f32
    %ge3A_451 = vector.broadcast %ge3A_450 : f32 to vector<256x1xf32>
    %ge3A_452 = arith.cmpf oge, %broadcast_in_dim3A_449, %ge3A_451 : vector<256x1xf32>
    %select_n3A_453 = arith.select %ge3A_452, %select_n3A_436, %or3A_439 : vector<256x1xi1>, vector<256x1xi32>
    %or3A_454 = arith.constant 4096 : i32
    %or3A_455 = vector.broadcast %or3A_454 : i32 to vector<256x1xi32>
    %or3A_456 = arith.ori %select_n3A_453, %or3A_455 : vector<256x1xi32>
    %lt3A_457 = vector.broadcast %or3A_456 : vector<256x1xi32> to vector<256x896xi32>
    %lt3A_458 = arith.cmpi slt, %bitcast_convert_type3A, %lt3A_457 : vector<256x896xi32>
    %jit3A_459 = arith.constant 1.000000e+00 : f32
    %jit3A_460 = arith.constant 0.000000e+00 : f32
    %broadcast_in_dim3A_461 = vector.broadcast %jit3A_459 : f32 to vector<256x896xf32>
    %broadcast_in_dim3A_462 = vector.broadcast %jit3A_460 : f32 to vector<256x896xf32>
    %select_n3A_463 = arith.select %lt3A_458, %broadcast_in_dim3A_461, %broadcast_in_dim3A_462 : vector<256x896xi1>, vector<256x896xf32>
    %reduce_sum3A_464 = arith.constant dense<0.000000e+00> : vector<256xf32>
    %reduce_sum3A_465 = vector.multi_reduction <add>, %select_n3A_463, %reduce_sum3A_464 [1] : vector<256x896xf32> to vector<256xf32>
    %broadcast_in_dim3A_466 = vector.shape_cast %reduce_sum3A_465 : vector<256xf32> to vector<256x1xf32>
    %ge3A_467 = arith.constant 3.200000e+01 : f32
    %ge3A_468 = vector.broadcast %ge3A_467 : f32 to vector<256x1xf32>
    %ge3A_469 = arith.cmpf oge, %broadcast_in_dim3A_466, %ge3A_468 : vector<256x1xf32>
    %select_n3A_470 = arith.select %ge3A_469, %select_n3A_453, %or3A_456 : vector<256x1xi1>, vector<256x1xi32>
    %or3A_471 = arith.constant 2048 : i32
    %or3A_472 = vector.broadcast %or3A_471 : i32 to vector<256x1xi32>
    %or3A_473 = arith.ori %select_n3A_470, %or3A_472 : vector<256x1xi32>
    %lt3A_474 = vector.broadcast %or3A_473 : vector<256x1xi32> to vector<256x896xi32>
    %lt3A_475 = arith.cmpi slt, %bitcast_convert_type3A, %lt3A_474 : vector<256x896xi32>
    %jit3A_476 = arith.constant 1.000000e+00 : f32
    %jit3A_477 = arith.constant 0.000000e+00 : f32
    %broadcast_in_dim3A_478 = vector.broadcast %jit3A_476 : f32 to vector<256x896xf32>
    %broadcast_in_dim3A_479 = vector.broadcast %jit3A_477 : f32 to vector<256x896xf32>
    %select_n3A_480 = arith.select %lt3A_475, %broadcast_in_dim3A_478, %broadcast_in_dim3A_479 : vector<256x896xi1>, vector<256x896xf32>
    %reduce_sum3A_481 = arith.constant dense<0.000000e+00> : vector<256xf32>
    %reduce_sum3A_482 = vector.multi_reduction <add>, %select_n3A_480, %reduce_sum3A_481 [1] : vector<256x896xf32> to vector<256xf32>
    %broadcast_in_dim3A_483 = vector.shape_cast %reduce_sum3A_482 : vector<256xf32> to vector<256x1xf32>
    %ge3A_484 = arith.constant 3.200000e+01 : f32
    %ge3A_485 = vector.broadcast %ge3A_484 : f32 to vector<256x1xf32>
    %ge3A_486 = arith.cmpf oge, %broadcast_in_dim3A_483, %ge3A_485 : vector<256x1xf32>
    %select_n3A_487 = arith.select %ge3A_486, %select_n3A_470, %or3A_473 : vector<256x1xi1>, vector<256x1xi32>
    %or3A_488 = arith.constant 1024 : i32
    %or3A_489 = vector.broadcast %or3A_488 : i32 to vector<256x1xi32>
    %or3A_490 = arith.ori %select_n3A_487, %or3A_489 : vector<256x1xi32>
    %lt3A_491 = vector.broadcast %or3A_490 : vector<256x1xi32> to vector<256x896xi32>
    %lt3A_492 = arith.cmpi slt, %bitcast_convert_type3A, %lt3A_491 : vector<256x896xi32>
    %jit3A_493 = arith.constant 1.000000e+00 : f32
    %jit3A_494 = arith.constant 0.000000e+00 : f32
    %broadcast_in_dim3A_495 = vector.broadcast %jit3A_493 : f32 to vector<256x896xf32>
    %broadcast_in_dim3A_496 = vector.broadcast %jit3A_494 : f32 to vector<256x896xf32>
    %select_n3A_497 = arith.select %lt3A_492, %broadcast_in_dim3A_495, %broadcast_in_dim3A_496 : vector<256x896xi1>, vector<256x896xf32>
    %reduce_sum3A_498 = arith.constant dense<0.000000e+00> : vector<256xf32>
    %reduce_sum3A_499 = vector.multi_reduction <add>, %select_n3A_497, %reduce_sum3A_498 [1] : vector<256x896xf32> to vector<256xf32>
    %broadcast_in_dim3A_500 = vector.shape_cast %reduce_sum3A_499 : vector<256xf32> to vector<256x1xf32>
    %ge3A_501 = arith.constant 3.200000e+01 : f32
    %ge3A_502 = vector.broadcast %ge3A_501 : f32 to vector<256x1xf32>
    %ge3A_503 = arith.cmpf oge, %broadcast_in_dim3A_500, %ge3A_502 : vector<256x1xf32>
    %select_n3A_504 = arith.select %ge3A_503, %select_n3A_487, %or3A_490 : vector<256x1xi1>, vector<256x1xi32>
    %or3A_505 = arith.constant 512 : i32
    %or3A_506 = vector.broadcast %or3A_505 : i32 to vector<256x1xi32>
    %or3A_507 = arith.ori %select_n3A_504, %or3A_506 : vector<256x1xi32>
    %lt3A_508 = vector.broadcast %or3A_507 : vector<256x1xi32> to vector<256x896xi32>
    %lt3A_509 = arith.cmpi slt, %bitcast_convert_type3A, %lt3A_508 : vector<256x896xi32>
    %jit3A_510 = arith.constant 1.000000e+00 : f32
    %jit3A_511 = arith.constant 0.000000e+00 : f32
    %broadcast_in_dim3A_512 = vector.broadcast %jit3A_510 : f32 to vector<256x896xf32>
    %broadcast_in_dim3A_513 = vector.broadcast %jit3A_511 : f32 to vector<256x896xf32>
    %select_n3A_514 = arith.select %lt3A_509, %broadcast_in_dim3A_512, %broadcast_in_dim3A_513 : vector<256x896xi1>, vector<256x896xf32>
    %reduce_sum3A_515 = arith.constant dense<0.000000e+00> : vector<256xf32>
    %reduce_sum3A_516 = vector.multi_reduction <add>, %select_n3A_514, %reduce_sum3A_515 [1] : vector<256x896xf32> to vector<256xf32>
    %broadcast_in_dim3A_517 = vector.shape_cast %reduce_sum3A_516 : vector<256xf32> to vector<256x1xf32>
    %ge3A_518 = arith.constant 3.200000e+01 : f32
    %ge3A_519 = vector.broadcast %ge3A_518 : f32 to vector<256x1xf32>
    %ge3A_520 = arith.cmpf oge, %broadcast_in_dim3A_517, %ge3A_519 : vector<256x1xf32>
    %select_n3A_521 = arith.select %ge3A_520, %select_n3A_504, %or3A_507 : vector<256x1xi1>, vector<256x1xi32>
    %or3A_522 = arith.constant 256 : i32
    %or3A_523 = vector.broadcast %or3A_522 : i32 to vector<256x1xi32>
    %or3A_524 = arith.ori %select_n3A_521, %or3A_523 : vector<256x1xi32>
    %lt3A_525 = vector.broadcast %or3A_524 : vector<256x1xi32> to vector<256x896xi32>
    %lt3A_526 = arith.cmpi slt, %bitcast_convert_type3A, %lt3A_525 : vector<256x896xi32>
    %jit3A_527 = arith.constant 1.000000e+00 : f32
    %jit3A_528 = arith.constant 0.000000e+00 : f32
    %broadcast_in_dim3A_529 = vector.broadcast %jit3A_527 : f32 to vector<256x896xf32>
    %broadcast_in_dim3A_530 = vector.broadcast %jit3A_528 : f32 to vector<256x896xf32>
    %select_n3A_531 = arith.select %lt3A_526, %broadcast_in_dim3A_529, %broadcast_in_dim3A_530 : vector<256x896xi1>, vector<256x896xf32>
    %reduce_sum3A_532 = arith.constant dense<0.000000e+00> : vector<256xf32>
    %reduce_sum3A_533 = vector.multi_reduction <add>, %select_n3A_531, %reduce_sum3A_532 [1] : vector<256x896xf32> to vector<256xf32>
    %broadcast_in_dim3A_534 = vector.shape_cast %reduce_sum3A_533 : vector<256xf32> to vector<256x1xf32>
    %ge3A_535 = arith.constant 3.200000e+01 : f32
    %ge3A_536 = vector.broadcast %ge3A_535 : f32 to vector<256x1xf32>
    %ge3A_537 = arith.cmpf oge, %broadcast_in_dim3A_534, %ge3A_536 : vector<256x1xf32>
    %select_n3A_538 = arith.select %ge3A_537, %select_n3A_521, %or3A_524 : vector<256x1xi1>, vector<256x1xi32>
    %or3A_539 = arith.constant 128 : i32
    %or3A_540 = vector.broadcast %or3A_539 : i32 to vector<256x1xi32>
    %or3A_541 = arith.ori %select_n3A_538, %or3A_540 : vector<256x1xi32>
    %lt3A_542 = vector.broadcast %or3A_541 : vector<256x1xi32> to vector<256x896xi32>
    %lt3A_543 = arith.cmpi slt, %bitcast_convert_type3A, %lt3A_542 : vector<256x896xi32>
    %jit3A_544 = arith.constant 1.000000e+00 : f32
    %jit3A_545 = arith.constant 0.000000e+00 : f32
    %broadcast_in_dim3A_546 = vector.broadcast %jit3A_544 : f32 to vector<256x896xf32>
    %broadcast_in_dim3A_547 = vector.broadcast %jit3A_545 : f32 to vector<256x896xf32>
    %select_n3A_548 = arith.select %lt3A_543, %broadcast_in_dim3A_546, %broadcast_in_dim3A_547 : vector<256x896xi1>, vector<256x896xf32>
    %reduce_sum3A_549 = arith.constant dense<0.000000e+00> : vector<256xf32>
    %reduce_sum3A_550 = vector.multi_reduction <add>, %select_n3A_548, %reduce_sum3A_549 [1] : vector<256x896xf32> to vector<256xf32>
    %broadcast_in_dim3A_551 = vector.shape_cast %reduce_sum3A_550 : vector<256xf32> to vector<256x1xf32>
    %ge3A_552 = arith.constant 3.200000e+01 : f32
    %ge3A_553 = vector.broadcast %ge3A_552 : f32 to vector<256x1xf32>
    %ge3A_554 = arith.cmpf oge, %broadcast_in_dim3A_551, %ge3A_553 : vector<256x1xf32>
    %select_n3A_555 = arith.select %ge3A_554, %select_n3A_538, %or3A_541 : vector<256x1xi1>, vector<256x1xi32>
    %or3A_556 = arith.constant 64 : i32
    %or3A_557 = vector.broadcast %or3A_556 : i32 to vector<256x1xi32>
    %or3A_558 = arith.ori %select_n3A_555, %or3A_557 : vector<256x1xi32>
    %lt3A_559 = vector.broadcast %or3A_558 : vector<256x1xi32> to vector<256x896xi32>
    %lt3A_560 = arith.cmpi slt, %bitcast_convert_type3A, %lt3A_559 : vector<256x896xi32>
    %jit3A_561 = arith.constant 1.000000e+00 : f32
    %jit3A_562 = arith.constant 0.000000e+00 : f32
    %broadcast_in_dim3A_563 = vector.broadcast %jit3A_561 : f32 to vector<256x896xf32>
    %broadcast_in_dim3A_564 = vector.broadcast %jit3A_562 : f32 to vector<256x896xf32>
    %select_n3A_565 = arith.select %lt3A_560, %broadcast_in_dim3A_563, %broadcast_in_dim3A_564 : vector<256x896xi1>, vector<256x896xf32>
    %reduce_sum3A_566 = arith.constant dense<0.000000e+00> : vector<256xf32>
    %reduce_sum3A_567 = vector.multi_reduction <add>, %select_n3A_565, %reduce_sum3A_566 [1] : vector<256x896xf32> to vector<256xf32>
    %broadcast_in_dim3A_568 = vector.shape_cast %reduce_sum3A_567 : vector<256xf32> to vector<256x1xf32>
    %ge3A_569 = arith.constant 3.200000e+01 : f32
    %ge3A_570 = vector.broadcast %ge3A_569 : f32 to vector<256x1xf32>
    %ge3A_571 = arith.cmpf oge, %broadcast_in_dim3A_568, %ge3A_570 : vector<256x1xf32>
    %select_n3A_572 = arith.select %ge3A_571, %select_n3A_555, %or3A_558 : vector<256x1xi1>, vector<256x1xi32>
    %or3A_573 = arith.constant 32 : i32
    %or3A_574 = vector.broadcast %or3A_573 : i32 to vector<256x1xi32>
    %or3A_575 = arith.ori %select_n3A_572, %or3A_574 : vector<256x1xi32>
    %lt3A_576 = vector.broadcast %or3A_575 : vector<256x1xi32> to vector<256x896xi32>
    %lt3A_577 = arith.cmpi slt, %bitcast_convert_type3A, %lt3A_576 : vector<256x896xi32>
    %jit3A_578 = arith.constant 1.000000e+00 : f32
    %jit3A_579 = arith.constant 0.000000e+00 : f32
    %broadcast_in_dim3A_580 = vector.broadcast %jit3A_578 : f32 to vector<256x896xf32>
    %broadcast_in_dim3A_581 = vector.broadcast %jit3A_579 : f32 to vector<256x896xf32>
    %select_n3A_582 = arith.select %lt3A_577, %broadcast_in_dim3A_580, %broadcast_in_dim3A_581 : vector<256x896xi1>, vector<256x896xf32>
    %reduce_sum3A_583 = arith.constant dense<0.000000e+00> : vector<256xf32>
    %reduce_sum3A_584 = vector.multi_reduction <add>, %select_n3A_582, %reduce_sum3A_583 [1] : vector<256x896xf32> to vector<256xf32>
    %broadcast_in_dim3A_585 = vector.shape_cast %reduce_sum3A_584 : vector<256xf32> to vector<256x1xf32>
    %ge3A_586 = arith.constant 3.200000e+01 : f32
    %ge3A_587 = vector.broadcast %ge3A_586 : f32 to vector<256x1xf32>
    %ge3A_588 = arith.cmpf oge, %broadcast_in_dim3A_585, %ge3A_587 : vector<256x1xf32>
    %select_n3A_589 = arith.select %ge3A_588, %select_n3A_572, %or3A_575 : vector<256x1xi1>, vector<256x1xi32>
    %or3A_590 = arith.constant 16 : i32
    %or3A_591 = vector.broadcast %or3A_590 : i32 to vector<256x1xi32>
    %or3A_592 = arith.ori %select_n3A_589, %or3A_591 : vector<256x1xi32>
    %lt3A_593 = vector.broadcast %or3A_592 : vector<256x1xi32> to vector<256x896xi32>
    %lt3A_594 = arith.cmpi slt, %bitcast_convert_type3A, %lt3A_593 : vector<256x896xi32>
    %jit3A_595 = arith.constant 1.000000e+00 : f32
    %jit3A_596 = arith.constant 0.000000e+00 : f32
    %broadcast_in_dim3A_597 = vector.broadcast %jit3A_595 : f32 to vector<256x896xf32>
    %broadcast_in_dim3A_598 = vector.broadcast %jit3A_596 : f32 to vector<256x896xf32>
    %select_n3A_599 = arith.select %lt3A_594, %broadcast_in_dim3A_597, %broadcast_in_dim3A_598 : vector<256x896xi1>, vector<256x896xf32>
    %reduce_sum3A_600 = arith.constant dense<0.000000e+00> : vector<256xf32>
    %reduce_sum3A_601 = vector.multi_reduction <add>, %select_n3A_599, %reduce_sum3A_600 [1] : vector<256x896xf32> to vector<256xf32>
    %broadcast_in_dim3A_602 = vector.shape_cast %reduce_sum3A_601 : vector<256xf32> to vector<256x1xf32>
    %ge3A_603 = arith.constant 3.200000e+01 : f32
    %ge3A_604 = vector.broadcast %ge3A_603 : f32 to vector<256x1xf32>
    %ge3A_605 = arith.cmpf oge, %broadcast_in_dim3A_602, %ge3A_604 : vector<256x1xf32>
    %select_n3A_606 = arith.select %ge3A_605, %select_n3A_589, %or3A_592 : vector<256x1xi1>, vector<256x1xi32>
    %or3A_607 = arith.constant 8 : i32
    %or3A_608 = vector.broadcast %or3A_607 : i32 to vector<256x1xi32>
    %or3A_609 = arith.ori %select_n3A_606, %or3A_608 : vector<256x1xi32>
    %lt3A_610 = vector.broadcast %or3A_609 : vector<256x1xi32> to vector<256x896xi32>
    %lt3A_611 = arith.cmpi slt, %bitcast_convert_type3A, %lt3A_610 : vector<256x896xi32>
    %jit3A_612 = arith.constant 1.000000e+00 : f32
    %jit3A_613 = arith.constant 0.000000e+00 : f32
    %broadcast_in_dim3A_614 = vector.broadcast %jit3A_612 : f32 to vector<256x896xf32>
    %broadcast_in_dim3A_615 = vector.broadcast %jit3A_613 : f32 to vector<256x896xf32>
    %select_n3A_616 = arith.select %lt3A_611, %broadcast_in_dim3A_614, %broadcast_in_dim3A_615 : vector<256x896xi1>, vector<256x896xf32>
    %reduce_sum3A_617 = arith.constant dense<0.000000e+00> : vector<256xf32>
    %reduce_sum3A_618 = vector.multi_reduction <add>, %select_n3A_616, %reduce_sum3A_617 [1] : vector<256x896xf32> to vector<256xf32>
    %broadcast_in_dim3A_619 = vector.shape_cast %reduce_sum3A_618 : vector<256xf32> to vector<256x1xf32>
    %ge3A_620 = arith.constant 3.200000e+01 : f32
    %ge3A_621 = vector.broadcast %ge3A_620 : f32 to vector<256x1xf32>
    %ge3A_622 = arith.cmpf oge, %broadcast_in_dim3A_619, %ge3A_621 : vector<256x1xf32>
    %select_n3A_623 = arith.select %ge3A_622, %select_n3A_606, %or3A_609 : vector<256x1xi1>, vector<256x1xi32>
    %or3A_624 = arith.constant 4 : i32
    %or3A_625 = vector.broadcast %or3A_624 : i32 to vector<256x1xi32>
    %or3A_626 = arith.ori %select_n3A_623, %or3A_625 : vector<256x1xi32>
    %lt3A_627 = vector.broadcast %or3A_626 : vector<256x1xi32> to vector<256x896xi32>
    %lt3A_628 = arith.cmpi slt, %bitcast_convert_type3A, %lt3A_627 : vector<256x896xi32>
    %jit3A_629 = arith.constant 1.000000e+00 : f32
    %jit3A_630 = arith.constant 0.000000e+00 : f32
    %broadcast_in_dim3A_631 = vector.broadcast %jit3A_629 : f32 to vector<256x896xf32>
    %broadcast_in_dim3A_632 = vector.broadcast %jit3A_630 : f32 to vector<256x896xf32>
    %select_n3A_633 = arith.select %lt3A_628, %broadcast_in_dim3A_631, %broadcast_in_dim3A_632 : vector<256x896xi1>, vector<256x896xf32>
    %reduce_sum3A_634 = arith.constant dense<0.000000e+00> : vector<256xf32>
    %reduce_sum3A_635 = vector.multi_reduction <add>, %select_n3A_633, %reduce_sum3A_634 [1] : vector<256x896xf32> to vector<256xf32>
    %broadcast_in_dim3A_636 = vector.shape_cast %reduce_sum3A_635 : vector<256xf32> to vector<256x1xf32>
    %ge3A_637 = arith.constant 3.200000e+01 : f32
    %ge3A_638 = vector.broadcast %ge3A_637 : f32 to vector<256x1xf32>
    %ge3A_639 = arith.cmpf oge, %broadcast_in_dim3A_636, %ge3A_638 : vector<256x1xf32>
    %select_n3A_640 = arith.select %ge3A_639, %select_n3A_623, %or3A_626 : vector<256x1xi1>, vector<256x1xi32>
    %or3A_641 = arith.constant 2 : i32
    %or3A_642 = vector.broadcast %or3A_641 : i32 to vector<256x1xi32>
    %or3A_643 = arith.ori %select_n3A_640, %or3A_642 : vector<256x1xi32>
    %lt3A_644 = vector.broadcast %or3A_643 : vector<256x1xi32> to vector<256x896xi32>
    %lt3A_645 = arith.cmpi slt, %bitcast_convert_type3A, %lt3A_644 : vector<256x896xi32>
    %jit3A_646 = arith.constant 1.000000e+00 : f32
    %jit3A_647 = arith.constant 0.000000e+00 : f32
    %broadcast_in_dim3A_648 = vector.broadcast %jit3A_646 : f32 to vector<256x896xf32>
    %broadcast_in_dim3A_649 = vector.broadcast %jit3A_647 : f32 to vector<256x896xf32>
    %select_n3A_650 = arith.select %lt3A_645, %broadcast_in_dim3A_648, %broadcast_in_dim3A_649 : vector<256x896xi1>, vector<256x896xf32>
    %reduce_sum3A_651 = arith.constant dense<0.000000e+00> : vector<256xf32>
    %reduce_sum3A_652 = vector.multi_reduction <add>, %select_n3A_650, %reduce_sum3A_651 [1] : vector<256x896xf32> to vector<256xf32>
    %broadcast_in_dim3A_653 = vector.shape_cast %reduce_sum3A_652 : vector<256xf32> to vector<256x1xf32>
    %ge3A_654 = arith.constant 3.200000e+01 : f32
    %ge3A_655 = vector.broadcast %ge3A_654 : f32 to vector<256x1xf32>
    %ge3A_656 = arith.cmpf oge, %broadcast_in_dim3A_653, %ge3A_655 : vector<256x1xf32>
    %select_n3A_657 = arith.select %ge3A_656, %select_n3A_640, %or3A_643 : vector<256x1xi1>, vector<256x1xi32>
    %or3A_658 = arith.constant 1 : i32
    %or3A_659 = vector.broadcast %or3A_658 : i32 to vector<256x1xi32>
    %or3A_660 = arith.ori %select_n3A_657, %or3A_659 : vector<256x1xi32>
    %lt3A_661 = vector.broadcast %or3A_660 : vector<256x1xi32> to vector<256x896xi32>
    %lt3A_662 = arith.cmpi slt, %bitcast_convert_type3A, %lt3A_661 : vector<256x896xi32>
    %jit3A_663 = arith.constant 1.000000e+00 : f32
    %jit3A_664 = arith.constant 0.000000e+00 : f32
    %broadcast_in_dim3A_665 = vector.broadcast %jit3A_663 : f32 to vector<256x896xf32>
    %broadcast_in_dim3A_666 = vector.broadcast %jit3A_664 : f32 to vector<256x896xf32>
    %select_n3A_667 = arith.select %lt3A_662, %broadcast_in_dim3A_665, %broadcast_in_dim3A_666 : vector<256x896xi1>, vector<256x896xf32>
    %reduce_sum3A_668 = arith.constant dense<0.000000e+00> : vector<256xf32>
    %reduce_sum3A_669 = vector.multi_reduction <add>, %select_n3A_667, %reduce_sum3A_668 [1] : vector<256x896xf32> to vector<256xf32>
    %broadcast_in_dim3A_670 = vector.shape_cast %reduce_sum3A_669 : vector<256xf32> to vector<256x1xf32>
    %ge3A_671 = arith.constant 3.200000e+01 : f32
    %ge3A_672 = vector.broadcast %ge3A_671 : f32 to vector<256x1xf32>
    %ge3A_673 = arith.cmpf oge, %broadcast_in_dim3A_670, %ge3A_672 : vector<256x1xf32>
    %select_n3A_674 = arith.select %ge3A_673, %select_n3A_657, %or3A_660 : vector<256x1xi1>, vector<256x1xi32>
    %lt3A_675 = vector.broadcast %select_n3A_674 : vector<256x1xi32> to vector<256x896xi32>
    %lt3A_676 = arith.cmpi slt, %bitcast_convert_type3A, %lt3A_675 : vector<256x896xi32>
    %jit3A_677 = arith.constant 1.000000e+00 : f32
    %jit3A_678 = arith.constant 0.000000e+00 : f32
    %broadcast_in_dim3A_679 = vector.broadcast %jit3A_677 : f32 to vector<256x896xf32>
    %broadcast_in_dim3A_680 = vector.broadcast %jit3A_678 : f32 to vector<256x896xf32>
    %select_n3A_681 = arith.select %lt3A_676, %broadcast_in_dim3A_679, %broadcast_in_dim3A_680 : vector<256x896xi1>, vector<256x896xf32>
    %reduce_sum3A_682 = arith.constant dense<0.000000e+00> : vector<256xf32>
    %reduce_sum3A_683 = vector.multi_reduction <add>, %select_n3A_681, %reduce_sum3A_682 [1] : vector<256x896xf32> to vector<256xf32>
    %broadcast_in_dim3A_684 = vector.shape_cast %reduce_sum3A_683 : vector<256xf32> to vector<256x1xf32>
    %bitcast_convert_type3A_685 = tpu.bitcast %select_n3A_674 : vector<256x1xi32> -> vector<256x1xf32>
    %lt3A_686 = arith.constant 0.000000e+00 : f32
    %lt3A_687 = vector.broadcast %lt3A_686 : f32 to vector<256x896xf32>
    %lt3A_688 = arith.cmpf olt, %get3A_14, %lt3A_687 : vector<256x896xf32>
    %integer_pow3A_689 = arith.mulf %get3A_14, %get3A_14 : vector<256x896xf32>
    %jit3A_690 = arith.constant 0.000000e+00 : f32
    %broadcast_in_dim3A_691 = vector.broadcast %jit3A_690 : f32 to vector<256x896xf32>
    %select_n3A_692 = arith.select %lt3A_688, %integer_pow3A_689, %broadcast_in_dim3A_691 : vector<256x896xi1>, vector<256x896xf32>
    %lt3A_693 = arith.constant 5.000000e-01 : f32
    %lt3A_694 = vector.broadcast %lt3A_693 : f32 to vector<256x896xf32>
    %lt3A_695 = arith.cmpf olt, %get3A_14, %lt3A_694 : vector<256x896xf32>
    %lt3A_696 = arith.constant 1.500000e+00 : f32
    %lt3A_697 = vector.broadcast %lt3A_696 : f32 to vector<256x896xf32>
    %lt3A_698 = arith.cmpf olt, %get3A_14, %lt3A_697 : vector<256x896xf32>
    %sub3A_699 = arith.constant 1.500000e+00 : f32
    %sub3A_700 = vector.broadcast %sub3A_699 : f32 to vector<256x896xf32>
    %sub3A_701 = arith.subf %sub3A_700, %get3A_14 : vector<256x896xf32>
    %jit3A_702 = arith.constant 0.000000e+00 : f32
    %broadcast_in_dim3A_703 = vector.broadcast %jit3A_702 : f32 to vector<256x896xf32>
    %select_n3A_704 = arith.select %lt3A_698, %sub3A_701, %broadcast_in_dim3A_703 : vector<256x896xi1>, vector<256x896xf32>
    %jit3A_705 = arith.constant 1.000000e+00 : f32
    %broadcast_in_dim3A_706 = vector.broadcast %jit3A_705 : f32 to vector<256x896xf32>
    %select_n3A_707 = arith.select %lt3A_695, %broadcast_in_dim3A_706, %select_n3A_704 : vector<256x896xi1>, vector<256x896xf32>
    %lt3A_708 = arith.constant -0.699999988 : f32
    %lt3A_709 = vector.broadcast %lt3A_708 : f32 to vector<256x896xf32>
    %lt3A_710 = arith.cmpf olt, %get3A_14, %lt3A_709 : vector<256x896xf32>
    %lt3A_711 = arith.constant 0.000000e+00 : f32
    %lt3A_712 = vector.broadcast %lt3A_711 : f32 to vector<256x896xf32>
    %lt3A_713 = arith.cmpf olt, %get3A_14, %lt3A_712 : vector<256x896xf32>
    %sub3A_714 = arith.constant 0.000000e+00 : f32
    %sub3A_715 = vector.broadcast %sub3A_714 : f32 to vector<256x896xf32>
    %sub3A_716 = arith.subf %sub3A_715, %get3A_14 : vector<256x896xf32>
    %mul3A_717 = arith.constant 1.42857146 : f32
    %mul3A_718 = vector.broadcast %mul3A_717 : f32 to vector<256x896xf32>
    %mul3A_719 = arith.mulf %mul3A_718, %sub3A_716 : vector<256x896xf32>
    %jit3A_720 = arith.constant 0.000000e+00 : f32
    %broadcast_in_dim3A_721 = vector.broadcast %jit3A_720 : f32 to vector<256x896xf32>
    %select_n3A_722 = arith.select %lt3A_713, %mul3A_719, %broadcast_in_dim3A_721 : vector<256x896xi1>, vector<256x896xf32>
    %jit3A_723 = arith.constant 1.000000e+00 : f32
    %broadcast_in_dim3A_724 = vector.broadcast %jit3A_723 : f32 to vector<256x896xf32>
    %select_n3A_725 = arith.select %lt3A_710, %broadcast_in_dim3A_724, %select_n3A_722 : vector<256x896xi1>, vector<256x896xf32>
    %div3A_726 = arith.constant 5.000000e-01 : f32
    %div3A_727 = vector.broadcast %div3A_726 : f32 to vector<256x896xf32>
    %div3A_728 = arith.divf %get3A_14, %div3A_727 : vector<256x896xf32>
    %integer_pow3A_729 = arith.mulf %div3A_728, %div3A_728 : vector<256x896xf32>
    %neg3A_730 = arith.constant 0.000000e+00 : f32
    %neg3A_731 = vector.broadcast %neg3A_730 : f32 to vector<256x896xf32>
    %neg3A_732 = arith.subf %neg3A_731, %integer_pow3A_729 : vector<256x896xf32>
    %exp3A_733 = math.exp %neg3A_732 : vector<256x896xf32>
    %sub3A_734 = arith.constant 3.000000e+00 : f32
    %sub3A_735 = vector.broadcast %sub3A_734 : f32 to vector<256x896xf32>
    %sub3A_736 = arith.subf %get3A_14, %sub3A_735 : vector<256x896xf32>
    %div3A_737 = arith.constant 2.000000e+00 : f32
    %div3A_738 = vector.broadcast %div3A_737 : f32 to vector<256x896xf32>
    %div3A_739 = arith.divf %sub3A_736, %div3A_738 : vector<256x896xf32>
    %integer_pow3A_740 = arith.mulf %div3A_739, %div3A_739 : vector<256x896xf32>
    %neg3A_741 = arith.constant 0.000000e+00 : f32
    %neg3A_742 = vector.broadcast %neg3A_741 : f32 to vector<256x896xf32>
    %neg3A_743 = arith.subf %neg3A_742, %integer_pow3A_740 : vector<256x896xf32>
    %exp3A_744 = math.exp %neg3A_743 : vector<256x896xf32>
    %mul3A_745 = vector.broadcast %get3A_17 : f32 to vector<256x896xf32>
    %mul3A_746 = arith.mulf %mul3A_745, %select_n3A_692 : vector<256x896xf32>
    %mul3A_747 = vector.broadcast %get3A_20 : f32 to vector<256x896xf32>
    %mul3A_748 = arith.mulf %mul3A_747, %select_n3A_707 : vector<256x896xf32>
    %add3A_749 = arith.addf %mul3A_746, %mul3A_748 : vector<256x896xf32>
    %mul3A_750 = vector.broadcast %get3A_23 : f32 to vector<256x896xf32>
    %mul3A_751 = arith.mulf %mul3A_750, %select_n3A_725 : vector<256x896xf32>
    %add3A_752 = arith.addf %add3A_749, %mul3A_751 : vector<256x896xf32>
    %mul3A_753 = vector.broadcast %get3A_26 : f32 to vector<256x896xf32>
    %mul3A_754 = arith.mulf %mul3A_753, %exp3A_733 : vector<256x896xf32>
    %add3A_755 = arith.addf %add3A_752, %mul3A_754 : vector<256x896xf32>
    %mul3A_756 = vector.broadcast %get3A_29 : f32 to vector<256x896xf32>
    %mul3A_757 = arith.mulf %mul3A_756, %exp3A_744 : vector<256x896xf32>
    %add3A_758 = arith.addf %add3A_755, %mul3A_757 : vector<256x896xf32>
    %lt3A_759 = arith.constant 8.000000e+00 : f32
    %lt3A_760 = vector.broadcast %lt3A_759 : f32 to vector<256x896xf32>
    %lt3A_761 = arith.cmpf olt, %get3A_14, %lt3A_760 : vector<256x896xf32>
    %jit3A_762 = arith.constant 0.000000e+00 : f32
    %broadcast_in_dim3A_763 = vector.broadcast %jit3A_762 : f32 to vector<256x896xf32>
    %select_n3A_764 = arith.select %lt3A_761, %add3A_758, %broadcast_in_dim3A_763 : vector<256x896xi1>, vector<256x896xf32>
    %mul3A_765 = arith.constant 1.000000e+00 : f32
    %mul3A_766 = arith.mulf %get3A_32, %mul3A_765 : f32
    %add3A_767 = arith.constant 1.000000e+00 : f32
    %add3A_768 = arith.addf %add3A_767, %mul3A_766 : f32
    %div3A_769 = vector.broadcast %add3A_768 : f32 to vector<256x896xf32>
    %div3A_770 = arith.divf %select_n3A_764, %div3A_769 : vector<256x896xf32>
    %jit3A_771 = arith.constant 0.000000e+00 : f32
    %broadcast_in_dim3A_772 = vector.broadcast %jit3A_771 : f32 to vector<256x896xf32>
    %select_n3A_773 = arith.select %lt3A_676, %div3A_770, %broadcast_in_dim3A_772 : vector<256x896xi1>, vector<256x896xf32>
    %reduce_sum3A_774 = vector.shape_cast %select_n3A_773 : vector<256x896xf32> to vector<1x256x896xf32>
    %reduce_sum3A_775 = arith.constant dense<0.000000e+00> : vector<1xf32>
    %reduce_sum3A_776 = vector.multi_reduction <add>, %reduce_sum3A_774, %reduce_sum3A_775 [1, 2] : vector<1x256x896xf32> to vector<1xf32>
    %reduce_sum3A_777 = vector.shape_cast %reduce_sum3A_776 : vector<1xf32> to vector<1x1x1xf32>
    %reduce_sum3A_778 = vector.extract %reduce_sum3A_777[0, 0, 0] : f32 from vector<1x1x1xf32>
    %add3A_779 = arith.addf %reduce_sum3A_147, %reduce_sum3A_778 : f32
    %sub3A_780 = arith.constant 3.200000e+01 : f32
    %sub3A_781 = vector.broadcast %sub3A_780 : f32 to vector<256x1xf32>
    %sub3A_782 = arith.subf %sub3A_781, %broadcast_in_dim3A_684 : vector<256x1xf32>
    %lt3A_783 = arith.constant 0.000000e+00 : f32
    %lt3A_784 = vector.broadcast %lt3A_783 : f32 to vector<256x1xf32>
    %lt3A_785 = arith.cmpf olt, %bitcast_convert_type3A_685, %lt3A_784 : vector<256x1xf32>
    %integer_pow3A_786 = arith.mulf %bitcast_convert_type3A_685, %bitcast_convert_type3A_685 : vector<256x1xf32>
    %jit3A_787 = arith.constant 0.000000e+00 : f32
    %broadcast_in_dim3A_788 = vector.broadcast %jit3A_787 : f32 to vector<256x1xf32>
    %select_n3A_789 = arith.select %lt3A_785, %integer_pow3A_786, %broadcast_in_dim3A_788 : vector<256x1xi1>, vector<256x1xf32>
    %lt3A_790 = arith.constant 5.000000e-01 : f32
    %lt3A_791 = vector.broadcast %lt3A_790 : f32 to vector<256x1xf32>
    %lt3A_792 = arith.cmpf olt, %bitcast_convert_type3A_685, %lt3A_791 : vector<256x1xf32>
    %lt3A_793 = arith.constant 1.500000e+00 : f32
    %lt3A_794 = vector.broadcast %lt3A_793 : f32 to vector<256x1xf32>
    %lt3A_795 = arith.cmpf olt, %bitcast_convert_type3A_685, %lt3A_794 : vector<256x1xf32>
    %sub3A_796 = arith.constant 1.500000e+00 : f32
    %sub3A_797 = vector.broadcast %sub3A_796 : f32 to vector<256x1xf32>
    %sub3A_798 = arith.subf %sub3A_797, %bitcast_convert_type3A_685 : vector<256x1xf32>
    %jit3A_799 = arith.constant 0.000000e+00 : f32
    %broadcast_in_dim3A_800 = vector.broadcast %jit3A_799 : f32 to vector<256x1xf32>
    %select_n3A_801 = arith.select %lt3A_795, %sub3A_798, %broadcast_in_dim3A_800 : vector<256x1xi1>, vector<256x1xf32>
    %jit3A_802 = arith.constant 1.000000e+00 : f32
    %broadcast_in_dim3A_803 = vector.broadcast %jit3A_802 : f32 to vector<256x1xf32>
    %select_n3A_804 = arith.select %lt3A_792, %broadcast_in_dim3A_803, %select_n3A_801 : vector<256x1xi1>, vector<256x1xf32>
    %lt3A_805 = arith.constant -0.699999988 : f32
    %lt3A_806 = vector.broadcast %lt3A_805 : f32 to vector<256x1xf32>
    %lt3A_807 = arith.cmpf olt, %bitcast_convert_type3A_685, %lt3A_806 : vector<256x1xf32>
    %lt3A_808 = arith.constant 0.000000e+00 : f32
    %lt3A_809 = vector.broadcast %lt3A_808 : f32 to vector<256x1xf32>
    %lt3A_810 = arith.cmpf olt, %bitcast_convert_type3A_685, %lt3A_809 : vector<256x1xf32>
    %sub3A_811 = arith.constant 0.000000e+00 : f32
    %sub3A_812 = vector.broadcast %sub3A_811 : f32 to vector<256x1xf32>
    %sub3A_813 = arith.subf %sub3A_812, %bitcast_convert_type3A_685 : vector<256x1xf32>
    %mul3A_814 = arith.constant 1.42857146 : f32
    %mul3A_815 = vector.broadcast %mul3A_814 : f32 to vector<256x1xf32>
    %mul3A_816 = arith.mulf %mul3A_815, %sub3A_813 : vector<256x1xf32>
    %jit3A_817 = arith.constant 0.000000e+00 : f32
    %broadcast_in_dim3A_818 = vector.broadcast %jit3A_817 : f32 to vector<256x1xf32>
    %select_n3A_819 = arith.select %lt3A_810, %mul3A_816, %broadcast_in_dim3A_818 : vector<256x1xi1>, vector<256x1xf32>
    %jit3A_820 = arith.constant 1.000000e+00 : f32
    %broadcast_in_dim3A_821 = vector.broadcast %jit3A_820 : f32 to vector<256x1xf32>
    %select_n3A_822 = arith.select %lt3A_807, %broadcast_in_dim3A_821, %select_n3A_819 : vector<256x1xi1>, vector<256x1xf32>
    %div3A_823 = arith.constant 5.000000e-01 : f32
    %div3A_824 = vector.broadcast %div3A_823 : f32 to vector<256x1xf32>
    %div3A_825 = arith.divf %bitcast_convert_type3A_685, %div3A_824 : vector<256x1xf32>
    %integer_pow3A_826 = arith.mulf %div3A_825, %div3A_825 : vector<256x1xf32>
    %neg3A_827 = arith.constant 0.000000e+00 : f32
    %neg3A_828 = vector.broadcast %neg3A_827 : f32 to vector<256x1xf32>
    %neg3A_829 = arith.subf %neg3A_828, %integer_pow3A_826 : vector<256x1xf32>
    %exp3A_830 = math.exp %neg3A_829 : vector<256x1xf32>
    %sub3A_831 = arith.constant 3.000000e+00 : f32
    %sub3A_832 = vector.broadcast %sub3A_831 : f32 to vector<256x1xf32>
    %sub3A_833 = arith.subf %bitcast_convert_type3A_685, %sub3A_832 : vector<256x1xf32>
    %div3A_834 = arith.constant 2.000000e+00 : f32
    %div3A_835 = vector.broadcast %div3A_834 : f32 to vector<256x1xf32>
    %div3A_836 = arith.divf %sub3A_833, %div3A_835 : vector<256x1xf32>
    %integer_pow3A_837 = arith.mulf %div3A_836, %div3A_836 : vector<256x1xf32>
    %neg3A_838 = arith.constant 0.000000e+00 : f32
    %neg3A_839 = vector.broadcast %neg3A_838 : f32 to vector<256x1xf32>
    %neg3A_840 = arith.subf %neg3A_839, %integer_pow3A_837 : vector<256x1xf32>
    %exp3A_841 = math.exp %neg3A_840 : vector<256x1xf32>
    %mul3A_842 = vector.broadcast %get3A_17 : f32 to vector<256x1xf32>
    %mul3A_843 = arith.mulf %mul3A_842, %select_n3A_789 : vector<256x1xf32>
    %mul3A_844 = vector.broadcast %get3A_20 : f32 to vector<256x1xf32>
    %mul3A_845 = arith.mulf %mul3A_844, %select_n3A_804 : vector<256x1xf32>
    %add3A_846 = arith.addf %mul3A_843, %mul3A_845 : vector<256x1xf32>
    %mul3A_847 = vector.broadcast %get3A_23 : f32 to vector<256x1xf32>
    %mul3A_848 = arith.mulf %mul3A_847, %select_n3A_822 : vector<256x1xf32>
    %add3A_849 = arith.addf %add3A_846, %mul3A_848 : vector<256x1xf32>
    %mul3A_850 = vector.broadcast %get3A_26 : f32 to vector<256x1xf32>
    %mul3A_851 = arith.mulf %mul3A_850, %exp3A_830 : vector<256x1xf32>
    %add3A_852 = arith.addf %add3A_849, %mul3A_851 : vector<256x1xf32>
    %mul3A_853 = vector.broadcast %get3A_29 : f32 to vector<256x1xf32>
    %mul3A_854 = arith.mulf %mul3A_853, %exp3A_841 : vector<256x1xf32>
    %add3A_855 = arith.addf %add3A_852, %mul3A_854 : vector<256x1xf32>
    %lt3A_856 = arith.constant 8.000000e+00 : f32
    %lt3A_857 = vector.broadcast %lt3A_856 : f32 to vector<256x1xf32>
    %lt3A_858 = arith.cmpf olt, %bitcast_convert_type3A_685, %lt3A_857 : vector<256x1xf32>
    %jit3A_859 = arith.constant 0.000000e+00 : f32
    %broadcast_in_dim3A_860 = vector.broadcast %jit3A_859 : f32 to vector<256x1xf32>
    %select_n3A_861 = arith.select %lt3A_858, %add3A_855, %broadcast_in_dim3A_860 : vector<256x1xi1>, vector<256x1xf32>
    %mul3A_862 = arith.constant 1.000000e+00 : f32
    %mul3A_863 = arith.mulf %get3A_32, %mul3A_862 : f32
    %add3A_864 = arith.constant 1.000000e+00 : f32
    %add3A_865 = arith.addf %add3A_864, %mul3A_863 : f32
    %div3A_866 = vector.broadcast %add3A_865 : f32 to vector<256x1xf32>
    %div3A_867 = arith.divf %select_n3A_861, %div3A_866 : vector<256x1xf32>
    %mul3A_868 = arith.mulf %sub3A_782, %div3A_867 : vector<256x1xf32>
    %reduce_sum3A_869 = vector.shape_cast %mul3A_868 : vector<256x1xf32> to vector<1x256x1xf32>
    %reduce_sum3A_870 = arith.constant dense<0.000000e+00> : vector<1xf32>
    %reduce_sum3A_871 = vector.multi_reduction <add>, %reduce_sum3A_869, %reduce_sum3A_870 [1, 2] : vector<1x256x1xf32> to vector<1xf32>
    %reduce_sum3A_872 = vector.shape_cast %reduce_sum3A_871 : vector<1xf32> to vector<1x1x1xf32>
    %reduce_sum3A_873 = vector.extract %reduce_sum3A_872[0, 0, 0] : f32 from vector<1x1x1xf32>
    %add3A_874 = arith.addf %add3A_779, %reduce_sum3A_873 : f32
    %eq3A = arith.constant 0 : i32
    %eq3A_875 = arith.cmpi eq, %arg0, %eq3A : i32
    %convert_element_type3A = arith.extui %eq3A_875 : i1 to i32
    %cond3A = arith.constant 0 : i32
    %cond3A_876 = arith.cmpi ne, %convert_element_type3A, %cond3A : i32
    scf.if %cond3A_876 {
      %swap3A_883 = arith.constant 0.000000e+00 : f32
      %swap3A_884 = arith.constant 0 : index
      %swap3A_885 = arith.constant 0 : index
      %swap3A_886 = memref.load %arg14[%swap3A_884, %swap3A_885] : memref<1x1xf32, #tpu.memory_space<smem>>
      memref.store %swap3A_883, %arg14[%swap3A_884, %swap3A_885] : memref<1x1xf32, #tpu.memory_space<smem>>
    } else {
    }
    %get3A_877 = arith.constant 0 : index
    %get3A_878 = arith.constant 0 : index
    %get3A_879 = memref.load %arg14[%get3A_877, %get3A_878] : memref<1x1xf32, #tpu.memory_space<smem>>
    %add3A_880 = arith.addf %get3A_879, %add3A_874 : f32
    %swap3A = arith.constant 0 : index
    %swap3A_881 = arith.constant 0 : index
    %swap3A_882 = memref.load %arg14[%swap3A, %swap3A_881] : memref<1x1xf32, #tpu.memory_space<smem>>
    memref.store %add3A_880, %arg14[%swap3A, %swap3A_881] : memref<1x1xf32, #tpu.memory_space<smem>>
    return
  }
  func.func @transform_0(%arg0: i32, %arg1: memref<4096xi32, #tpu.memory_space<smem>>) -> (i32, i32) {
    %c0_i32 = arith.constant 0 : i32
    %c0_i32_0 = arith.constant 0 : i32
    %c0_i32_1 = arith.constant 0 : i32
    return %c0_i32, %c0_i32_0 : i32, i32
  }
  func.func @transform_1(%arg0: i32, %arg1: memref<4096xi32, #tpu.memory_space<smem>>) -> (i32, i32) {
    %c0_i32 = arith.constant 0 : i32
    %c0_i32_0 = arith.constant 0 : i32
    %c0_i32_1 = arith.constant 0 : i32
    return %c0_i32, %c0_i32_0 : i32, i32
  }
  func.func @transform_2(%arg0: i32, %arg1: memref<4096xi32, #tpu.memory_space<smem>>) -> (i32, i32) {
    %c0_i32 = arith.constant 0 : i32
    %c0_i32_0 = arith.constant 0 : i32
    %c0_i32_1 = arith.constant 0 : i32
    return %c0_i32, %c0_i32_0 : i32, i32
  }
  func.func @transform_3(%arg0: i32, %arg1: memref<4096xi32, #tpu.memory_space<smem>>) -> (i32, i32) {
    %c0_i32 = arith.constant 0 : i32
    %c0_i32_0 = arith.constant 0 : i32
    %c0_i32_1 = arith.constant 0 : i32
    return %c0_i32, %c0_i32_0 : i32, i32
  }
  func.func @transform_4(%arg0: i32, %arg1: memref<4096xi32, #tpu.memory_space<smem>>) -> (i32, i32) {
    %c0_i32 = arith.constant 0 : i32
    %c0_i32_0 = arith.constant 0 : i32
    %c0_i32_1 = arith.constant 0 : i32
    return %c0_i32, %c0_i32_0 : i32, i32
  }
  func.func @transform_5(%arg0: i32, %arg1: memref<4096xi32, #tpu.memory_space<smem>>) -> (i32, i32) {
    %c0_i32 = arith.constant 0 : i32
    %c0_i32_0 = arith.constant 0 : i32
    %c0_i32_1 = arith.constant 0 : i32
    return %c0_i32, %c0_i32_0 : i32, i32
  }
  func.func @transform_6(%arg0: i32, %arg1: memref<4096xi32, #tpu.memory_space<smem>>) -> (i32, i32) {
    %c0_i32 = arith.constant 0 : i32
    %c0_i32_0 = arith.constant 0 : i32
    return %arg0, %c0_i32 : i32, i32
  }
  func.func @transform_7(%arg0: i32, %arg1: memref<4096xi32, #tpu.memory_space<smem>>) -> (i32, i32) {
    %c0_i32 = arith.constant 0 : i32
    %c0_i32_0 = arith.constant 0 : i32
    return %arg0, %c0_i32 : i32, i32
  }
  func.func @transform_8(%arg0: i32, %arg1: memref<4096xi32, #tpu.memory_space<smem>>) -> (i32, i32) {
    %c0_i32 = arith.constant 0 : i32
    %c0_i32_0 = arith.constant 0 : i32
    return %arg0, %c0_i32 : i32, i32
  }
  func.func @transform_9(%arg0: i32, %arg1: memref<4096xi32, #tpu.memory_space<smem>>) -> (i32, i32) {
    %c0_i32 = arith.constant 0 : i32
    %c0_i32_0 = arith.constant 0 : i32
    %c0_i32_1 = arith.constant 0 : i32
    return %c0_i32, %c0_i32_0 : i32, i32
  }
  func.func @transform_10(%arg0: i32, %arg1: memref<4096xi32, #tpu.memory_space<smem>>) -> (i32, i32) {
    %c0_i32 = arith.constant 0 : i32
    %c0_i32_0 = arith.constant 0 : i32
    %c0_i32_1 = arith.constant 0 : i32
    return %c0_i32, %c0_i32_0 : i32, i32
  }
  func.func @transform_11(%arg0: i32, %arg1: memref<4096xi32, #tpu.memory_space<smem>>) -> (i32, i32) {
    %c0_i32 = arith.constant 0 : i32
    %c0_i32_0 = arith.constant 0 : i32
    %c0_i32_1 = arith.constant 0 : i32
    return %c0_i32, %c0_i32_0 : i32, i32
  }
  func.func @transform_12(%arg0: i32, %arg1: memref<4096xi32, #tpu.memory_space<smem>>) -> (i32, i32) {
    %c0_i32 = arith.constant 0 : i32
    %c0_i32_0 = arith.constant 0 : i32
    %c0_i32_1 = arith.constant 0 : i32
    return %c0_i32, %c0_i32_0 : i32, i32
  }
}

</mosaic_0001>

<sc_bundles>
// kernel: kernel.6.cloned.1.call-start
scs
__scs_entry_jumppad:
0x0: {  	(pc) =	sbr.rel $0x88, $3  }
0x1: {  	(tag) =	ssettag $0x0;
	lr =	simm.s32 $0x1  }
0x2: {  	[smem:$0x3F9E] =	sst lr;
	_ =	strace $0xD0000000  }
0x3: {  	_ = 	snop  }
0x4: {  	_ = 	snop  }
0x5: {  	_ = 	snop  }
0x6: {  	_ = 	snop  }
0x7: {  	_ = 	snop  }
__scs_overlays_trampoline_lowered:
0x8: {  	[smem:$0x3FAD] =	sst s0  }
0x9: {  	[smem:$0x3FAE] =	sst s1  }
0xa: {  	[smem:$0x3FAF] =	sst s2  }
0xb: {  	[smem:$0x3FB0] =	sst s3  }
0xc: {  	[smem:$0x3FB1] =	sst s4  }
0xd: {  	[smem:$0x3FB2] =	sst s5  }
0xe: {  	[smem:$0x3FB3] =	sst s6  }
0xf: {  	[smem:$0x3FB4] =	sst s7  }
0x10: {  	[smem:$0x3FB5] =	sst s8  }
0x11: {  	[smem:$0x3FB6] =	sst s9;
	s0 =	simm.s32 @!p0 $0x0  }
0x12: {  	s1 =	sld [smem:$0x3F9C];
	s0 =	simm.s32 @p0 $0x1  }
0x13: {  	[smem:$0x3FB7] =	sst s0;
	s0 =	simm.s32 @!p1 $0x0  }
0x14: {  	s2 =	sld [smem:$0x3F9B];
	s0 =	simm.s32 @p1 $0x1  }
0x15: {  	[smem:$0x3FB8] =	sst s0;
	s0 =	simm.s32 @!p2 $0x0  }
0x16: {  	s3 =	sld [smem:$0x3FDB];
	s0 =	simm.s32 @p2 $0x1  }
0x17: {  	s4 =	simm.s32 $0x1BF5;
	[smem:$0x3FBA] =	sst s0  }
0x18: {  	s0 =	sld [smem:$0x3F9D];
	_ =	swait.ge [sflag:s4], $0x0  }
0x19: {  	s7 =	sld [smem:$0x3F9E]  }
0x1a: {  	s8 =	sadd.s32 $0xFFFFE003, lr  }
0x1b: {  	s9 =	sadd.s32 $0xFFFFFEF7, lr;
	s5 =	simm.s32 $0xFFFFFFFF;
	p2 =	slt.u32 s8, $0xFFFFF086  }
0x1c: {  	p1 =	slt.u32 s9, $0xF7A;
	s5 =	simm.s32 @!p2 $0x0  }
0x1d: {  	s5 =	simm.s32 @p1 $0x1;
	p0 =	seq.s32 s7, s2  }
0x1e: {  	s7 =	smul.u32 @!p0 $0xF7A, s2;
	p2 =	seq.s32 @!p0 s5, $0x0  }
0x1f: {  	s9 =	smul.u32 $0xF7A, s1;
	s8 =	simm.s32 @!p0 $0x1BF5;
	p2 =	por !p2, p0  }
0x20: {  	[sflag:s8] =	ssyncset.s32 @!p0 $0xFFFFF086;
	s6 =	sadd.s32 @!p0 s3, s7;
	s7 =	simm.s32 @!p0 $0x108  }
0x21: {  	s3 =	sadd.s32 s3, s9;
	s6 =	sadd.s32 @!p0 $0x88, s6;
	s7 =	simm.s32 @p2 $0x1082  }
0x22: {  	[simem:s7], [sflag:s8] =	dma.local @!p0 [hbm:s6], $0xF7A  }
0x23: {  	s9 =	sor.u32 $0xD0000000, s2;
	s6 =	simm.s32 $0x108;
	_ =	swait.ge @!p0 [sflag:s8], $0x0  }
0x24: {  	s3 =	sadd.s32 $0x88, s3;
	s6 =	simm.s32 @!p1 $0x1082;
	[sflag:s4] =	ssyncset.s32 $0xFFFFF086  }
0x25: {  	[simem:s6], [sflag:s4] =	dma.local [hbm:s3], $0xF7A  }
0x26: {  	[smem:$0x3F9E] =	sst s1;
	(tag) =	ssettag s2;
	_ =	strace s9  }
0x27: {  	s1 =	sld [smem:$0x3FAE]  }
0x28: {  	s2 =	sld [smem:$0x3FAF]  }
0x29: {  	s4 =	sld [smem:$0x3FB1]  }
0x2a: {  	p0 =	seq.s32 s5, $0x0;
	s5 =	sld [smem:$0x3FB2]  }
0x2b: {  	s6 =	sld [smem:$0x3FB3]  }
0x2c: {  	s7 =	sld [smem:$0x3FB4]  }
0x2d: {  	s3 =	simm.s32 $0x108;
	s8 =	sld [smem:$0x3FB5]  }
0x2e: {  	s3 =	simm.s32 @!p0 $0x1082;
	s9 =	sld [smem:$0x3FB6]  }
0x2f: {  	lr =	sadd.s32 s0, s3;
	s0 =	sld [smem:$0x3FAD]  }
0x30: {  	s3 =	sld [smem:$0x3FB0]  }
0x31: {  	[smem:$0x3FB9] =	sst s10  }
0x32: {  	s10 =	sld [smem:$0x3FB7];
	_ =	sdelay $0x3  }
0x33: {  	p0 =	seq.s32 s10, $0x1;
	s10 =	sld [smem:$0x3FB9];
	_ =	sdelay $0x3  }
0x34: {  	[smem:$0x3FB9] =	sst s10  }
0x35: {  	s10 =	sld [smem:$0x3FB8];
	_ =	sdelay $0x3  }
0x36: {  	p1 =	seq.s32 s10, $0x1;
	s10 =	sld [smem:$0x3FB9];
	_ =	sdelay $0x3  }
0x37: {  	[smem:$0x3FB9] =	sst s10  }
0x38: {  	s10 =	sld [smem:$0x3FBA]  }
0x39: {  	_ = 	snop;
	(pc) =	sbr.ind lr, $3  }
0x3a: {  	_ = 	snop  }
0x3b: {  	_ = 	snop  }
0x3c: {  	p2 =	seq.s32 s10, $0x1;
	s10 =	sld [smem:$0x3FB9]  }
0x3d: {  	_ =	shalt  }
0x3e: {  	_ =	shalt  }
0x3f: {  	_ =	shalt  }
0x40: {  	_ =	shalt  }
0x41: {  	_ =	shalt  }
0x42: {  	_ =	shalt  }
0x43: {  	_ =	shalt  }
0x44: {  	_ =	shalt  }
0x45: {  	_ =	shalt  }
0x46: {  	_ =	shalt  }
0x47: {  	_ =	shalt  }
0x48: {  	_ =	shalt  }
0x49: {  	_ =	shalt  }
0x4a: {  	_ =	shalt  }
0x4b: {  	_ =	shalt  }
0x4c: {  	_ =	shalt  }
0x4d: {  	_ =	shalt  }
0x4e: {  	_ =	shalt  }
0x4f: {  	_ =	shalt  }
0x50: {  	_ =	shalt  }
0x51: {  	_ =	shalt  }
0x52: {  	_ =	shalt  }
0x53: {  	_ =	shalt  }
0x54: {  	_ =	shalt  }
0x55: {  	_ =	shalt  }
0x56: {  	_ =	shalt  }
0x57: {  	_ =	shalt  }
0x58: {  	_ =	shalt  }
0x59: {  	_ =	shalt  }
0x5a: {  	_ =	shalt  }
0x5b: {  	_ =	shalt  }
0x5c: {  	_ =	shalt  }
0x5d: {  	_ =	shalt  }
0x5e: {  	_ =	shalt  }
0x5f: {  	_ =	shalt  }
0x60: {  	_ =	shalt  }
0x61: {  	_ =	shalt  }
0x62: {  	_ =	shalt  }
0x63: {  	_ =	shalt  }
0x64: {  	_ =	shalt  }
0x65: {  	_ =	shalt  }
0x66: {  	_ =	shalt  }
0x67: {  	_ =	shalt  }
0x68: {  	_ =	shalt  }
0x69: {  	_ =	shalt  }
0x6a: {  	_ =	shalt  }
0x6b: {  	_ =	shalt  }
0x6c: {  	_ =	shalt  }
0x6d: {  	_ =	shalt  }
0x6e: {  	_ =	shalt  }
0x6f: {  	_ =	shalt  }
0x70: {  	_ =	shalt  }
0x71: {  	_ =	shalt  }
0x72: {  	_ =	shalt  }
0x73: {  	_ =	shalt  }
0x74: {  	_ =	shalt  }
0x75: {  	_ =	shalt  }
0x76: {  	_ =	shalt  }
0x77: {  	_ =	shalt  }
0x78: {  	_ =	shalt  }
0x79: {  	_ =	shalt  }
0x7a: {  	_ =	shalt  }
0x7b: {  	_ =	shalt  }
0x7c: {  	_ =	shalt  }
0x7d: {  	_ =	shalt  }
0x7e: {  	_ =	shalt  }
0x7f: {  	_ =	shalt  }
0x80: {  	_ =	shalt  }
0x81: {  	_ =	shalt  }
0x82: {  	_ =	shalt  }
0x83: {  	_ =	shalt  }
0x84: {  	_ =	shalt  }
0x85: {  	_ =	shalt  }
0x86: {  	_ =	shalt  }
0x87: {  	_ =	shalt  }
.Lfunc_end0:
.L_simem_size_0:
called_computation_lowered:
.L_overlay_start_0:
0x88: {  	s2 =	sld [smem:$0x3FD9]  }
0x89: {  	s3 =	sld [smem:$0x3FFE];
	_ =	sdelay $0x1  }
0x8a: {  	s1 =	srdreg.scid  }
0x8b: {  	s0 =	sand.u32 $0x1, s1  }
0x8c: {  	s16 =	sshll.u32 s0, $0xA;
	s2 =	sadd.s32 s3, s2  }
0x8d: {  	s2 =	sadd.s32 s2, s16  }
0x8e: {  	[smem:$0x3FC5] =	sst s2  }
0x8f: {  	_ = 	snop  }
0x90: {  	(tm) =	ssettm $0x1  }
0x91: {  	s17 =	sld [smem:$0x3FFB];
	_ =	sdelay $0x3  }
0x92: {  	_ =	strace s17  }
0x93: {  	s2 =	sld [smem:$0x3FFC];
	_ =	sdelay $0x3  }
0x94: {  	_ =	strace s2  }
0x95: {  	s2 =	sld [smem:$0x3FFD];
	_ =	sdelay $0x3  }
0x96: {  	_ =	strace s2  }
0x97: {  	_ =	strace $0x8FFFFFFF  }
0x98: {  	s18 =	sld [smem:$0x3FDB];
	_ =	sdelay $0x1  }
0x99: {  	s19 =	simm.s32 $_scs_section_size  }
0x9a: {  	s4 =	simm.s32 $_size__tile_overlayer_lowered;
	s5 =	simm.s32 $_tile_overlayer_lowered  }
0x9b: {  	s22 =	simm.s32 $0x1BFF;
	s21 =	sshll.u32 s5, $0x1;
	s2 =	sadd.s32 s19, s18  }
0x9c: {  	s6 =	simm.s32 $0x0;
	s20 =	sshll.u32 s4, $0x1;
	s4 =	sadd.s32 s21, s2  }
0x9d: {  	[timem:s6], [sflag:s22] =	dma.local [hbm:s4], s20  }
0x9e: {  	_ =	swait.ge [sflag:s22], s20  }
0x9f: {  	s3 =	ssub.s32 $0x0, s20;
	[sflag:s22] =	ssyncset.done $0x0  }
0xa0: {  	[sflag:s22] =	ssyncadd.s32 s3;
	_ =	sdelay $0x1  }
0xa1: {  	s23 =	simm.s32 $0x1B8B  }
0xa2: {  	_ =	swait.ge [sflag:s23], $0x1  }
0xa3: {  	[sflag:s23] =	ssyncset.done $0x0  }
0xa4: {  	s25 =	simm.s32 $0x1B8E;
	s24 =	sld [smem:$0x3FFE];
	[sflag:s23] =	ssyncadd.s32 $0xFFFFFFFF  }
0xa5: {  	s26 =	simm.s32 $execute0_lowered;
	[smem:$0x3FD2] =	sst s25  }
0xa6: {  	s4 =	sshll.u32 s26, $0x1;
	_ =	strace $0x80000046;
	[dreg:$0x1] =	wrdreg $0xFFFFFFFF  }
0xa7: {  	s28 =	simm.s32 $_size_execute0_lowered;
	s2 =	sadd.s32 s2, s4;
	[dreg:$0x0] =	wrdreg $0x0  }
0xa8: {  	s4 =	sshll.u32 s28, $0x1;
	[dreg:$0x2] =	wrdreg s2  }
0xa9: {  	[dreg:$0x3] =	wrdreg s4  }
0xaa: {  	[dreg:$0x4] =	wrdreg $0xC0  }
0xab: {  	_ =	task [dreg:s6], $0x5FFFF  }
0xac: {  	[dreg:$0x1] =	wrdreg $0xFFFFFFFF  }
0xad: {  	[dreg:$0x0] =	wrdreg $0x60  }
0xae: {  	[dreg:$0x2] =	wrdreg s24  }
0xaf: {  	[dreg:$0x3] =	wrdreg $0x9  }
0xb0: {  	_ =	task.clear_ibuf [dreg:s6], $0x4FFFF;
	_ =	strace $0x90000046  }
0xb1: {  	s29 =	simm.s32 $0x9;
	_ =	strace $0x80000048  }
0xb2: {  	_ =	swait.ge [sflag:s29], $0x1  }
0xb3: {  	[sflag:s29] =	ssyncadd.s32 $0xFFFFFFFF  }
0xb4: {  	_ =	strace $0x90000048  }
0xb5: {  	_ =	sfence  }
0xb6: {  	s30 =	sld [smem:$0x0];
	_ =	sdelay $0x2  }
0xb7: {  	s31 =	sshll.u32 s1, $0xD;
	s1 =	sshrl.u32 s1, $0x2  }
0xb8: {  	s3 =	sand.u32 $0x4000, s31;
	s1 =	sadd.s32 s1, s30  }
0xb9: {  	s0 =	sor.u32 s3, s0;
	s1 =	sshll.u32 s1, $0x11  }
0xba: {  	s0 =	sor.u32 s1, s0  }
0xbb: {  	s0 =	sadd.s32 $0x8F2B, s0  }
0xbc: {  	[sflag:s0] =	ssyncadd.remote.s32 $0x1  }
0xbd: {  	_ =	sfence.sel $0xFFFF  }
0xbe: {  	[dreg:$0x0] =	wrdreg $0xFFFFFFFF;
	(pc) =	sbr.abs _section_cstart, $3  }
0xbf: {  	[dreg:$0x1] =	wrdreg $0xFFFFFFFF  }
0xc0: {  	_ =	task.clear_ibuf [dreg:s6], $0x2FFFF;
	_ =	strace $0x9FFFFFFF  }
0xc1: {  	(tm) =	ssettm $0x7FFFFFFF  }
tec
execute0_lowered:
.L_overlay_start_1:
0x0: {  	(tag) =	ssettag $0x1  }
0x1: {  	s0 =	rddreg [dreg:$0x0];
	s1 =	simm.s32 $0x0  }
0x2: {  	s30 =	srdreg.scid;
	s4 =	stileid.u32;
	s14 =	simm.s32 $0x1  }
0x3: {  	s15 =	simm.s32 $0x4000;
	s16 =	simm.s32 $0x5000;
	s17 =	simm.s32 $0x6000  }
0x4: {  	s18 =	simm.s32 $0x7000;
	s19 =	simm.s32 $0x8C00;
	s20 =	simm.s32 $0x7700  }
0x5: {  	s21 =	simm.s32 $0x7E00;
	s22 =	simm.s32 $0x8500;
	s23 =	simm.s32 $0x0  }
0x6: {  	s24 =	simm.s32 $0x0;
	[smem:$0x7FF] =	sst s1;
	s2 =	sadd.s32 $0x2000, s0  }
0x7: {  	s3 =	sadd.s32 $0x1800, s0;
	s29 =	sadd.s32 $0x1600, s0;
	s5 =	sadd.s32 $0x1400, s0  }
0x8: {  	s7 =	sadd.s32 $0x1200, s0;
	s8 =	sadd.s32 $0x10000, s0;
	s9 =	sadd.s32 $0x1E000, s0  }
0x9: {  	_ =	strace $0x80000047;
	[dreg:$0x2] =	wrdreg s3;
	s3 =	sand.u32 $0x1, s30  }
0xa: {  	s10 =	sshll.u32 s4, $0x1;
	s13 =	smul.u32 $0x7000, s4;
	s6 =	ssub.s32 $0x2, s3  }
0xb: {  	s12 =	sor.u32 s3, s10;
	s3 =	smul.u32 $0x3800, s3;
	s11 =	sshrl.u32 s6, $0x1  }
0xc: {  	[dreg:$0x3] =	wrdreg s29;
	s10 =	sadd.s32 $0x2C000, s0;
	s31 =	ssub.s32 s6, s11  }
0xd: {  	v0 =	vimm.s32 $0x2000;
	vm0 =	vmxor vm0, vm0;
	vm1 =	vmmov $0x1;
	s11 =	smul.u32 $0x3800, s12;
	s13 =	sadd.s32 s3, s13;
	s12 =	smax.u32 s31, $0x1  }
.LBB2_1:
0xe: {  	s0 =	rddreg [dreg:$0x2]  }
0xf: {  	[tilespmem:s1], [sflag:$0x1] =	stream.linear.gather [hbm4b:s0+s1], $0x4000, $0x38;
	[tilespmem:$0x9C00] =	vst v63  }
0x10: {  	_ =	swait.ge [sflag:s14], $0x4000  }
0x11: {  	[sflag:s14] =	ssyncset.done $0x0  }
0x12: {  	s31 =	rddreg [dreg:$0x3];
	[sflag:s14] =	ssyncadd.s32 $0xFFFFC000  }
0x13: {  	[tilespmem:s15], [sflag:$0x1] =	stream.linear.gather [hbm4b:s31+s1], $0x1000, $0x38;
	[tilespmem:$0x9C00] =	vst v63  }
0x14: {  	_ =	swait.ge [sflag:s14], $0x1000  }
0x15: {  	[sflag:s14] =	ssyncset.done $0x0  }
0x16: {  	[sflag:s14] =	ssyncadd.s32 $0xFFFFF000  }
0x17: {  	[tilespmem:s16], [sflag:$0x1] =	stream.linear.gather [hbm4b:s5+s1], $0x1000, $0x38;
	[tilespmem:$0x9C00] =	vst v63  }
0x18: {  	_ =	swait.ge [sflag:s14], $0x1000  }
0x19: {  	[sflag:s14] =	ssyncset.done $0x0  }
0x1a: {  	[sflag:s14] =	ssyncadd.s32 $0xFFFFF000  }
0x1b: {  	[tilespmem:s17], [sflag:$0x1] =	stream.linear.gather [hbm4b:s7+s1], $0x1000, $0x38;
	[tilespmem:$0x9C00] =	vst v63  }
0x1c: {  	_ =	swait.ge [sflag:s14], $0x1000  }
0x1d: {  	[sflag:s14] =	ssyncset.done $0x0  }
0x1e: {  	s6 =	simm.s32 $0x0;
	s0 =	simm.s32 $0x40;
	[sflag:s14] =	ssyncadd.s32 $0xFFFFF000  }
.LBB2_2:
0x1f: {  	p0 =	sne.s32 s0, $0x3FC0;
	[tilespmem:s6+$0x8C00] =	vst v0;
	s3 =	smov.u32 s0;
	s0 =	sadd.s32 $0x40, s0  }
.Ltmp0:
0x20: {  	(pc) =	sbr.rel @p0 .LBB2_2-.Ltmp0, $2  }
0x21: {  	_ =	sdelay $0x2  }
0x22: {  	s6 =	sshra.s32 s3, $0x2  }
0x23: {  	[tilespmem:s6+$0x8C00] =	vst v0;
	s25 =	smov.u32 s13;
	s26 =	simm.s32 $0x0  }
.LBB2_4:
0x24: {  	s0 =	smul.u32 $0x700, s26;
	_ =	sdelay $0x1  }
0x25: {  	s0 =	sadd.s32 s11, s0  }
0x26: {  	s28 =	sshrl.u32 s0, $0x3  }
0x27: {  	s0 =	sadd.s32 s2, s28  }
0x28: {  	[tilespmem:s18], [sflag:$0x1] =	stream.linear.gather [hbm4b:s0+s24], $0x700, $0x38;
	[tilespmem:$0x9C00] =	vst v63  }
0x29: {  	_ =	swait.ge [sflag:s14], $0x700  }
0x2a: {  	[sflag:s14] =	ssyncset.done $0x0  }
0x2b: {  	s29 =	simm.s32 $0x0;
	[sflag:s14] =	ssyncadd.s32 $0xFFFFF900  }
0x2c: {  	v1 =	vld [tilespmem:s29+$0x7000];
	_ =	sdelay $0x1  }
0x2d: {  	s3 =	sshrl.u32 s25, $0x7  }
0x2e: {  	s0 =	smulhi.u32 $0x24924925, s3;
	_ =	sdelay $0x1  }
0x2f: {  	s3 =	smul.u32 $0x380, s0;
	_ =	sdelay $0x1  }
0x30: {  	s3 =	ssub.s32 s25, s3  }
0x31: {  	vm2 =	vmmov vm0;
	p0 =	seq.s32 s3, $0x0;
	v2 =	vld.idx.msk [tilespmem:v1+s1+$0x0], $0xffff  }
0x32: {  	vm2 =	vmneg @p0 vm2  }
0x33: {  	vm2 =	vmand vm2, vm1;
	_ =	sdelay $0x4  }
0x34: {  	v1 =	vmov s0  }
0x35: {  	[tilespmem:v2+s19+$0x0] =	vst.idx.msk vm2, v1  }
0x36: {  	v3 =	vld.idx.msk [tilespmem:v2+s19+$0x0], $0xffff;
	[tilespmem:v2+s19+$0x0] =	vst.idx.msk $0xffff, v1  }
0x37: {  	v1 =	vld.idx.msk [tilespmem:v2+s15+$0x0], $0xffff;
	_ =	sdelay $0x3  }
0x38: {  	p0 =	sgt.u32 s3, $0x35F;
	vm2 =	vmmov vm0  }
0x39: {  	vm2 =	vmneg @p0 vm2;
	vm3 =	veq.s32 v3, s0;
	v3 =	vadd.f32 $1.000000000e+03, v1  }
0x3a: {  	vm2 =	vmor vm2, vm3  }
0x3b: {  	v1 =	vsel vm2, v3, v1  }
0x3c: {  	[tilespmem:s29+$0x7700] =	vst v1  }
0x3d: {  	v3 =	vld.idx.msk [tilespmem:v2+s16+$0x0], $0xffff;
	_ =	sdelay $0x2  }
0x3e: {  	s6 =	simm.s32 $0x10  }
0x3f: {  	v1 =	vld [tilespmem:s6+$0x7000]  }
0x40: {  	s30 =	sadd.s32 $0x10, s25;
	[tilespmem:s29+$0x7E00] =	vst v3  }
0x41: {  	s4 =	sshrl.u32 s30, $0x7;
	v2 =	vld.idx.msk [tilespmem:v2+s17+$0x0], $0xffff  }
0x42: {  	s0 =	smulhi.u32 $0x24924925, s4;
	_ =	sdelay $0x1  }
0x43: {  	s31 =	simm.s32 $0x80;
	s3 =	smul.u32 $0x380, s0  }
.LBB2_5:
0x44: {  	p0 =	sne.s32 s31, $0x1BC0;
	s4 =	smov.u32 s31  }
0x45: {  	[tilespmem:s29+$0x8500] =	vst v2;
	s31 =	sadd.s32 $0x40, s31;
	s29 =	smov.u32 s6;
	s3 =	ssub.s32 s30, s3  }
0x46: {  	vm2 =	vmmov vm0;
	v2 =	vld.idx.msk [tilespmem:v1+s1+$0x0], $0xffff;
	p2 =	seq.s32 s3, $0x0;
	p1 =	sgt.u32 s3, $0x35F  }
0x47: {  	vm2 =	vmneg @p2 vm2  }
0x48: {  	vm2 =	vmand vm2, vm1;
	_ =	sdelay $0x4  }
0x49: {  	v1 =	vmov s0  }
0x4a: {  	[tilespmem:v2+s19+$0x0] =	vst.idx.msk vm2, v1  }
0x4b: {  	v3 =	vld.idx.msk [tilespmem:v2+s19+$0x0], $0xffff  }
0x4c: {  	[tilespmem:v2+s19+$0x0] =	vst.idx.msk $0xffff, v1  }
0x4d: {  	v1 =	vld.idx.msk [tilespmem:v2+s15+$0x0], $0xffff;
	_ =	sdelay $0x3  }
0x4e: {  	vm2 =	veq.s32 v3, s0  }
0x4f: {  	vm3 =	vmmov vm0  }
0x50: {  	vm3 =	vmneg @p1 vm3;
	v3 =	vadd.f32 $1.000000000e+03, v1  }
0x51: {  	vm2 =	vmor vm3, vm2  }
0x52: {  	v1 =	vsel vm2, v3, v1  }
0x53: {  	[tilespmem:s29+$0x7700] =	vst v1  }
0x54: {  	v3 =	vld.idx.msk [tilespmem:v2+s16+$0x0], $0xffff;
	_ =	sdelay $0x4  }
0x55: {  	s6 =	sshra.s32 s4, $0x2  }
0x56: {  	v1 =	vld [tilespmem:s6+$0x7000];
	[tilespmem:s29+$0x7E00] =	vst v3  }
.Ltmp1:
0x57: {  	s30 =	sadd.s32 $0x10, s30;
	v2 =	vld.idx.msk [tilespmem:v2+s17+$0x0], $0xffff;
	(pc) =	sbr.rel @p0 .LBB2_5-.Ltmp1, $3  }
0x58: {  	s0 =	sshrl.u32 s30, $0x7  }
0x59: {  	s0 =	smulhi.u32 $0x24924925, s0;
	_ =	sdelay $0x1  }
0x5a: {  	s3 =	smul.u32 $0x380, s0  }
0x5b: {  	_ =	sdelay $0x2  }
0x5c: {  	[tilespmem:s29+$0x8500] =	vst v2;
	s3 =	ssub.s32 s30, s3  }
0x5d: {  	vm2 =	vmmov vm0;
	v1 =	vld.idx.msk [tilespmem:v1+s1+$0x0], $0xffff;
	p0 =	seq.s32 s3, $0x0  }
0x5e: {  	vm2 =	vmneg @p0 vm2  }
0x5f: {  	vm2 =	vmand vm2, vm1;
	_ =	sdelay $0x4  }
0x60: {  	v2 =	vmov s0  }
0x61: {  	[tilespmem:v1+s19+$0x0] =	vst.idx.msk vm2, v2  }
0x62: {  	v3 =	vld.idx.msk [tilespmem:v1+s19+$0x0], $0xffff;
	[tilespmem:v1+s19+$0x0] =	vst.idx.msk $0xffff, v2  }
0x63: {  	v2 =	vld.idx.msk [tilespmem:v1+s15+$0x0], $0xffff;
	_ =	sdelay $0x3  }
0x64: {  	p0 =	sgt.u32 s3, $0x35F;
	vm2 =	vmmov vm0  }
0x65: {  	vm2 =	vmneg @p0 vm2;
	vm3 =	veq.s32 v3, s0;
	v3 =	vadd.f32 $1.000000000e+03, v2  }
0x66: {  	vm2 =	vmor vm2, vm3  }
0x67: {  	v2 =	vsel vm2, v3, v2  }
0x68: {  	[tilespmem:s6+$0x7700] =	vst v2  }
0x69: {  	v2 =	vld.idx.msk [tilespmem:v1+s16+$0x0], $0xffff;
	_ =	sdelay $0x4  }
0x6a: {  	[tilespmem:s6+$0x7E00] =	vst v2  }
0x6b: {  	v1 =	vld.idx.msk [tilespmem:v1+s17+$0x0], $0xffff;
	_ =	sdelay $0x4  }
0x6c: {  	s29 =	sadd.s32 s8, s28;
	[tilespmem:s6+$0x8500] =	vst v1  }
0x6d: {  	[hbm4b:s29+s1] =	stream.linear.scatter [tilespmem:s20], [sflag:$0x1], $0x700, $0x38;
	[tilespmem:$0x9C00] =	vst v63  }
0x6e: {  	_ =	swait.ge [sflag:s14], $0x700  }
0x6f: {  	[sflag:s14] =	ssyncset.done $0x0  }
0x70: {  	s30 =	sadd.s32 s9, s28;
	[sflag:s14] =	ssyncadd.s32 $0xFFFFF900  }
0x71: {  	[hbm4b:s30+s1] =	stream.linear.scatter [tilespmem:s21], [sflag:$0x1], $0x700, $0x38;
	[tilespmem:$0x9C00] =	vst v63  }
0x72: {  	s26 =	sadd.s32 $0x1, s26;
	_ =	swait.ge [sflag:s14], $0x700  }
0x73: {  	p0 =	sne.s32 s26, $0x8;
	[sflag:s14] =	ssyncset.done $0x0  }
.Ltmp2:
0x74: {  	s31 =	sadd.s32 s10, s28;
	[sflag:s14] =	ssyncadd.s32 $0xFFFFF900;
	(pc) =	sbr.rel @p0 .LBB2_4-.Ltmp2, $4  }
0x75: {  	[hbm4b:s31+s1] =	stream.linear.scatter [tilespmem:s22], [sflag:$0x1], $0x700, $0x38;
	[tilespmem:$0x9C00] =	vst v63  }
0x76: {  	_ =	swait.ge [sflag:s14], $0x700  }
0x77: {  	[sflag:s14] =	ssyncset.done $0x0  }
0x78: {  	s25 =	sadd.s32 $0x700, s25;
	[sflag:s14] =	ssyncadd.s32 $0xFFFFF900  }
0x79: {  	s23 =	sadd.s32 $0x1, s23  }
0x7a: {  	p0 =	sne.s32 s23, s12  }
.Ltmp3:
0x7b: {  	_ = 	snop;
	(pc) =	sbr.rel @p0 .LBB2_1-.Ltmp3, $1  }
0x7c: {  	_ =	sdelay $0x3  }
0x7d: {  	_ =	sfence.sel $0x180000  }
0x7e: {  	[bflag:$0x0] =	sbarrier.arrive $0xFFFF  }
0x7f: {  	_ =	strace $0x90000047  }
0x80: {  	s0 =	stileid.u32;
	[bflag:$0x2] =	sbarrier.arrive $0xFFFF  }
0x81: {  	p0 =	sne.s32 s0, $0x0;
	s0 =	rddreg [dreg:$0x1]  }
0x82: {  	s0 =	sadd.s32 @!p0 $0x100000, s0  }
0x83: {  	[sflag:s0] =	ssyncadd.tile.s32 @!p0 $0x1;
	_ =	shalt  }
.Lfunc_end2:
_tile_overlayer_lowered:
.L_overlay_start_2:
0x84: {  	(tag) =	ssettag $0x2  }
0x85: {  	s0 =	rddreg [dreg:$0x0];
	s2 =	stileid.u32  }
0x86: {  	s1 =	rddreg [dreg:$0x1];
	p0 =	sne.s32 s2, $0x0  }
0x87: {  	s3 =	rddreg [dreg:$0x2];
	[bflag:$0x3] =	sbarrier.arrive $0xFFFF;
	s2 =	simm.s32 @!p0 $0x1C01  }
0x88: {  	[timem:s3], [sflag:s2] =	dma.local @!p0 [hbm:s0], s1  }
0x89: {  	s0 =	simm.s32 @!p0 $0x1  }
0x8a: {  	_ =	swait.ge @!p0 [sflag:s0], s1  }
0x8b: {  	s1 =	ssub.s32 @!p0 $0x0, s1;
	[sflag:s0] =	ssyncset.done @!p0 $0x0  }
0x8c: {  	[sflag:s0] =	ssyncadd.s32 @!p0 s1  }
0x8d: {  	[bflag:$0x3] =	sbarrier.arrive $0xFFFF  }
0x8e: {  	_ =	shalt  }

</sc_bundles>
